<compile_context>
chip_gen: v7x
topology: tpu7x:2x2x1
jax: 0.10.2.dev20260603
libtpu: 0.0.44.dev20260713+nightly
codegen_flags: <defaults>
</compile_context>

<pallas_src>
import functools
import jax
import jax.numpy as jnp
from jax import lax
from jax.experimental import pallas as pl
from jax.experimental.pallas import tpu as pltpu
from jax.experimental.pallas import tpu_sc as plsc

_R = 16
_NX = 4
_NP = 2


def kernel(x, pe):
    batch, seq_len, d_model = x.shape
    n_rows = batch * seq_len
    x2 = x.reshape(n_rows, d_model)
    nw = 32
    seq_per_w = seq_len // nw
    n_chunks = seq_per_w // _R
    n_steps = n_chunks * batch

    mesh = plsc.VectorSubcoreMesh(
        core_axis_name="c", subcore_axis_name="s", num_cores=2, num_subcores=16
    )

    @functools.partial(
        pl.kernel,
        mesh=mesh,
        out_type=jax.ShapeDtypeStruct((n_rows, d_model), jnp.float32),
        scratch_types=[
            [pltpu.VMEM((_R, d_model), jnp.float32) for _ in range(_NX)],
            [pltpu.VMEM((_R, d_model), jnp.float32) for _ in range(_NP)],
            [pltpu.SemaphoreType.DMA for _ in range(_NX)],
            [pltpu.SemaphoreType.DMA for _ in range(_NP)],
            [pltpu.SemaphoreType.DMA for _ in range(_NX)],
        ],
    )
    def sc_add(x_hbm, pe_hbm, out_hbm, xb, peb, x_sems, pe_sems, st_sems):
        wid = lax.axis_index("s") * 2 + lax.axis_index("c")
        seq0 = wid * seq_per_w

        def xrow0(t):
            return (t % batch) * seq_len + seq0 + (t // batch) * _R

        def issue_x(t, sx):
            pltpu.async_copy(x_hbm.at[pl.ds(xrow0(t), _R)], xb[sx], x_sems[sx])

        def issue_pe(c, sp):
            pltpu.async_copy(
                pe_hbm.at[pl.ds(seq0 + c * _R, _R)], peb[sp], pe_sems[sp]
            )

        def wait(sems, slot, dst, src=None):
            pltpu.make_async_copy(
                x_hbm.at[pl.ds(0, _R)] if src is None else src, dst, sems[slot]
            ).wait()

        def compute(sx, sp):
            @pl.loop(0, _R)
            def row(r):
                @pl.loop(0, d_model // 16, unroll=8)
                def col(g):
                    sl = pl.ds(g * 16, 16)
                    plsc.addupdate(xb[sx].at[r, sl], peb[sp][r, sl])

        issue_pe(0, 0)
        issue_x(0, 0)
        issue_x(1, 1)

        @pl.loop(0, n_steps // 8)
        def outer(i):
            for u in range(8):
                t = i * 8 + u
                sx = u % _NX
                sp = u // 4
                c = t // batch

                nslot = (u + 2) % _NX

                @pl.when(t >= 2)
                def _():
                    wait(st_sems, nslot, xb[nslot])

                @pl.when(t + 2 < n_steps)
                def _():
                    issue_x(t + 2, nslot)

                if u % 4 == 0:
                    wait(pe_sems, sp, peb[sp])

                    @pl.when(c + 1 < n_chunks)
                    def _():
                        issue_pe(c + 1, (sp + 1) % _NP)

                wait(x_sems, sx, xb[sx])
                compute(sx, sp)
                pltpu.async_copy(
                    xb[sx], out_hbm.at[pl.ds(xrow0(t), _R)], st_sems[sx]
                )

        for t in (n_steps - 2, n_steps - 1):
            sx = t % _NX
            wait(st_sems, sx, xb[sx])

    out = sc_add(x2, pe)
    return out.reshape(batch, seq_len, d_model)

# --- scband reference (transcript-rebuilt; emitter-appended) ---
"""Pipeline reference for scband-learned-positional-encoding-3092376453326 (READ-ONLY COPY).

The authoritative reference and input builder live on the scoring server;
editing this copy changes nothing except your own understanding.
"""

import jax, jax.numpy as jnp
import numpy as np

BATCH = 4
SEQ_LEN = 8192
D_MODEL = 1024
MAX_LEN = 10000


def setup_inputs(seed: int = 0) -> dict:
    key = jax.random.key(seed)
    k1, k2 = jax.random.split(key)
    x = jax.random.normal(k1, (BATCH, SEQ_LEN, D_MODEL), dtype=jnp.float32)
    pe = jax.random.normal(k2, (MAX_LEN, D_MODEL), dtype=jnp.float32)
    return {"x": x, "pe": pe}


def reference(x, pe):
    batch, seq_len, d_model = x.shape
    positions = jnp.broadcast_to(jnp.arange(seq_len)[None, :], (batch, seq_len))
    pos_emb = jnp.take(pe, positions, axis=0)
    return x + pos_emb

if __name__ == "__main__":
    import jax
    _d = setup_inputs()
    print(jax.jit(kernel)(*tuple(_d.values())))

</pallas_src>

<mosaic_0001>
#map = affine_map<(d0, d1) -> (0, 0)>
module attributes {stable_mosaic.version = 14 : i64} {
  func.func @sc_add(%arg0: i32, %arg1: i32, %arg2: memref<32768x1024xf32, #tpu.memory_space<hbm>>, %arg3: memref<10000x1024xf32, #tpu.memory_space<hbm>>, %arg4: memref<32768x1024xf32, #tpu.memory_space<hbm>>, %arg5: memref<16x1024xf32, #tpu.memory_space<vmem>>, %arg6: memref<16x1024xf32, #tpu.memory_space<vmem>>, %arg7: memref<16x1024xf32, #tpu.memory_space<vmem>>, %arg8: memref<16x1024xf32, #tpu.memory_space<vmem>>, %arg9: memref<16x1024xf32, #tpu.memory_space<vmem>>, %arg10: memref<16x1024xf32, #tpu.memory_space<vmem>>, %arg11: memref<!tpu.dma_semaphore, #tpu.memory_space<semaphore_mem>>, %arg12: memref<!tpu.dma_semaphore, #tpu.memory_space<semaphore_mem>>, %arg13: memref<!tpu.dma_semaphore, #tpu.memory_space<semaphore_mem>>, %arg14: memref<!tpu.dma_semaphore, #tpu.memory_space<semaphore_mem>>, %arg15: memref<!tpu.dma_semaphore, #tpu.memory_space<semaphore_mem>>, %arg16: memref<!tpu.dma_semaphore, #tpu.memory_space<semaphore_mem>>, %arg17: memref<!tpu.dma_semaphore, #tpu.memory_space<semaphore_mem>>, %arg18: memref<!tpu.dma_semaphore, #tpu.memory_space<semaphore_mem>>, %arg19: memref<!tpu.dma_semaphore, #tpu.memory_space<semaphore_mem>>, %arg20: memref<!tpu.dma_semaphore, #tpu.memory_space<semaphore_mem>>) attributes {dimension_semantics = [#tpu.dimension_semantics<core_parallel>, #tpu.dimension_semantics<subcore_parallel>], iteration_bounds = array<i64: 2, 16>, scalar_prefetch = 0 : i64, scratch_operands = 16 : i64, tpu.core_type = #tpu.core_type<sc_vector_subcore>, window_params = [{transform_indices = #map}, {transform_indices = #map}, {transform_indices = #map}]} {
    %mul3A = arith.constant 2 : i32
    %mul3A_0 = arith.muli %arg1, %mul3A : i32
    %add3A = arith.addi %mul3A_0, %arg0 : i32
    %mul3A_1 = arith.constant 256 : i32
    %mul3A_2 = arith.muli %add3A, %mul3A_1 : i32
    %add3A_3 = arith.constant 0 : i32
    %add3A_4 = arith.addi %mul3A_2, %add3A_3 : i32
    %dma_start3A = arith.constant 0 : i32
    %dma_start3A_5 = tpu.memref_slice %arg3[%add3A_4, %dma_start3A] : memref<10000x1024xf32, #tpu.memory_space<hbm>> -> memref<16x1024xf32, #tpu.memory_space<hbm>>
    %dma_start3A_6 = arith.constant 0 : i32
    %dma_start3A_7 = tpu.memref_slice %arg3[%add3A_4, %dma_start3A_6] : memref<10000x1024xf32, #tpu.memory_space<hbm>> -> memref<16x1024xf32, #tpu.memory_space<hbm>>
    tpu.enqueue_dma source(%dma_start3A_7 : memref<16x1024xf32, #tpu.memory_space<hbm>>) target(%arg9 : memref<16x1024xf32, #tpu.memory_space<vmem>>) target_semaphore(%arg15 : memref<!tpu.dma_semaphore, #tpu.memory_space<semaphore_mem>>)
    %add3A_8 = arith.constant 0 : i32
    %add3A_9 = arith.addi %add3A_8, %mul3A_2 : i32
    %add3A_10 = arith.constant 0 : i32
    %add3A_11 = arith.addi %add3A_9, %add3A_10 : i32
    %dma_start3A_12 = arith.constant 0 : i32
    %dma_start3A_13 = tpu.memref_slice %arg2[%add3A_11, %dma_start3A_12] : memref<32768x1024xf32, #tpu.memory_space<hbm>> -> memref<16x1024xf32, #tpu.memory_space<hbm>>
    %dma_start3A_14 = arith.constant 0 : i32
    %dma_start3A_15 = tpu.memref_slice %arg2[%add3A_11, %dma_start3A_14] : memref<32768x1024xf32, #tpu.memory_space<hbm>> -> memref<16x1024xf32, #tpu.memory_space<hbm>>
    tpu.enqueue_dma source(%dma_start3A_15 : memref<16x1024xf32, #tpu.memory_space<hbm>>) target(%arg5 : memref<16x1024xf32, #tpu.memory_space<vmem>>) target_semaphore(%arg11 : memref<!tpu.dma_semaphore, #tpu.memory_space<semaphore_mem>>)
    %add3A_16 = arith.constant 8192 : i32
    %add3A_17 = arith.addi %add3A_16, %mul3A_2 : i32
    %add3A_18 = arith.constant 0 : i32
    %add3A_19 = arith.addi %add3A_17, %add3A_18 : i32
    %dma_start3A_20 = arith.constant 0 : i32
    %dma_start3A_21 = tpu.memref_slice %arg2[%add3A_19, %dma_start3A_20] : memref<32768x1024xf32, #tpu.memory_space<hbm>> -> memref<16x1024xf32, #tpu.memory_space<hbm>>
    %dma_start3A_22 = arith.constant 0 : i32
    %dma_start3A_23 = tpu.memref_slice %arg2[%add3A_19, %dma_start3A_22] : memref<32768x1024xf32, #tpu.memory_space<hbm>> -> memref<16x1024xf32, #tpu.memory_space<hbm>>
    tpu.enqueue_dma source(%dma_start3A_23 : memref<16x1024xf32, #tpu.memory_space<hbm>>) target(%arg6 : memref<16x1024xf32, #tpu.memory_space<vmem>>) target_semaphore(%arg12 : memref<!tpu.dma_semaphore, #tpu.memory_space<semaphore_mem>>)
    %scan3A = arith.constant 0 : i32
    %scan3A_24 = arith.constant 8 : i32
    %scan3A_25 = arith.addi %scan3A, %scan3A_24 : i32
    %scan3A_26 = arith.constant 1 : i32
    scf.for %scan3A_39 = %scan3A to %scan3A_25 step %scan3A_26  : i32 {
      %mul3A_40 = arith.constant 1 : i32
      %mul3A_41 = arith.muli %scan3A_39, %mul3A_40 : i32
      %add3A_42 = arith.constant 0 : i32
      %add3A_43 = arith.addi %add3A_42, %mul3A_41 : i32
      %mul3A_44 = arith.constant 8 : i32
      %mul3A_45 = arith.muli %add3A_43, %mul3A_44 : i32
      %add3A_46 = arith.constant 0 : i32
      %add3A_47 = arith.addi %mul3A_45, %add3A_46 : i32
      %jit3A = arith.constant 4 : i32
      %div3A = arith.divsi %add3A_47, %jit3A : i32
      %sign3A = arith.constant 0 : i32
      %sign3A_48 = arith.cmpi sgt, %add3A_47, %sign3A : i32
      %sign3A_49 = arith.extui %sign3A_48 : i1 to i32
      %sign3A_50 = arith.constant 0 : i32
      %sign3A_51 = arith.cmpi slt, %add3A_47, %sign3A_50 : i32
      %sign3A_52 = arith.extui %sign3A_51 : i1 to i32
      %sign3A_53 = arith.subi %sign3A_49, %sign3A_52 : i32
      %sign3A_54 = arith.constant 0 : i32
      %sign3A_55 = arith.cmpi sgt, %jit3A, %sign3A_54 : i32
      %sign3A_56 = arith.extui %sign3A_55 : i1 to i32
      %sign3A_57 = arith.constant 0 : i32
      %sign3A_58 = arith.cmpi slt, %jit3A, %sign3A_57 : i32
      %sign3A_59 = arith.extui %sign3A_58 : i1 to i32
      %sign3A_60 = arith.subi %sign3A_56, %sign3A_59 : i32
      %ne3A = arith.cmpi ne, %sign3A_53, %sign3A_60 : i32
      %rem3A = arith.remsi %add3A_47, %jit3A : i32
      %ne3A_61 = arith.constant 0 : i32
      %ne3A_62 = arith.cmpi ne, %rem3A, %ne3A_61 : i32
      %and3A = arith.andi %ne3A, %ne3A_62 : i1
      %sub3A = arith.constant 1 : i32
      %sub3A_63 = arith.subi %div3A, %sub3A : i32
      %select_n3A = arith.select %and3A, %sub3A_63, %div3A : i32
      %ge3A = arith.constant 2 : i32
      %ge3A_64 = arith.cmpi sge, %add3A_47, %ge3A : i32
      %convert_element_type3A = arith.extui %ge3A_64 : i1 to i32
      %cond3A = arith.constant 0 : i32
      %cond3A_65 = arith.cmpi ne, %convert_element_type3A, %cond3A : i32
      scf.if %cond3A_65 {
        %dma_wait3A_865 = arith.constant 0 : i32
        %dma_wait3A_866 = arith.constant 0 : i32
        %dma_wait3A_867 = tpu.memref_slice %arg2[%dma_wait3A_865, %dma_wait3A_866] : memref<32768x1024xf32, #tpu.memory_space<hbm>> -> memref<16x1024xf32, #tpu.memory_space<hbm>>
        %dma_wait3A_868 = arith.constant 0 : i32
        %dma_wait3A_869 = arith.constant 0 : i32
        %dma_wait3A_870 = tpu.memref_slice %arg2[%dma_wait3A_868, %dma_wait3A_869] : memref<32768x1024xf32, #tpu.memory_space<hbm>> -> memref<16x1024xf32, #tpu.memory_space<hbm>>
        tpu.wait_dma2 semaphore(%arg19 : memref<!tpu.dma_semaphore, #tpu.memory_space<semaphore_mem>>) src(%dma_wait3A_870 : memref<16x1024xf32, #tpu.memory_space<hbm>>) dst(%arg7 : memref<16x1024xf32, #tpu.memory_space<vmem>>)
      } else {
      }
      %add3A_66 = arith.constant 2 : i32
      %add3A_67 = arith.addi %add3A_47, %add3A_66 : i32
      %lt3A = arith.constant 64 : i32
      %lt3A_68 = arith.cmpi slt, %add3A_67, %lt3A : i32
      %convert_element_type3A_69 = arith.extui %lt3A_68 : i1 to i32
      %cond3A_70 = arith.constant 0 : i32
      %cond3A_71 = arith.cmpi ne, %convert_element_type3A_69, %cond3A_70 : i32
      scf.if %cond3A_71 {
        %add3A_865 = arith.constant 2 : i32
        %add3A_866 = arith.addi %add3A_47, %add3A_865 : i32
        %jit3A_867 = arith.constant 4 : i32
        %eq3A_868 = arith.constant 0 : i32
        %eq3A_869 = arith.cmpi eq, %jit3A_867, %eq3A_868 : i32
        %jit3A_870 = arith.constant 1 : i32
        %select_n3A_871 = arith.select %eq3A_869, %jit3A_870, %jit3A_867 : i32
        %rem3A_872 = arith.remsi %add3A_866, %select_n3A_871 : i32
        %ne3A_873 = arith.constant 0 : i32
        %ne3A_874 = arith.cmpi ne, %rem3A_872, %ne3A_873 : i32
        %lt3A_875 = arith.constant 0 : i32
        %lt3A_876 = arith.cmpi slt, %rem3A_872, %lt3A_875 : i32
        %lt3A_877 = arith.constant 0 : i32
        %lt3A_878 = arith.cmpi slt, %select_n3A_871, %lt3A_877 : i32
        %ne3A_879 = arith.xori %lt3A_876, %lt3A_878 : i1
        %and3A_880 = arith.andi %ne3A_879, %ne3A_874 : i1
        %add3A_881 = arith.addi %rem3A_872, %select_n3A_871 : i32
        %select_n3A_882 = arith.select %and3A_880, %add3A_881, %rem3A_872 : i32
        %mul3A_883 = arith.constant 8192 : i32
        %mul3A_884 = arith.muli %select_n3A_882, %mul3A_883 : i32
        %add3A_885 = arith.addi %mul3A_884, %mul3A_2 : i32
        %jit3A_886 = arith.constant 4 : i32
        %div3A_887 = arith.divsi %add3A_866, %jit3A_886 : i32
        %sign3A_888 = arith.constant 0 : i32
        %sign3A_889 = arith.cmpi sgt, %add3A_866, %sign3A_888 : i32
        %sign3A_890 = arith.extui %sign3A_889 : i1 to i32
        %sign3A_891 = arith.constant 0 : i32
        %sign3A_892 = arith.cmpi slt, %add3A_866, %sign3A_891 : i32
        %sign3A_893 = arith.extui %sign3A_892 : i1 to i32
        %sign3A_894 = arith.subi %sign3A_890, %sign3A_893 : i32
        %sign3A_895 = arith.constant 0 : i32
        %sign3A_896 = arith.cmpi sgt, %jit3A_886, %sign3A_895 : i32
        %sign3A_897 = arith.extui %sign3A_896 : i1 to i32
        %sign3A_898 = arith.constant 0 : i32
        %sign3A_899 = arith.cmpi slt, %jit3A_886, %sign3A_898 : i32
        %sign3A_900 = arith.extui %sign3A_899 : i1 to i32
        %sign3A_901 = arith.subi %sign3A_897, %sign3A_900 : i32
        %ne3A_902 = arith.cmpi ne, %sign3A_894, %sign3A_901 : i32
        %rem3A_903 = arith.remsi %add3A_866, %jit3A_886 : i32
        %ne3A_904 = arith.constant 0 : i32
        %ne3A_905 = arith.cmpi ne, %rem3A_903, %ne3A_904 : i32
        %and3A_906 = arith.andi %ne3A_902, %ne3A_905 : i1
        %sub3A_907 = arith.constant 1 : i32
        %sub3A_908 = arith.subi %div3A_887, %sub3A_907 : i32
        %select_n3A_909 = arith.select %and3A_906, %sub3A_908, %div3A_887 : i32
        %mul3A_910 = arith.constant 16 : i32
        %mul3A_911 = arith.muli %select_n3A_909, %mul3A_910 : i32
        %add3A_912 = arith.addi %add3A_885, %mul3A_911 : i32
        %dma_start3A_913 = arith.constant 0 : i32
        %dma_start3A_914 = tpu.memref_slice %arg2[%add3A_912, %dma_start3A_913] : memref<32768x1024xf32, #tpu.memory_space<hbm>> -> memref<16x1024xf32, #tpu.memory_space<hbm>>
        %dma_start3A_915 = arith.constant 0 : i32
        %dma_start3A_916 = tpu.memref_slice %arg2[%add3A_912, %dma_start3A_915] : memref<32768x1024xf32, #tpu.memory_space<hbm>> -> memref<16x1024xf32, #tpu.memory_space<hbm>>
        tpu.enqueue_dma source(%dma_start3A_916 : memref<16x1024xf32, #tpu.memory_space<hbm>>) target(%arg7 : memref<16x1024xf32, #tpu.memory_space<vmem>>) target_semaphore(%arg13 : memref<!tpu.dma_semaphore, #tpu.memory_space<semaphore_mem>>)
      } else {
      }
      %dma_wait3A_72 = arith.constant 0 : i32
      %dma_wait3A_73 = arith.constant 0 : i32
      %dma_wait3A_74 = tpu.memref_slice %arg2[%dma_wait3A_72, %dma_wait3A_73] : memref<32768x1024xf32, #tpu.memory_space<hbm>> -> memref<16x1024xf32, #tpu.memory_space<hbm>>
      %dma_wait3A_75 = arith.constant 0 : i32
      %dma_wait3A_76 = arith.constant 0 : i32
      %dma_wait3A_77 = tpu.memref_slice %arg2[%dma_wait3A_75, %dma_wait3A_76] : memref<32768x1024xf32, #tpu.memory_space<hbm>> -> memref<16x1024xf32, #tpu.memory_space<hbm>>
      tpu.wait_dma2 semaphore(%arg15 : memref<!tpu.dma_semaphore, #tpu.memory_space<semaphore_mem>>) src(%dma_wait3A_77 : memref<16x1024xf32, #tpu.memory_space<hbm>>) dst(%arg9 : memref<16x1024xf32, #tpu.memory_space<vmem>>)
      %add3A_78 = arith.constant 1 : i32
      %add3A_79 = arith.addi %select_n3A, %add3A_78 : i32
      %lt3A_80 = arith.constant 16 : i32
      %lt3A_81 = arith.cmpi slt, %add3A_79, %lt3A_80 : i32
      %convert_element_type3A_82 = arith.extui %lt3A_81 : i1 to i32
      %cond3A_83 = arith.constant 0 : i32
      %cond3A_84 = arith.cmpi ne, %convert_element_type3A_82, %cond3A_83 : i32
      scf.if %cond3A_84 {
        %add3A_865 = arith.constant 1 : i32
        %add3A_866 = arith.addi %select_n3A, %add3A_865 : i32
        %mul3A_867 = arith.constant 16 : i32
        %mul3A_868 = arith.muli %add3A_866, %mul3A_867 : i32
        %add3A_869 = arith.addi %mul3A_2, %mul3A_868 : i32
        %dma_start3A_870 = arith.constant 0 : i32
        %dma_start3A_871 = tpu.memref_slice %arg3[%add3A_869, %dma_start3A_870] : memref<10000x1024xf32, #tpu.memory_space<hbm>> -> memref<16x1024xf32, #tpu.memory_space<hbm>>
        %dma_start3A_872 = arith.constant 0 : i32
        %dma_start3A_873 = tpu.memref_slice %arg3[%add3A_869, %dma_start3A_872] : memref<10000x1024xf32, #tpu.memory_space<hbm>> -> memref<16x1024xf32, #tpu.memory_space<hbm>>
        tpu.enqueue_dma source(%dma_start3A_873 : memref<16x1024xf32, #tpu.memory_space<hbm>>) target(%arg10 : memref<16x1024xf32, #tpu.memory_space<vmem>>) target_semaphore(%arg16 : memref<!tpu.dma_semaphore, #tpu.memory_space<semaphore_mem>>)
      } else {
      }
      %dma_wait3A_85 = arith.constant 0 : i32
      %dma_wait3A_86 = arith.constant 0 : i32
      %dma_wait3A_87 = tpu.memref_slice %arg2[%dma_wait3A_85, %dma_wait3A_86] : memref<32768x1024xf32, #tpu.memory_space<hbm>> -> memref<16x1024xf32, #tpu.memory_space<hbm>>
      %dma_wait3A_88 = arith.constant 0 : i32
      %dma_wait3A_89 = arith.constant 0 : i32
      %dma_wait3A_90 = tpu.memref_slice %arg2[%dma_wait3A_88, %dma_wait3A_89] : memref<32768x1024xf32, #tpu.memory_space<hbm>> -> memref<16x1024xf32, #tpu.memory_space<hbm>>
      tpu.wait_dma2 semaphore(%arg11 : memref<!tpu.dma_semaphore, #tpu.memory_space<semaphore_mem>>) src(%dma_wait3A_90 : memref<16x1024xf32, #tpu.memory_space<hbm>>) dst(%arg5 : memref<16x1024xf32, #tpu.memory_space<vmem>>)
      %scan3A_91 = arith.constant 0 : i32
      %scan3A_92 = arith.constant 16 : i32
      %scan3A_93 = arith.addi %scan3A_91, %scan3A_92 : i32
      %scan3A_94 = arith.constant 1 : i32
      scf.for %scan3A_865 = %scan3A_91 to %scan3A_93 step %scan3A_94  : i32 {
        %mul3A_866 = arith.constant 1 : i32
        %mul3A_867 = arith.muli %scan3A_865, %mul3A_866 : i32
        %add3A_868 = arith.constant 0 : i32
        %add3A_869 = arith.addi %add3A_868, %mul3A_867 : i32
        %scan3A_870 = arith.constant 0 : i32
        %scan3A_871 = arith.constant 64 : i32
        %scan3A_872 = arith.addi %scan3A_870, %scan3A_871 : i32
        %scan3A_873 = arith.constant 8 : i32
        scf.for %scan3A_875 = %scan3A_870 to %scan3A_872 step %scan3A_873  : i32 {
          %mul3A_876 = arith.constant 1 : i32
          %mul3A_877 = arith.muli %scan3A_875, %mul3A_876 : i32
          %add3A_878 = arith.constant 0 : i32
          %add3A_879 = arith.addi %add3A_878, %mul3A_877 : i32
          %mul3A_880 = arith.constant 16 : i32
          %mul3A_881 = arith.muli %add3A_879, %mul3A_880 : i32
          %get3A = arith.index_cast %add3A_869 : i32 to index
          %get3A_882 = arith.index_cast %mul3A_881 : i32 to index
          %get3A_883 = tpu.vector_load %arg9[%get3A, %get3A_882] {strides = array<i32>} : memref<16x1024xf32, #tpu.memory_space<vmem>>, vector<1x16xf32>,
          %get3A_884 = vector.shape_cast %get3A_883 : vector<1x16xf32> to vector<16xf32>
          %swap3A = arith.index_cast %add3A_869 : i32 to index
          %swap3A_885 = arith.index_cast %mul3A_881 : i32 to index
          %swap3A_886 = tpu.vector_load %arg5[%swap3A, %swap3A_885] {strides = array<i32>} : memref<16x1024xf32, #tpu.memory_space<vmem>>, vector<1x16xf32>,
          %swap3A_887 = vector.shape_cast %swap3A_886 : vector<1x16xf32> to vector<16xf32>
          %swap3A_888 = vector.shape_cast %get3A_884 : vector<16xf32> to vector<1x16xf32>
          tpu.vector_store %arg5[%swap3A, %swap3A_885], %swap3A_888 {add = true, strides = array<i32>} : memref<16x1024xf32, #tpu.memory_space<vmem>>, vector<1x16xf32>,
          %scan3A_889 = arith.constant 1 : i32
          %scan3A_890 = arith.addi %scan3A_875, %scan3A_889 : i32
          %mul3A_891 = arith.constant 1 : i32
          %mul3A_892 = arith.muli %scan3A_890, %mul3A_891 : i32
          %add3A_893 = arith.constant 0 : i32
          %add3A_894 = arith.addi %add3A_893, %mul3A_892 : i32
          %mul3A_895 = arith.constant 16 : i32
          %mul3A_896 = arith.muli %add3A_894, %mul3A_895 : i32
          %get3A_897 = arith.index_cast %add3A_869 : i32 to index
          %get3A_898 = arith.index_cast %mul3A_896 : i32 to index
          %get3A_899 = tpu.vector_load %arg9[%get3A_897, %get3A_898] {strides = array<i32>} : memref<16x1024xf32, #tpu.memory_space<vmem>>, vector<1x16xf32>,
          %get3A_900 = vector.shape_cast %get3A_899 : vector<1x16xf32> to vector<16xf32>
          %swap3A_901 = arith.index_cast %add3A_869 : i32 to index
          %swap3A_902 = arith.index_cast %mul3A_896 : i32 to index
          %swap3A_903 = tpu.vector_load %arg5[%swap3A_901, %swap3A_902] {strides = array<i32>} : memref<16x1024xf32, #tpu.memory_space<vmem>>, vector<1x16xf32>,
          %swap3A_904 = vector.shape_cast %swap3A_903 : vector<1x16xf32> to vector<16xf32>
          %swap3A_905 = vector.shape_cast %get3A_900 : vector<16xf32> to vector<1x16xf32>
          tpu.vector_store %arg5[%swap3A_901, %swap3A_902], %swap3A_905 {add = true, strides = array<i32>} : memref<16x1024xf32, #tpu.memory_space<vmem>>, vector<1x16xf32>,
          %scan3A_906 = arith.constant 2 : i32
          %scan3A_907 = arith.addi %scan3A_875, %scan3A_906 : i32
          %mul3A_908 = arith.constant 1 : i32
          %mul3A_909 = arith.muli %scan3A_907, %mul3A_908 : i32
          %add3A_910 = arith.constant 0 : i32
          %add3A_911 = arith.addi %add3A_910, %mul3A_909 : i32
          %mul3A_912 = arith.constant 16 : i32
          %mul3A_913 = arith.muli %add3A_911, %mul3A_912 : i32
          %get3A_914 = arith.index_cast %add3A_869 : i32 to index
          %get3A_915 = arith.index_cast %mul3A_913 : i32 to index
          %get3A_916 = tpu.vector_load %arg9[%get3A_914, %get3A_915] {strides = array<i32>} : memref<16x1024xf32, #tpu.memory_space<vmem>>, vector<1x16xf32>,
          %get3A_917 = vector.shape_cast %get3A_916 : vector<1x16xf32> to vector<16xf32>
          %swap3A_918 = arith.index_cast %add3A_869 : i32 to index
          %swap3A_919 = arith.index_cast %mul3A_913 : i32 to index
          %swap3A_920 = tpu.vector_load %arg5[%swap3A_918, %swap3A_919] {strides = array<i32>} : memref<16x1024xf32, #tpu.memory_space<vmem>>, vector<1x16xf32>,
          %swap3A_921 = vector.shape_cast %swap3A_920 : vector<1x16xf32> to vector<16xf32>
          %swap3A_922 = vector.shape_cast %get3A_917 : vector<16xf32> to vector<1x16xf32>
          tpu.vector_store %arg5[%swap3A_918, %swap3A_919], %swap3A_922 {add = true, strides = array<i32>} : memref<16x1024xf32, #tpu.memory_space<vmem>>, vector<1x16xf32>,
          %scan3A_923 = arith.constant 3 : i32
          %scan3A_924 = arith.addi %scan3A_875, %scan3A_923 : i32
          %mul3A_925 = arith.constant 1 : i32
          %mul3A_926 = arith.muli %scan3A_924, %mul3A_925 : i32
          %add3A_927 = arith.constant 0 : i32
          %add3A_928 = arith.addi %add3A_927, %mul3A_926 : i32
          %mul3A_929 = arith.constant 16 : i32
          %mul3A_930 = arith.muli %add3A_928, %mul3A_929 : i32
          %get3A_931 = arith.index_cast %add3A_869 : i32 to index
          %get3A_932 = arith.index_cast %mul3A_930 : i32 to index
          %get3A_933 = tpu.vector_load %arg9[%get3A_931, %get3A_932] {strides = array<i32>} : memref<16x1024xf32, #tpu.memory_space<vmem>>, vector<1x16xf32>,
          %get3A_934 = vector.shape_cast %get3A_933 : vector<1x16xf32> to vector<16xf32>
          %swap3A_935 = arith.index_cast %add3A_869 : i32 to index
          %swap3A_936 = arith.index_cast %mul3A_930 : i32 to index
          %swap3A_937 = tpu.vector_load %arg5[%swap3A_935, %swap3A_936] {strides = array<i32>} : memref<16x1024xf32, #tpu.memory_space<vmem>>, vector<1x16xf32>,
          %swap3A_938 = vector.shape_cast %swap3A_937 : vector<1x16xf32> to vector<16xf32>
          %swap3A_939 = vector.shape_cast %get3A_934 : vector<16xf32> to vector<1x16xf32>
          tpu.vector_store %arg5[%swap3A_935, %swap3A_936], %swap3A_939 {add = true, strides = array<i32>} : memref<16x1024xf32, #tpu.memory_space<vmem>>, vector<1x16xf32>,
          %scan3A_940 = arith.constant 4 : i32
          %scan3A_941 = arith.addi %scan3A_875, %scan3A_940 : i32
          %mul3A_942 = arith.constant 1 : i32
          %mul3A_943 = arith.muli %scan3A_941, %mul3A_942 : i32
          %add3A_944 = arith.constant 0 : i32
          %add3A_945 = arith.addi %add3A_944, %mul3A_943 : i32
          %mul3A_946 = arith.constant 16 : i32
          %mul3A_947 = arith.muli %add3A_945, %mul3A_946 : i32
          %get3A_948 = arith.index_cast %add3A_869 : i32 to index
          %get3A_949 = arith.index_cast %mul3A_947 : i32 to index
          %get3A_950 = tpu.vector_load %arg9[%get3A_948, %get3A_949] {strides = array<i32>} : memref<16x1024xf32, #tpu.memory_space<vmem>>, vector<1x16xf32>,
          %get3A_951 = vector.shape_cast %get3A_950 : vector<1x16xf32> to vector<16xf32>
          %swap3A_952 = arith.index_cast %add3A_869 : i32 to index
          %swap3A_953 = arith.index_cast %mul3A_947 : i32 to index
          %swap3A_954 = tpu.vector_load %arg5[%swap3A_952, %swap3A_953] {strides = array<i32>} : memref<16x1024xf32, #tpu.memory_space<vmem>>, vector<1x16xf32>,
          %swap3A_955 = vector.shape_cast %swap3A_954 : vector<1x16xf32> to vector<16xf32>
          %swap3A_956 = vector.shape_cast %get3A_951 : vector<16xf32> to vector<1x16xf32>
          tpu.vector_store %arg5[%swap3A_952, %swap3A_953], %swap3A_956 {add = true, strides = array<i32>} : memref<16x1024xf32, #tpu.memory_space<vmem>>, vector<1x16xf32>,
          %scan3A_957 = arith.constant 5 : i32
          %scan3A_958 = arith.addi %scan3A_875, %scan3A_957 : i32
          %mul3A_959 = arith.constant 1 : i32
          %mul3A_960 = arith.muli %scan3A_958, %mul3A_959 : i32
          %add3A_961 = arith.constant 0 : i32
          %add3A_962 = arith.addi %add3A_961, %mul3A_960 : i32
          %mul3A_963 = arith.constant 16 : i32
          %mul3A_964 = arith.muli %add3A_962, %mul3A_963 : i32
          %get3A_965 = arith.index_cast %add3A_869 : i32 to index
          %get3A_966 = arith.index_cast %mul3A_964 : i32 to index
          %get3A_967 = tpu.vector_load %arg9[%get3A_965, %get3A_966] {strides = array<i32>} : memref<16x1024xf32, #tpu.memory_space<vmem>>, vector<1x16xf32>,
          %get3A_968 = vector.shape_cast %get3A_967 : vector<1x16xf32> to vector<16xf32>
          %swap3A_969 = arith.index_cast %add3A_869 : i32 to index
          %swap3A_970 = arith.index_cast %mul3A_964 : i32 to index
          %swap3A_971 = tpu.vector_load %arg5[%swap3A_969, %swap3A_970] {strides = array<i32>} : memref<16x1024xf32, #tpu.memory_space<vmem>>, vector<1x16xf32>,
          %swap3A_972 = vector.shape_cast %swap3A_971 : vector<1x16xf32> to vector<16xf32>
          %swap3A_973 = vector.shape_cast %get3A_968 : vector<16xf32> to vector<1x16xf32>
          tpu.vector_store %arg5[%swap3A_969, %swap3A_970], %swap3A_973 {add = true, strides = array<i32>} : memref<16x1024xf32, #tpu.memory_space<vmem>>, vector<1x16xf32>,
          %scan3A_974 = arith.constant 6 : i32
          %scan3A_975 = arith.addi %scan3A_875, %scan3A_974 : i32
          %mul3A_976 = arith.constant 1 : i32
          %mul3A_977 = arith.muli %scan3A_975, %mul3A_976 : i32
          %add3A_978 = arith.constant 0 : i32
          %add3A_979 = arith.addi %add3A_978, %mul3A_977 : i32
          %mul3A_980 = arith.constant 16 : i32
          %mul3A_981 = arith.muli %add3A_979, %mul3A_980 : i32
          %get3A_982 = arith.index_cast %add3A_869 : i32 to index
          %get3A_983 = arith.index_cast %mul3A_981 : i32 to index
          %get3A_984 = tpu.vector_load %arg9[%get3A_982, %get3A_983] {strides = array<i32>} : memref<16x1024xf32, #tpu.memory_space<vmem>>, vector<1x16xf32>,
          %get3A_985 = vector.shape_cast %get3A_984 : vector<1x16xf32> to vector<16xf32>
          %swap3A_986 = arith.index_cast %add3A_869 : i32 to index
          %swap3A_987 = arith.index_cast %mul3A_981 : i32 to index
          %swap3A_988 = tpu.vector_load %arg5[%swap3A_986, %swap3A_987] {strides = array<i32>} : memref<16x1024xf32, #tpu.memory_space<vmem>>, vector<1x16xf32>,
          %swap3A_989 = vector.shape_cast %swap3A_988 : vector<1x16xf32> to vector<16xf32>
          %swap3A_990 = vector.shape_cast %get3A_985 : vector<16xf32> to vector<1x16xf32>
          tpu.vector_store %arg5[%swap3A_986, %swap3A_987], %swap3A_990 {add = true, strides = array<i32>} : memref<16x1024xf32, #tpu.memory_space<vmem>>, vector<1x16xf32>,
          %scan3A_991 = arith.constant 7 : i32
          %scan3A_992 = arith.addi %scan3A_875, %scan3A_991 : i32
          %mul3A_993 = arith.constant 1 : i32
          %mul3A_994 = arith.muli %scan3A_992, %mul3A_993 : i32
          %add3A_995 = arith.constant 0 : i32
          %add3A_996 = arith.addi %add3A_995, %mul3A_994 : i32
          %mul3A_997 = arith.constant 16 : i32
          %mul3A_998 = arith.muli %add3A_996, %mul3A_997 : i32
          %get3A_999 = arith.index_cast %add3A_869 : i32 to index
          %get3A_1000 = arith.index_cast %mul3A_998 : i32 to index
          %get3A_1001 = tpu.vector_load %arg9[%get3A_999, %get3A_1000] {strides = array<i32>} : memref<16x1024xf32, #tpu.memory_space<vmem>>, vector<1x16xf32>,
          %get3A_1002 = vector.shape_cast %get3A_1001 : vector<1x16xf32> to vector<16xf32>
          %swap3A_1003 = arith.index_cast %add3A_869 : i32 to index
          %swap3A_1004 = arith.index_cast %mul3A_998 : i32 to index
          %swap3A_1005 = tpu.vector_load %arg5[%swap3A_1003, %swap3A_1004] {strides = array<i32>} : memref<16x1024xf32, #tpu.memory_space<vmem>>, vector<1x16xf32>,
          %swap3A_1006 = vector.shape_cast %swap3A_1005 : vector<1x16xf32> to vector<16xf32>
          %swap3A_1007 = vector.shape_cast %get3A_1002 : vector<16xf32> to vector<1x16xf32>
          tpu.vector_store %arg5[%swap3A_1003, %swap3A_1004], %swap3A_1007 {add = true, strides = array<i32>} : memref<16x1024xf32, #tpu.memory_space<vmem>>, vector<1x16xf32>,
        }
        %scan3A_874 = arith.constant 64 : i32
      }
      %scan3A_95 = arith.constant 16 : i32
      %jit3A_96 = arith.constant 4 : i32
      %eq3A = arith.constant 0 : i32
      %eq3A_97 = arith.cmpi eq, %jit3A_96, %eq3A : i32
      %jit3A_98 = arith.constant 1 : i32
      %select_n3A_99 = arith.select %eq3A_97, %jit3A_98, %jit3A_96 : i32
      %rem3A_100 = arith.remsi %add3A_47, %select_n3A_99 : i32
      %ne3A_101 = arith.constant 0 : i32
      %ne3A_102 = arith.cmpi ne, %rem3A_100, %ne3A_101 : i32
      %lt3A_103 = arith.constant 0 : i32
      %lt3A_104 = arith.cmpi slt, %rem3A_100, %lt3A_103 : i32
      %lt3A_105 = arith.constant 0 : i32
      %lt3A_106 = arith.cmpi slt, %select_n3A_99, %lt3A_105 : i32
      %ne3A_107 = arith.xori %lt3A_104, %lt3A_106 : i1
      %and3A_108 = arith.andi %ne3A_107, %ne3A_102 : i1
      %add3A_109 = arith.addi %rem3A_100, %select_n3A_99 : i32
      %select_n3A_110 = arith.select %and3A_108, %add3A_109, %rem3A_100 : i32
      %mul3A_111 = arith.constant 8192 : i32
      %mul3A_112 = arith.muli %select_n3A_110, %mul3A_111 : i32
      %add3A_113 = arith.addi %mul3A_112, %mul3A_2 : i32
      %jit3A_114 = arith.constant 4 : i32
      %div3A_115 = arith.divsi %add3A_47, %jit3A_114 : i32
      %sign3A_116 = arith.constant 0 : i32
      %sign3A_117 = arith.cmpi sgt, %add3A_47, %sign3A_116 : i32
      %sign3A_118 = arith.extui %sign3A_117 : i1 to i32
      %sign3A_119 = arith.constant 0 : i32
      %sign3A_120 = arith.cmpi slt, %add3A_47, %sign3A_119 : i32
      %sign3A_121 = arith.extui %sign3A_120 : i1 to i32
      %sign3A_122 = arith.subi %sign3A_118, %sign3A_121 : i32
      %sign3A_123 = arith.constant 0 : i32
      %sign3A_124 = arith.cmpi sgt, %jit3A_114, %sign3A_123 : i32
      %sign3A_125 = arith.extui %sign3A_124 : i1 to i32
      %sign3A_126 = arith.constant 0 : i32
      %sign3A_127 = arith.cmpi slt, %jit3A_114, %sign3A_126 : i32
      %sign3A_128 = arith.extui %sign3A_127 : i1 to i32
      %sign3A_129 = arith.subi %sign3A_125, %sign3A_128 : i32
      %ne3A_130 = arith.cmpi ne, %sign3A_122, %sign3A_129 : i32
      %rem3A_131 = arith.remsi %add3A_47, %jit3A_114 : i32
      %ne3A_132 = arith.constant 0 : i32
      %ne3A_133 = arith.cmpi ne, %rem3A_131, %ne3A_132 : i32
      %and3A_134 = arith.andi %ne3A_130, %ne3A_133 : i1
      %sub3A_135 = arith.constant 1 : i32
      %sub3A_136 = arith.subi %div3A_115, %sub3A_135 : i32
      %select_n3A_137 = arith.select %and3A_134, %sub3A_136, %div3A_115 : i32
      %mul3A_138 = arith.constant 16 : i32
      %mul3A_139 = arith.muli %select_n3A_137, %mul3A_138 : i32
      %add3A_140 = arith.addi %add3A_113, %mul3A_139 : i32
      %dma_start3A_141 = arith.constant 0 : i32
      %dma_start3A_142 = tpu.memref_slice %arg4[%add3A_140, %dma_start3A_141] : memref<32768x1024xf32, #tpu.memory_space<hbm>> -> memref<16x1024xf32, #tpu.memory_space<hbm>>
      %dma_start3A_143 = arith.constant 0 : i32
      %dma_start3A_144 = tpu.memref_slice %arg4[%add3A_140, %dma_start3A_143] : memref<32768x1024xf32, #tpu.memory_space<hbm>> -> memref<16x1024xf32, #tpu.memory_space<hbm>>
      tpu.enqueue_dma source(%arg5 : memref<16x1024xf32, #tpu.memory_space<vmem>>) target(%dma_start3A_144 : memref<16x1024xf32, #tpu.memory_space<hbm>>) target_semaphore(%arg17 : memref<!tpu.dma_semaphore, #tpu.memory_space<semaphore_mem>>)
      %mul3A_145 = arith.constant 8 : i32
      %mul3A_146 = arith.muli %add3A_43, %mul3A_145 : i32
      %add3A_147 = arith.constant 1 : i32
      %add3A_148 = arith.addi %mul3A_146, %add3A_147 : i32
      %jit3A_149 = arith.constant 4 : i32
      %div3A_150 = arith.divsi %add3A_148, %jit3A_149 : i32
      %sign3A_151 = arith.constant 0 : i32
      %sign3A_152 = arith.cmpi sgt, %add3A_148, %sign3A_151 : i32
      %sign3A_153 = arith.extui %sign3A_152 : i1 to i32
      %sign3A_154 = arith.constant 0 : i32
      %sign3A_155 = arith.cmpi slt, %add3A_148, %sign3A_154 : i32
      %sign3A_156 = arith.extui %sign3A_155 : i1 to i32
      %sign3A_157 = arith.subi %sign3A_153, %sign3A_156 : i32
      %sign3A_158 = arith.constant 0 : i32
      %sign3A_159 = arith.cmpi sgt, %jit3A_149, %sign3A_158 : i32
      %sign3A_160 = arith.extui %sign3A_159 : i1 to i32
      %sign3A_161 = arith.constant 0 : i32
      %sign3A_162 = arith.cmpi slt, %jit3A_149, %sign3A_161 : i32
      %sign3A_163 = arith.extui %sign3A_162 : i1 to i32
      %sign3A_164 = arith.subi %sign3A_160, %sign3A_163 : i32
      %ne3A_165 = arith.cmpi ne, %sign3A_157, %sign3A_164 : i32
      %rem3A_166 = arith.remsi %add3A_148, %jit3A_149 : i32
      %ne3A_167 = arith.constant 0 : i32
      %ne3A_168 = arith.cmpi ne, %rem3A_166, %ne3A_167 : i32
      %and3A_169 = arith.andi %ne3A_165, %ne3A_168 : i1
      %sub3A_170 = arith.constant 1 : i32
      %sub3A_171 = arith.subi %div3A_150, %sub3A_170 : i32
      %select_n3A_172 = arith.select %and3A_169, %sub3A_171, %div3A_150 : i32
      %ge3A_173 = arith.constant 2 : i32
      %ge3A_174 = arith.cmpi sge, %add3A_148, %ge3A_173 : i32
      %convert_element_type3A_175 = arith.extui %ge3A_174 : i1 to i32
      %cond3A_176 = arith.constant 0 : i32
      %cond3A_177 = arith.cmpi ne, %convert_element_type3A_175, %cond3A_176 : i32
      scf.if %cond3A_177 {
        %dma_wait3A_865 = arith.constant 0 : i32
        %dma_wait3A_866 = arith.constant 0 : i32
        %dma_wait3A_867 = tpu.memref_slice %arg2[%dma_wait3A_865, %dma_wait3A_866] : memref<32768x1024xf32, #tpu.memory_space<hbm>> -> memref<16x1024xf32, #tpu.memory_space<hbm>>
        %dma_wait3A_868 = arith.constant 0 : i32
        %dma_wait3A_869 = arith.constant 0 : i32
        %dma_wait3A_870 = tpu.memref_slice %arg2[%dma_wait3A_868, %dma_wait3A_869] : memref<32768x1024xf32, #tpu.memory_space<hbm>> -> memref<16x1024xf32, #tpu.memory_space<hbm>>
        tpu.wait_dma2 semaphore(%arg20 : memref<!tpu.dma_semaphore, #tpu.memory_space<semaphore_mem>>) src(%dma_wait3A_870 : memref<16x1024xf32, #tpu.memory_space<hbm>>) dst(%arg8 : memref<16x1024xf32, #tpu.memory_space<vmem>>)
      } else {
      }
      %add3A_178 = arith.constant 2 : i32
      %add3A_179 = arith.addi %add3A_148, %add3A_178 : i32
      %lt3A_180 = arith.constant 64 : i32
      %lt3A_181 = arith.cmpi slt, %add3A_179, %lt3A_180 : i32
      %convert_element_type3A_182 = arith.extui %lt3A_181 : i1 to i32
      %cond3A_183 = arith.constant 0 : i32
      %cond3A_184 = arith.cmpi ne, %convert_element_type3A_182, %cond3A_183 : i32
      scf.if %cond3A_184 {
        %add3A_865 = arith.constant 2 : i32
        %add3A_866 = arith.addi %add3A_148, %add3A_865 : i32
        %jit3A_867 = arith.constant 4 : i32
        %eq3A_868 = arith.constant 0 : i32
        %eq3A_869 = arith.cmpi eq, %jit3A_867, %eq3A_868 : i32
        %jit3A_870 = arith.constant 1 : i32
        %select_n3A_871 = arith.select %eq3A_869, %jit3A_870, %jit3A_867 : i32
        %rem3A_872 = arith.remsi %add3A_866, %select_n3A_871 : i32
        %ne3A_873 = arith.constant 0 : i32
        %ne3A_874 = arith.cmpi ne, %rem3A_872, %ne3A_873 : i32
        %lt3A_875 = arith.constant 0 : i32
        %lt3A_876 = arith.cmpi slt, %rem3A_872, %lt3A_875 : i32
        %lt3A_877 = arith.constant 0 : i32
        %lt3A_878 = arith.cmpi slt, %select_n3A_871, %lt3A_877 : i32
        %ne3A_879 = arith.xori %lt3A_876, %lt3A_878 : i1
        %and3A_880 = arith.andi %ne3A_879, %ne3A_874 : i1
        %add3A_881 = arith.addi %rem3A_872, %select_n3A_871 : i32
        %select_n3A_882 = arith.select %and3A_880, %add3A_881, %rem3A_872 : i32
        %mul3A_883 = arith.constant 8192 : i32
        %mul3A_884 = arith.muli %select_n3A_882, %mul3A_883 : i32
        %add3A_885 = arith.addi %mul3A_884, %mul3A_2 : i32
        %jit3A_886 = arith.constant 4 : i32
        %div3A_887 = arith.divsi %add3A_866, %jit3A_886 : i32
        %sign3A_888 = arith.constant 0 : i32
        %sign3A_889 = arith.cmpi sgt, %add3A_866, %sign3A_888 : i32
        %sign3A_890 = arith.extui %sign3A_889 : i1 to i32
        %sign3A_891 = arith.constant 0 : i32
        %sign3A_892 = arith.cmpi slt, %add3A_866, %sign3A_891 : i32
        %sign3A_893 = arith.extui %sign3A_892 : i1 to i32
        %sign3A_894 = arith.subi %sign3A_890, %sign3A_893 : i32
        %sign3A_895 = arith.constant 0 : i32
        %sign3A_896 = arith.cmpi sgt, %jit3A_886, %sign3A_895 : i32
        %sign3A_897 = arith.extui %sign3A_896 : i1 to i32
        %sign3A_898 = arith.constant 0 : i32
        %sign3A_899 = arith.cmpi slt, %jit3A_886, %sign3A_898 : i32
        %sign3A_900 = arith.extui %sign3A_899 : i1 to i32
        %sign3A_901 = arith.subi %sign3A_897, %sign3A_900 : i32
        %ne3A_902 = arith.cmpi ne, %sign3A_894, %sign3A_901 : i32
        %rem3A_903 = arith.remsi %add3A_866, %jit3A_886 : i32
        %ne3A_904 = arith.constant 0 : i32
        %ne3A_905 = arith.cmpi ne, %rem3A_903, %ne3A_904 : i32
        %and3A_906 = arith.andi %ne3A_902, %ne3A_905 : i1
        %sub3A_907 = arith.constant 1 : i32
        %sub3A_908 = arith.subi %div3A_887, %sub3A_907 : i32
        %select_n3A_909 = arith.select %and3A_906, %sub3A_908, %div3A_887 : i32
        %mul3A_910 = arith.constant 16 : i32
        %mul3A_911 = arith.muli %select_n3A_909, %mul3A_910 : i32
        %add3A_912 = arith.addi %add3A_885, %mul3A_911 : i32
        %dma_start3A_913 = arith.constant 0 : i32
        %dma_start3A_914 = tpu.memref_slice %arg2[%add3A_912, %dma_start3A_913] : memref<32768x1024xf32, #tpu.memory_space<hbm>> -> memref<16x1024xf32, #tpu.memory_space<hbm>>
        %dma_start3A_915 = arith.constant 0 : i32
        %dma_start3A_916 = tpu.memref_slice %arg2[%add3A_912, %dma_start3A_915] : memref<32768x1024xf32, #tpu.memory_space<hbm>> -> memref<16x1024xf32, #tpu.memory_space<hbm>>
        tpu.enqueue_dma source(%dma_start3A_916 : memref<16x1024xf32, #tpu.memory_space<hbm>>) target(%arg8 : memref<16x1024xf32, #tpu.memory_space<vmem>>) target_semaphore(%arg14 : memref<!tpu.dma_semaphore, #tpu.memory_space<semaphore_mem>>)
      } else {
      }
      %dma_wait3A_185 = arith.constant 0 : i32
      %dma_wait3A_186 = arith.constant 0 : i32
      %dma_wait3A_187 = tpu.memref_slice %arg2[%dma_wait3A_185, %dma_wait3A_186] : memref<32768x1024xf32, #tpu.memory_space<hbm>> -> memref<16x1024xf32, #tpu.memory_space<hbm>>
      %dma_wait3A_188 = arith.constant 0 : i32
      %dma_wait3A_189 = arith.constant 0 : i32
      %dma_wait3A_190 = tpu.memref_slice %arg2[%dma_wait3A_188, %dma_wait3A_189] : memref<32768x1024xf32, #tpu.memory_space<hbm>> -> memref<16x1024xf32, #tpu.memory_space<hbm>>
      tpu.wait_dma2 semaphore(%arg12 : memref<!tpu.dma_semaphore, #tpu.memory_space<semaphore_mem>>) src(%dma_wait3A_190 : memref<16x1024xf32, #tpu.memory_space<hbm>>) dst(%arg6 : memref<16x1024xf32, #tpu.memory_space<vmem>>)
      %scan3A_191 = arith.constant 0 : i32
      %scan3A_192 = arith.constant 16 : i32
      %scan3A_193 = arith.addi %scan3A_191, %scan3A_192 : i32
      %scan3A_194 = arith.constant 1 : i32
      scf.for %scan3A_865 = %scan3A_191 to %scan3A_193 step %scan3A_194  : i32 {
        %mul3A_866 = arith.constant 1 : i32
        %mul3A_867 = arith.muli %scan3A_865, %mul3A_866 : i32
        %add3A_868 = arith.constant 0 : i32
        %add3A_869 = arith.addi %add3A_868, %mul3A_867 : i32
        %scan3A_870 = arith.constant 0 : i32
        %scan3A_871 = arith.constant 64 : i32
        %scan3A_872 = arith.addi %scan3A_870, %scan3A_871 : i32
        %scan3A_873 = arith.constant 8 : i32
        scf.for %scan3A_875 = %scan3A_870 to %scan3A_872 step %scan3A_873  : i32 {
          %mul3A_876 = arith.constant 1 : i32
          %mul3A_877 = arith.muli %scan3A_875, %mul3A_876 : i32
          %add3A_878 = arith.constant 0 : i32
          %add3A_879 = arith.addi %add3A_878, %mul3A_877 : i32
          %mul3A_880 = arith.constant 16 : i32
          %mul3A_881 = arith.muli %add3A_879, %mul3A_880 : i32
          %get3A = arith.index_cast %add3A_869 : i32 to index
          %get3A_882 = arith.index_cast %mul3A_881 : i32 to index
          %get3A_883 = tpu.vector_load %arg9[%get3A, %get3A_882] {strides = array<i32>} : memref<16x1024xf32, #tpu.memory_space<vmem>>, vector<1x16xf32>,
          %get3A_884 = vector.shape_cast %get3A_883 : vector<1x16xf32> to vector<16xf32>
          %swap3A = arith.index_cast %add3A_869 : i32 to index
          %swap3A_885 = arith.index_cast %mul3A_881 : i32 to index
          %swap3A_886 = tpu.vector_load %arg6[%swap3A, %swap3A_885] {strides = array<i32>} : memref<16x1024xf32, #tpu.memory_space<vmem>>, vector<1x16xf32>,
          %swap3A_887 = vector.shape_cast %swap3A_886 : vector<1x16xf32> to vector<16xf32>
          %swap3A_888 = vector.shape_cast %get3A_884 : vector<16xf32> to vector<1x16xf32>
          tpu.vector_store %arg6[%swap3A, %swap3A_885], %swap3A_888 {add = true, strides = array<i32>} : memref<16x1024xf32, #tpu.memory_space<vmem>>, vector<1x16xf32>,
          %scan3A_889 = arith.constant 1 : i32
          %scan3A_890 = arith.addi %scan3A_875, %scan3A_889 : i32
          %mul3A_891 = arith.constant 1 : i32
          %mul3A_892 = arith.muli %scan3A_890, %mul3A_891 : i32
          %add3A_893 = arith.constant 0 : i32
          %add3A_894 = arith.addi %add3A_893, %mul3A_892 : i32
          %mul3A_895 = arith.constant 16 : i32
          %mul3A_896 = arith.muli %add3A_894, %mul3A_895 : i32
          %get3A_897 = arith.index_cast %add3A_869 : i32 to index
          %get3A_898 = arith.index_cast %mul3A_896 : i32 to index
          %get3A_899 = tpu.vector_load %arg9[%get3A_897, %get3A_898] {strides = array<i32>} : memref<16x1024xf32, #tpu.memory_space<vmem>>, vector<1x16xf32>,
          %get3A_900 = vector.shape_cast %get3A_899 : vector<1x16xf32> to vector<16xf32>
          %swap3A_901 = arith.index_cast %add3A_869 : i32 to index
          %swap3A_902 = arith.index_cast %mul3A_896 : i32 to index
          %swap3A_903 = tpu.vector_load %arg6[%swap3A_901, %swap3A_902] {strides = array<i32>} : memref<16x1024xf32, #tpu.memory_space<vmem>>, vector<1x16xf32>,
          %swap3A_904 = vector.shape_cast %swap3A_903 : vector<1x16xf32> to vector<16xf32>
          %swap3A_905 = vector.shape_cast %get3A_900 : vector<16xf32> to vector<1x16xf32>
          tpu.vector_store %arg6[%swap3A_901, %swap3A_902], %swap3A_905 {add = true, strides = array<i32>} : memref<16x1024xf32, #tpu.memory_space<vmem>>, vector<1x16xf32>,
          %scan3A_906 = arith.constant 2 : i32
          %scan3A_907 = arith.addi %scan3A_875, %scan3A_906 : i32
          %mul3A_908 = arith.constant 1 : i32
          %mul3A_909 = arith.muli %scan3A_907, %mul3A_908 : i32
          %add3A_910 = arith.constant 0 : i32
          %add3A_911 = arith.addi %add3A_910, %mul3A_909 : i32
          %mul3A_912 = arith.constant 16 : i32
          %mul3A_913 = arith.muli %add3A_911, %mul3A_912 : i32
          %get3A_914 = arith.index_cast %add3A_869 : i32 to index
          %get3A_915 = arith.index_cast %mul3A_913 : i32 to index
          %get3A_916 = tpu.vector_load %arg9[%get3A_914, %get3A_915] {strides = array<i32>} : memref<16x1024xf32, #tpu.memory_space<vmem>>, vector<1x16xf32>,
          %get3A_917 = vector.shape_cast %get3A_916 : vector<1x16xf32> to vector<16xf32>
          %swap3A_918 = arith.index_cast %add3A_869 : i32 to index
          %swap3A_919 = arith.index_cast %mul3A_913 : i32 to index
          %swap3A_920 = tpu.vector_load %arg6[%swap3A_918, %swap3A_919] {strides = array<i32>} : memref<16x1024xf32, #tpu.memory_space<vmem>>, vector<1x16xf32>,
          %swap3A_921 = vector.shape_cast %swap3A_920 : vector<1x16xf32> to vector<16xf32>
          %swap3A_922 = vector.shape_cast %get3A_917 : vector<16xf32> to vector<1x16xf32>
          tpu.vector_store %arg6[%swap3A_918, %swap3A_919], %swap3A_922 {add = true, strides = array<i32>} : memref<16x1024xf32, #tpu.memory_space<vmem>>, vector<1x16xf32>,
          %scan3A_923 = arith.constant 3 : i32
          %scan3A_924 = arith.addi %scan3A_875, %scan3A_923 : i32
          %mul3A_925 = arith.constant 1 : i32
          %mul3A_926 = arith.muli %scan3A_924, %mul3A_925 : i32
          %add3A_927 = arith.constant 0 : i32
          %add3A_928 = arith.addi %add3A_927, %mul3A_926 : i32
          %mul3A_929 = arith.constant 16 : i32
          %mul3A_930 = arith.muli %add3A_928, %mul3A_929 : i32
          %get3A_931 = arith.index_cast %add3A_869 : i32 to index
          %get3A_932 = arith.index_cast %mul3A_930 : i32 to index
          %get3A_933 = tpu.vector_load %arg9[%get3A_931, %get3A_932] {strides = array<i32>} : memref<16x1024xf32, #tpu.memory_space<vmem>>, vector<1x16xf32>,
          %get3A_934 = vector.shape_cast %get3A_933 : vector<1x16xf32> to vector<16xf32>
          %swap3A_935 = arith.index_cast %add3A_869 : i32 to index
          %swap3A_936 = arith.index_cast %mul3A_930 : i32 to index
          %swap3A_937 = tpu.vector_load %arg6[%swap3A_935, %swap3A_936] {strides = array<i32>} : memref<16x1024xf32, #tpu.memory_space<vmem>>, vector<1x16xf32>,
          %swap3A_938 = vector.shape_cast %swap3A_937 : vector<1x16xf32> to vector<16xf32>
          %swap3A_939 = vector.shape_cast %get3A_934 : vector<16xf32> to vector<1x16xf32>
          tpu.vector_store %arg6[%swap3A_935, %swap3A_936], %swap3A_939 {add = true, strides = array<i32>} : memref<16x1024xf32, #tpu.memory_space<vmem>>, vector<1x16xf32>,
          %scan3A_940 = arith.constant 4 : i32
          %scan3A_941 = arith.addi %scan3A_875, %scan3A_940 : i32
          %mul3A_942 = arith.constant 1 : i32
          %mul3A_943 = arith.muli %scan3A_941, %mul3A_942 : i32
          %add3A_944 = arith.constant 0 : i32
          %add3A_945 = arith.addi %add3A_944, %mul3A_943 : i32
          %mul3A_946 = arith.constant 16 : i32
          %mul3A_947 = arith.muli %add3A_945, %mul3A_946 : i32
          %get3A_948 = arith.index_cast %add3A_869 : i32 to index
          %get3A_949 = arith.index_cast %mul3A_947 : i32 to index
          %get3A_950 = tpu.vector_load %arg9[%get3A_948, %get3A_949] {strides = array<i32>} : memref<16x1024xf32, #tpu.memory_space<vmem>>, vector<1x16xf32>,
          %get3A_951 = vector.shape_cast %get3A_950 : vector<1x16xf32> to vector<16xf32>
          %swap3A_952 = arith.index_cast %add3A_869 : i32 to index
          %swap3A_953 = arith.index_cast %mul3A_947 : i32 to index
          %swap3A_954 = tpu.vector_load %arg6[%swap3A_952, %swap3A_953] {strides = array<i32>} : memref<16x1024xf32, #tpu.memory_space<vmem>>, vector<1x16xf32>,
          %swap3A_955 = vector.shape_cast %swap3A_954 : vector<1x16xf32> to vector<16xf32>
          %swap3A_956 = vector.shape_cast %get3A_951 : vector<16xf32> to vector<1x16xf32>
          tpu.vector_store %arg6[%swap3A_952, %swap3A_953], %swap3A_956 {add = true, strides = array<i32>} : memref<16x1024xf32, #tpu.memory_space<vmem>>, vector<1x16xf32>,
          %scan3A_957 = arith.constant 5 : i32
          %scan3A_958 = arith.addi %scan3A_875, %scan3A_957 : i32
          %mul3A_959 = arith.constant 1 : i32
          %mul3A_960 = arith.muli %scan3A_958, %mul3A_959 : i32
          %add3A_961 = arith.constant 0 : i32
          %add3A_962 = arith.addi %add3A_961, %mul3A_960 : i32
          %mul3A_963 = arith.constant 16 : i32
          %mul3A_964 = arith.muli %add3A_962, %mul3A_963 : i32
          %get3A_965 = arith.index_cast %add3A_869 : i32 to index
          %get3A_966 = arith.index_cast %mul3A_964 : i32 to index
          %get3A_967 = tpu.vector_load %arg9[%get3A_965, %get3A_966] {strides = array<i32>} : memref<16x1024xf32, #tpu.memory_space<vmem>>, vector<1x16xf32>,
          %get3A_968 = vector.shape_cast %get3A_967 : vector<1x16xf32> to vector<16xf32>
          %swap3A_969 = arith.index_cast %add3A_869 : i32 to index
          %swap3A_970 = arith.index_cast %mul3A_964 : i32 to index
          %swap3A_971 = tpu.vector_load %arg6[%swap3A_969, %swap3A_970] {strides = array<i32>} : memref<16x1024xf32, #tpu.memory_space<vmem>>, vector<1x16xf32>,
          %swap3A_972 = vector.shape_cast %swap3A_971 : vector<1x16xf32> to vector<16xf32>
          %swap3A_973 = vector.shape_cast %get3A_968 : vector<16xf32> to vector<1x16xf32>
          tpu.vector_store %arg6[%swap3A_969, %swap3A_970], %swap3A_973 {add = true, strides = array<i32>} : memref<16x1024xf32, #tpu.memory_space<vmem>>, vector<1x16xf32>,
          %scan3A_974 = arith.constant 6 : i32
          %scan3A_975 = arith.addi %scan3A_875, %scan3A_974 : i32
          %mul3A_976 = arith.constant 1 : i32
          %mul3A_977 = arith.muli %scan3A_975, %mul3A_976 : i32
          %add3A_978 = arith.constant 0 : i32
          %add3A_979 = arith.addi %add3A_978, %mul3A_977 : i32
          %mul3A_980 = arith.constant 16 : i32
          %mul3A_981 = arith.muli %add3A_979, %mul3A_980 : i32
          %get3A_982 = arith.index_cast %add3A_869 : i32 to index
          %get3A_983 = arith.index_cast %mul3A_981 : i32 to index
          %get3A_984 = tpu.vector_load %arg9[%get3A_982, %get3A_983] {strides = array<i32>} : memref<16x1024xf32, #tpu.memory_space<vmem>>, vector<1x16xf32>,
          %get3A_985 = vector.shape_cast %get3A_984 : vector<1x16xf32> to vector<16xf32>
          %swap3A_986 = arith.index_cast %add3A_869 : i32 to index
          %swap3A_987 = arith.index_cast %mul3A_981 : i32 to index
          %swap3A_988 = tpu.vector_load %arg6[%swap3A_986, %swap3A_987] {strides = array<i32>} : memref<16x1024xf32, #tpu.memory_space<vmem>>, vector<1x16xf32>,
          %swap3A_989 = vector.shape_cast %swap3A_988 : vector<1x16xf32> to vector<16xf32>
          %swap3A_990 = vector.shape_cast %get3A_985 : vector<16xf32> to vector<1x16xf32>
          tpu.vector_store %arg6[%swap3A_986, %swap3A_987], %swap3A_990 {add = true, strides = array<i32>} : memref<16x1024xf32, #tpu.memory_space<vmem>>, vector<1x16xf32>,
          %scan3A_991 = arith.constant 7 : i32
          %scan3A_992 = arith.addi %scan3A_875, %scan3A_991 : i32
          %mul3A_993 = arith.constant 1 : i32
          %mul3A_994 = arith.muli %scan3A_992, %mul3A_993 : i32
          %add3A_995 = arith.constant 0 : i32
          %add3A_996 = arith.addi %add3A_995, %mul3A_994 : i32
          %mul3A_997 = arith.constant 16 : i32
          %mul3A_998 = arith.muli %add3A_996, %mul3A_997 : i32
          %get3A_999 = arith.index_cast %add3A_869 : i32 to index
          %get3A_1000 = arith.index_cast %mul3A_998 : i32 to index
          %get3A_1001 = tpu.vector_load %arg9[%get3A_999, %get3A_1000] {strides = array<i32>} : memref<16x1024xf32, #tpu.memory_space<vmem>>, vector<1x16xf32>,
          %get3A_1002 = vector.shape_cast %get3A_1001 : vector<1x16xf32> to vector<16xf32>
          %swap3A_1003 = arith.index_cast %add3A_869 : i32 to index
          %swap3A_1004 = arith.index_cast %mul3A_998 : i32 to index
          %swap3A_1005 = tpu.vector_load %arg6[%swap3A_1003, %swap3A_1004] {strides = array<i32>} : memref<16x1024xf32, #tpu.memory_space<vmem>>, vector<1x16xf32>,
          %swap3A_1006 = vector.shape_cast %swap3A_1005 : vector<1x16xf32> to vector<16xf32>
          %swap3A_1007 = vector.shape_cast %get3A_1002 : vector<16xf32> to vector<1x16xf32>
          tpu.vector_store %arg6[%swap3A_1003, %swap3A_1004], %swap3A_1007 {add = true, strides = array<i32>} : memref<16x1024xf32, #tpu.memory_space<vmem>>, vector<1x16xf32>,
        }
        %scan3A_874 = arith.constant 64 : i32
      }
      %scan3A_195 = arith.constant 16 : i32
      %jit3A_196 = arith.constant 4 : i32
      %eq3A_197 = arith.constant 0 : i32
      %eq3A_198 = arith.cmpi eq, %jit3A_196, %eq3A_197 : i32
      %jit3A_199 = arith.constant 1 : i32
      %select_n3A_200 = arith.select %eq3A_198, %jit3A_199, %jit3A_196 : i32
      %rem3A_201 = arith.remsi %add3A_148, %select_n3A_200 : i32
      %ne3A_202 = arith.constant 0 : i32
      %ne3A_203 = arith.cmpi ne, %rem3A_201, %ne3A_202 : i32
      %lt3A_204 = arith.constant 0 : i32
      %lt3A_205 = arith.cmpi slt, %rem3A_201, %lt3A_204 : i32
      %lt3A_206 = arith.constant 0 : i32
      %lt3A_207 = arith.cmpi slt, %select_n3A_200, %lt3A_206 : i32
      %ne3A_208 = arith.xori %lt3A_205, %lt3A_207 : i1
      %and3A_209 = arith.andi %ne3A_208, %ne3A_203 : i1
      %add3A_210 = arith.addi %rem3A_201, %select_n3A_200 : i32
      %select_n3A_211 = arith.select %and3A_209, %add3A_210, %rem3A_201 : i32
      %mul3A_212 = arith.constant 8192 : i32
      %mul3A_213 = arith.muli %select_n3A_211, %mul3A_212 : i32
      %add3A_214 = arith.addi %mul3A_213, %mul3A_2 : i32
      %jit3A_215 = arith.constant 4 : i32
      %div3A_216 = arith.divsi %add3A_148, %jit3A_215 : i32
      %sign3A_217 = arith.constant 0 : i32
      %sign3A_218 = arith.cmpi sgt, %add3A_148, %sign3A_217 : i32
      %sign3A_219 = arith.extui %sign3A_218 : i1 to i32
      %sign3A_220 = arith.constant 0 : i32
      %sign3A_221 = arith.cmpi slt, %add3A_148, %sign3A_220 : i32
      %sign3A_222 = arith.extui %sign3A_221 : i1 to i32
      %sign3A_223 = arith.subi %sign3A_219, %sign3A_222 : i32
      %sign3A_224 = arith.constant 0 : i32
      %sign3A_225 = arith.cmpi sgt, %jit3A_215, %sign3A_224 : i32
      %sign3A_226 = arith.extui %sign3A_225 : i1 to i32
      %sign3A_227 = arith.constant 0 : i32
      %sign3A_228 = arith.cmpi slt, %jit3A_215, %sign3A_227 : i32
      %sign3A_229 = arith.extui %sign3A_228 : i1 to i32
      %sign3A_230 = arith.subi %sign3A_226, %sign3A_229 : i32
      %ne3A_231 = arith.cmpi ne, %sign3A_223, %sign3A_230 : i32
      %rem3A_232 = arith.remsi %add3A_148, %jit3A_215 : i32
      %ne3A_233 = arith.constant 0 : i32
      %ne3A_234 = arith.cmpi ne, %rem3A_232, %ne3A_233 : i32
      %and3A_235 = arith.andi %ne3A_231, %ne3A_234 : i1
      %sub3A_236 = arith.constant 1 : i32
      %sub3A_237 = arith.subi %div3A_216, %sub3A_236 : i32
      %select_n3A_238 = arith.select %and3A_235, %sub3A_237, %div3A_216 : i32
      %mul3A_239 = arith.constant 16 : i32
      %mul3A_240 = arith.muli %select_n3A_238, %mul3A_239 : i32
      %add3A_241 = arith.addi %add3A_214, %mul3A_240 : i32
      %dma_start3A_242 = arith.constant 0 : i32
      %dma_start3A_243 = tpu.memref_slice %arg4[%add3A_241, %dma_start3A_242] : memref<32768x1024xf32, #tpu.memory_space<hbm>> -> memref<16x1024xf32, #tpu.memory_space<hbm>>
      %dma_start3A_244 = arith.constant 0 : i32
      %dma_start3A_245 = tpu.memref_slice %arg4[%add3A_241, %dma_start3A_244] : memref<32768x1024xf32, #tpu.memory_space<hbm>> -> memref<16x1024xf32, #tpu.memory_space<hbm>>
      tpu.enqueue_dma source(%arg6 : memref<16x1024xf32, #tpu.memory_space<vmem>>) target(%dma_start3A_245 : memref<16x1024xf32, #tpu.memory_space<hbm>>) target_semaphore(%arg18 : memref<!tpu.dma_semaphore, #tpu.memory_space<semaphore_mem>>)
      %mul3A_246 = arith.constant 8 : i32
      %mul3A_247 = arith.muli %add3A_43, %mul3A_246 : i32
      %add3A_248 = arith.constant 2 : i32
      %add3A_249 = arith.addi %mul3A_247, %add3A_248 : i32
      %jit3A_250 = arith.constant 4 : i32
      %div3A_251 = arith.divsi %add3A_249, %jit3A_250 : i32
      %sign3A_252 = arith.constant 0 : i32
      %sign3A_253 = arith.cmpi sgt, %add3A_249, %sign3A_252 : i32
      %sign3A_254 = arith.extui %sign3A_253 : i1 to i32
      %sign3A_255 = arith.constant 0 : i32
      %sign3A_256 = arith.cmpi slt, %add3A_249, %sign3A_255 : i32
      %sign3A_257 = arith.extui %sign3A_256 : i1 to i32
      %sign3A_258 = arith.subi %sign3A_254, %sign3A_257 : i32
      %sign3A_259 = arith.constant 0 : i32
      %sign3A_260 = arith.cmpi sgt, %jit3A_250, %sign3A_259 : i32
      %sign3A_261 = arith.extui %sign3A_260 : i1 to i32
      %sign3A_262 = arith.constant 0 : i32
      %sign3A_263 = arith.cmpi slt, %jit3A_250, %sign3A_262 : i32
      %sign3A_264 = arith.extui %sign3A_263 : i1 to i32
      %sign3A_265 = arith.subi %sign3A_261, %sign3A_264 : i32
      %ne3A_266 = arith.cmpi ne, %sign3A_258, %sign3A_265 : i32
      %rem3A_267 = arith.remsi %add3A_249, %jit3A_250 : i32
      %ne3A_268 = arith.constant 0 : i32
      %ne3A_269 = arith.cmpi ne, %rem3A_267, %ne3A_268 : i32
      %and3A_270 = arith.andi %ne3A_266, %ne3A_269 : i1
      %sub3A_271 = arith.constant 1 : i32
      %sub3A_272 = arith.subi %div3A_251, %sub3A_271 : i32
      %select_n3A_273 = arith.select %and3A_270, %sub3A_272, %div3A_251 : i32
      %ge3A_274 = arith.constant 2 : i32
      %ge3A_275 = arith.cmpi sge, %add3A_249, %ge3A_274 : i32
      %convert_element_type3A_276 = arith.extui %ge3A_275 : i1 to i32
      %cond3A_277 = arith.constant 0 : i32
      %cond3A_278 = arith.cmpi ne, %convert_element_type3A_276, %cond3A_277 : i32
      scf.if %cond3A_278 {
        %dma_wait3A_865 = arith.constant 0 : i32
        %dma_wait3A_866 = arith.constant 0 : i32
        %dma_wait3A_867 = tpu.memref_slice %arg2[%dma_wait3A_865, %dma_wait3A_866] : memref<32768x1024xf32, #tpu.memory_space<hbm>> -> memref<16x1024xf32, #tpu.memory_space<hbm>>
        %dma_wait3A_868 = arith.constant 0 : i32
        %dma_wait3A_869 = arith.constant 0 : i32
        %dma_wait3A_870 = tpu.memref_slice %arg2[%dma_wait3A_868, %dma_wait3A_869] : memref<32768x1024xf32, #tpu.memory_space<hbm>> -> memref<16x1024xf32, #tpu.memory_space<hbm>>
        tpu.wait_dma2 semaphore(%arg17 : memref<!tpu.dma_semaphore, #tpu.memory_space<semaphore_mem>>) src(%dma_wait3A_870 : memref<16x1024xf32, #tpu.memory_space<hbm>>) dst(%arg5 : memref<16x1024xf32, #tpu.memory_space<vmem>>)
      } else {
      }
      %add3A_279 = arith.constant 2 : i32
      %add3A_280 = arith.addi %add3A_249, %add3A_279 : i32
      %lt3A_281 = arith.constant 64 : i32
      %lt3A_282 = arith.cmpi slt, %add3A_280, %lt3A_281 : i32
      %convert_element_type3A_283 = arith.extui %lt3A_282 : i1 to i32
      %cond3A_284 = arith.constant 0 : i32
      %cond3A_285 = arith.cmpi ne, %convert_element_type3A_283, %cond3A_284 : i32
      scf.if %cond3A_285 {
        %add3A_865 = arith.constant 2 : i32
        %add3A_866 = arith.addi %add3A_249, %add3A_865 : i32
        %jit3A_867 = arith.constant 4 : i32
        %eq3A_868 = arith.constant 0 : i32
        %eq3A_869 = arith.cmpi eq, %jit3A_867, %eq3A_868 : i32
        %jit3A_870 = arith.constant 1 : i32
        %select_n3A_871 = arith.select %eq3A_869, %jit3A_870, %jit3A_867 : i32
        %rem3A_872 = arith.remsi %add3A_866, %select_n3A_871 : i32
        %ne3A_873 = arith.constant 0 : i32
        %ne3A_874 = arith.cmpi ne, %rem3A_872, %ne3A_873 : i32
        %lt3A_875 = arith.constant 0 : i32
        %lt3A_876 = arith.cmpi slt, %rem3A_872, %lt3A_875 : i32
        %lt3A_877 = arith.constant 0 : i32
        %lt3A_878 = arith.cmpi slt, %select_n3A_871, %lt3A_877 : i32
        %ne3A_879 = arith.xori %lt3A_876, %lt3A_878 : i1
        %and3A_880 = arith.andi %ne3A_879, %ne3A_874 : i1
        %add3A_881 = arith.addi %rem3A_872, %select_n3A_871 : i32
        %select_n3A_882 = arith.select %and3A_880, %add3A_881, %rem3A_872 : i32
        %mul3A_883 = arith.constant 8192 : i32
        %mul3A_884 = arith.muli %select_n3A_882, %mul3A_883 : i32
        %add3A_885 = arith.addi %mul3A_884, %mul3A_2 : i32
        %jit3A_886 = arith.constant 4 : i32
        %div3A_887 = arith.divsi %add3A_866, %jit3A_886 : i32
        %sign3A_888 = arith.constant 0 : i32
        %sign3A_889 = arith.cmpi sgt, %add3A_866, %sign3A_888 : i32
        %sign3A_890 = arith.extui %sign3A_889 : i1 to i32
        %sign3A_891 = arith.constant 0 : i32
        %sign3A_892 = arith.cmpi slt, %add3A_866, %sign3A_891 : i32
        %sign3A_893 = arith.extui %sign3A_892 : i1 to i32
        %sign3A_894 = arith.subi %sign3A_890, %sign3A_893 : i32
        %sign3A_895 = arith.constant 0 : i32
        %sign3A_896 = arith.cmpi sgt, %jit3A_886, %sign3A_895 : i32
        %sign3A_897 = arith.extui %sign3A_896 : i1 to i32
        %sign3A_898 = arith.constant 0 : i32
        %sign3A_899 = arith.cmpi slt, %jit3A_886, %sign3A_898 : i32
        %sign3A_900 = arith.extui %sign3A_899 : i1 to i32
        %sign3A_901 = arith.subi %sign3A_897, %sign3A_900 : i32
        %ne3A_902 = arith.cmpi ne, %sign3A_894, %sign3A_901 : i32
        %rem3A_903 = arith.remsi %add3A_866, %jit3A_886 : i32
        %ne3A_904 = arith.constant 0 : i32
        %ne3A_905 = arith.cmpi ne, %rem3A_903, %ne3A_904 : i32
        %and3A_906 = arith.andi %ne3A_902, %ne3A_905 : i1
        %sub3A_907 = arith.constant 1 : i32
        %sub3A_908 = arith.subi %div3A_887, %sub3A_907 : i32
        %select_n3A_909 = arith.select %and3A_906, %sub3A_908, %div3A_887 : i32
        %mul3A_910 = arith.constant 16 : i32
        %mul3A_911 = arith.muli %select_n3A_909, %mul3A_910 : i32
        %add3A_912 = arith.addi %add3A_885, %mul3A_911 : i32
        %dma_start3A_913 = arith.constant 0 : i32
        %dma_start3A_914 = tpu.memref_slice %arg2[%add3A_912, %dma_start3A_913] : memref<32768x1024xf32, #tpu.memory_space<hbm>> -> memref<16x1024xf32, #tpu.memory_space<hbm>>
        %dma_start3A_915 = arith.constant 0 : i32
        %dma_start3A_916 = tpu.memref_slice %arg2[%add3A_912, %dma_start3A_915] : memref<32768x1024xf32, #tpu.memory_space<hbm>> -> memref<16x1024xf32, #tpu.memory_space<hbm>>
        tpu.enqueue_dma source(%dma_start3A_916 : memref<16x1024xf32, #tpu.memory_space<hbm>>) target(%arg5 : memref<16x1024xf32, #tpu.memory_space<vmem>>) target_semaphore(%arg11 : memref<!tpu.dma_semaphore, #tpu.memory_space<semaphore_mem>>)
      } else {
      }
      %dma_wait3A_286 = arith.constant 0 : i32
      %dma_wait3A_287 = arith.constant 0 : i32
      %dma_wait3A_288 = tpu.memref_slice %arg2[%dma_wait3A_286, %dma_wait3A_287] : memref<32768x1024xf32, #tpu.memory_space<hbm>> -> memref<16x1024xf32, #tpu.memory_space<hbm>>
      %dma_wait3A_289 = arith.constant 0 : i32
      %dma_wait3A_290 = arith.constant 0 : i32
      %dma_wait3A_291 = tpu.memref_slice %arg2[%dma_wait3A_289, %dma_wait3A_290] : memref<32768x1024xf32, #tpu.memory_space<hbm>> -> memref<16x1024xf32, #tpu.memory_space<hbm>>
      tpu.wait_dma2 semaphore(%arg13 : memref<!tpu.dma_semaphore, #tpu.memory_space<semaphore_mem>>) src(%dma_wait3A_291 : memref<16x1024xf32, #tpu.memory_space<hbm>>) dst(%arg7 : memref<16x1024xf32, #tpu.memory_space<vmem>>)
      %scan3A_292 = arith.constant 0 : i32
      %scan3A_293 = arith.constant 16 : i32
      %scan3A_294 = arith.addi %scan3A_292, %scan3A_293 : i32
      %scan3A_295 = arith.constant 1 : i32
      scf.for %scan3A_865 = %scan3A_292 to %scan3A_294 step %scan3A_295  : i32 {
        %mul3A_866 = arith.constant 1 : i32
        %mul3A_867 = arith.muli %scan3A_865, %mul3A_866 : i32
        %add3A_868 = arith.constant 0 : i32
        %add3A_869 = arith.addi %add3A_868, %mul3A_867 : i32
        %scan3A_870 = arith.constant 0 : i32
        %scan3A_871 = arith.constant 64 : i32
        %scan3A_872 = arith.addi %scan3A_870, %scan3A_871 : i32
        %scan3A_873 = arith.constant 8 : i32
        scf.for %scan3A_875 = %scan3A_870 to %scan3A_872 step %scan3A_873  : i32 {
          %mul3A_876 = arith.constant 1 : i32
          %mul3A_877 = arith.muli %scan3A_875, %mul3A_876 : i32
          %add3A_878 = arith.constant 0 : i32
          %add3A_879 = arith.addi %add3A_878, %mul3A_877 : i32
          %mul3A_880 = arith.constant 16 : i32
          %mul3A_881 = arith.muli %add3A_879, %mul3A_880 : i32
          %get3A = arith.index_cast %add3A_869 : i32 to index
          %get3A_882 = arith.index_cast %mul3A_881 : i32 to index
          %get3A_883 = tpu.vector_load %arg9[%get3A, %get3A_882] {strides = array<i32>} : memref<16x1024xf32, #tpu.memory_space<vmem>>, vector<1x16xf32>,
          %get3A_884 = vector.shape_cast %get3A_883 : vector<1x16xf32> to vector<16xf32>
          %swap3A = arith.index_cast %add3A_869 : i32 to index
          %swap3A_885 = arith.index_cast %mul3A_881 : i32 to index
          %swap3A_886 = tpu.vector_load %arg7[%swap3A, %swap3A_885] {strides = array<i32>} : memref<16x1024xf32, #tpu.memory_space<vmem>>, vector<1x16xf32>,
          %swap3A_887 = vector.shape_cast %swap3A_886 : vector<1x16xf32> to vector<16xf32>
          %swap3A_888 = vector.shape_cast %get3A_884 : vector<16xf32> to vector<1x16xf32>
          tpu.vector_store %arg7[%swap3A, %swap3A_885], %swap3A_888 {add = true, strides = array<i32>} : memref<16x1024xf32, #tpu.memory_space<vmem>>, vector<1x16xf32>,
          %scan3A_889 = arith.constant 1 : i32
          %scan3A_890 = arith.addi %scan3A_875, %scan3A_889 : i32
          %mul3A_891 = arith.constant 1 : i32
          %mul3A_892 = arith.muli %scan3A_890, %mul3A_891 : i32
          %add3A_893 = arith.constant 0 : i32
          %add3A_894 = arith.addi %add3A_893, %mul3A_892 : i32
          %mul3A_895 = arith.constant 16 : i32
          %mul3A_896 = arith.muli %add3A_894, %mul3A_895 : i32
          %get3A_897 = arith.index_cast %add3A_869 : i32 to index
          %get3A_898 = arith.index_cast %mul3A_896 : i32 to index
          %get3A_899 = tpu.vector_load %arg9[%get3A_897, %get3A_898] {strides = array<i32>} : memref<16x1024xf32, #tpu.memory_space<vmem>>, vector<1x16xf32>,
          %get3A_900 = vector.shape_cast %get3A_899 : vector<1x16xf32> to vector<16xf32>
          %swap3A_901 = arith.index_cast %add3A_869 : i32 to index
          %swap3A_902 = arith.index_cast %mul3A_896 : i32 to index
          %swap3A_903 = tpu.vector_load %arg7[%swap3A_901, %swap3A_902] {strides = array<i32>} : memref<16x1024xf32, #tpu.memory_space<vmem>>, vector<1x16xf32>,
          %swap3A_904 = vector.shape_cast %swap3A_903 : vector<1x16xf32> to vector<16xf32>
          %swap3A_905 = vector.shape_cast %get3A_900 : vector<16xf32> to vector<1x16xf32>
          tpu.vector_store %arg7[%swap3A_901, %swap3A_902], %swap3A_905 {add = true, strides = array<i32>} : memref<16x1024xf32, #tpu.memory_space<vmem>>, vector<1x16xf32>,
          %scan3A_906 = arith.constant 2 : i32
          %scan3A_907 = arith.addi %scan3A_875, %scan3A_906 : i32
          %mul3A_908 = arith.constant 1 : i32
          %mul3A_909 = arith.muli %scan3A_907, %mul3A_908 : i32
          %add3A_910 = arith.constant 0 : i32
          %add3A_911 = arith.addi %add3A_910, %mul3A_909 : i32
          %mul3A_912 = arith.constant 16 : i32
          %mul3A_913 = arith.muli %add3A_911, %mul3A_912 : i32
          %get3A_914 = arith.index_cast %add3A_869 : i32 to index
          %get3A_915 = arith.index_cast %mul3A_913 : i32 to index
          %get3A_916 = tpu.vector_load %arg9[%get3A_914, %get3A_915] {strides = array<i32>} : memref<16x1024xf32, #tpu.memory_space<vmem>>, vector<1x16xf32>,
          %get3A_917 = vector.shape_cast %get3A_916 : vector<1x16xf32> to vector<16xf32>
          %swap3A_918 = arith.index_cast %add3A_869 : i32 to index
          %swap3A_919 = arith.index_cast %mul3A_913 : i32 to index
          %swap3A_920 = tpu.vector_load %arg7[%swap3A_918, %swap3A_919] {strides = array<i32>} : memref<16x1024xf32, #tpu.memory_space<vmem>>, vector<1x16xf32>,
          %swap3A_921 = vector.shape_cast %swap3A_920 : vector<1x16xf32> to vector<16xf32>
          %swap3A_922 = vector.shape_cast %get3A_917 : vector<16xf32> to vector<1x16xf32>
          tpu.vector_store %arg7[%swap3A_918, %swap3A_919], %swap3A_922 {add = true, strides = array<i32>} : memref<16x1024xf32, #tpu.memory_space<vmem>>, vector<1x16xf32>,
          %scan3A_923 = arith.constant 3 : i32
          %scan3A_924 = arith.addi %scan3A_875, %scan3A_923 : i32
          %mul3A_925 = arith.constant 1 : i32
          %mul3A_926 = arith.muli %scan3A_924, %mul3A_925 : i32
          %add3A_927 = arith.constant 0 : i32
          %add3A_928 = arith.addi %add3A_927, %mul3A_926 : i32
          %mul3A_929 = arith.constant 16 : i32
          %mul3A_930 = arith.muli %add3A_928, %mul3A_929 : i32
          %get3A_931 = arith.index_cast %add3A_869 : i32 to index
          %get3A_932 = arith.index_cast %mul3A_930 : i32 to index
          %get3A_933 = tpu.vector_load %arg9[%get3A_931, %get3A_932] {strides = array<i32>} : memref<16x1024xf32, #tpu.memory_space<vmem>>, vector<1x16xf32>,
          %get3A_934 = vector.shape_cast %get3A_933 : vector<1x16xf32> to vector<16xf32>
          %swap3A_935 = arith.index_cast %add3A_869 : i32 to index
          %swap3A_936 = arith.index_cast %mul3A_930 : i32 to index
          %swap3A_937 = tpu.vector_load %arg7[%swap3A_935, %swap3A_936] {strides = array<i32>} : memref<16x1024xf32, #tpu.memory_space<vmem>>, vector<1x16xf32>,
          %swap3A_938 = vector.shape_cast %swap3A_937 : vector<1x16xf32> to vector<16xf32>
          %swap3A_939 = vector.shape_cast %get3A_934 : vector<16xf32> to vector<1x16xf32>
          tpu.vector_store %arg7[%swap3A_935, %swap3A_936], %swap3A_939 {add = true, strides = array<i32>} : memref<16x1024xf32, #tpu.memory_space<vmem>>, vector<1x16xf32>,
          %scan3A_940 = arith.constant 4 : i32
          %scan3A_941 = arith.addi %scan3A_875, %scan3A_940 : i32
          %mul3A_942 = arith.constant 1 : i32
          %mul3A_943 = arith.muli %scan3A_941, %mul3A_942 : i32
          %add3A_944 = arith.constant 0 : i32
          %add3A_945 = arith.addi %add3A_944, %mul3A_943 : i32
          %mul3A_946 = arith.constant 16 : i32
          %mul3A_947 = arith.muli %add3A_945, %mul3A_946 : i32
          %get3A_948 = arith.index_cast %add3A_869 : i32 to index
          %get3A_949 = arith.index_cast %mul3A_947 : i32 to index
          %get3A_950 = tpu.vector_load %arg9[%get3A_948, %get3A_949] {strides = array<i32>} : memref<16x1024xf32, #tpu.memory_space<vmem>>, vector<1x16xf32>,
          %get3A_951 = vector.shape_cast %get3A_950 : vector<1x16xf32> to vector<16xf32>
          %swap3A_952 = arith.index_cast %add3A_869 : i32 to index
          %swap3A_953 = arith.index_cast %mul3A_947 : i32 to index
          %swap3A_954 = tpu.vector_load %arg7[%swap3A_952, %swap3A_953] {strides = array<i32>} : memref<16x1024xf32, #tpu.memory_space<vmem>>, vector<1x16xf32>,
          %swap3A_955 = vector.shape_cast %swap3A_954 : vector<1x16xf32> to vector<16xf32>
          %swap3A_956 = vector.shape_cast %get3A_951 : vector<16xf32> to vector<1x16xf32>
          tpu.vector_store %arg7[%swap3A_952, %swap3A_953], %swap3A_956 {add = true, strides = array<i32>} : memref<16x1024xf32, #tpu.memory_space<vmem>>, vector<1x16xf32>,
          %scan3A_957 = arith.constant 5 : i32
          %scan3A_958 = arith.addi %scan3A_875, %scan3A_957 : i32
          %mul3A_959 = arith.constant 1 : i32
          %mul3A_960 = arith.muli %scan3A_958, %mul3A_959 : i32
          %add3A_961 = arith.constant 0 : i32
          %add3A_962 = arith.addi %add3A_961, %mul3A_960 : i32
          %mul3A_963 = arith.constant 16 : i32
          %mul3A_964 = arith.muli %add3A_962, %mul3A_963 : i32
          %get3A_965 = arith.index_cast %add3A_869 : i32 to index
          %get3A_966 = arith.index_cast %mul3A_964 : i32 to index
          %get3A_967 = tpu.vector_load %arg9[%get3A_965, %get3A_966] {strides = array<i32>} : memref<16x1024xf32, #tpu.memory_space<vmem>>, vector<1x16xf32>,
          %get3A_968 = vector.shape_cast %get3A_967 : vector<1x16xf32> to vector<16xf32>
          %swap3A_969 = arith.index_cast %add3A_869 : i32 to index
          %swap3A_970 = arith.index_cast %mul3A_964 : i32 to index
          %swap3A_971 = tpu.vector_load %arg7[%swap3A_969, %swap3A_970] {strides = array<i32>} : memref<16x1024xf32, #tpu.memory_space<vmem>>, vector<1x16xf32>,
          %swap3A_972 = vector.shape_cast %swap3A_971 : vector<1x16xf32> to vector<16xf32>
          %swap3A_973 = vector.shape_cast %get3A_968 : vector<16xf32> to vector<1x16xf32>
          tpu.vector_store %arg7[%swap3A_969, %swap3A_970], %swap3A_973 {add = true, strides = array<i32>} : memref<16x1024xf32, #tpu.memory_space<vmem>>, vector<1x16xf32>,
          %scan3A_974 = arith.constant 6 : i32
          %scan3A_975 = arith.addi %scan3A_875, %scan3A_974 : i32
          %mul3A_976 = arith.constant 1 : i32
          %mul3A_977 = arith.muli %scan3A_975, %mul3A_976 : i32
          %add3A_978 = arith.constant 0 : i32
          %add3A_979 = arith.addi %add3A_978, %mul3A_977 : i32
          %mul3A_980 = arith.constant 16 : i32
          %mul3A_981 = arith.muli %add3A_979, %mul3A_980 : i32
          %get3A_982 = arith.index_cast %add3A_869 : i32 to index
          %get3A_983 = arith.index_cast %mul3A_981 : i32 to index
          %get3A_984 = tpu.vector_load %arg9[%get3A_982, %get3A_983] {strides = array<i32>} : memref<16x1024xf32, #tpu.memory_space<vmem>>, vector<1x16xf32>,
          %get3A_985 = vector.shape_cast %get3A_984 : vector<1x16xf32> to vector<16xf32>
          %swap3A_986 = arith.index_cast %add3A_869 : i32 to index
          %swap3A_987 = arith.index_cast %mul3A_981 : i32 to index
          %swap3A_988 = tpu.vector_load %arg7[%swap3A_986, %swap3A_987] {strides = array<i32>} : memref<16x1024xf32, #tpu.memory_space<vmem>>, vector<1x16xf32>,
          %swap3A_989 = vector.shape_cast %swap3A_988 : vector<1x16xf32> to vector<16xf32>
          %swap3A_990 = vector.shape_cast %get3A_985 : vector<16xf32> to vector<1x16xf32>
          tpu.vector_store %arg7[%swap3A_986, %swap3A_987], %swap3A_990 {add = true, strides = array<i32>} : memref<16x1024xf32, #tpu.memory_space<vmem>>, vector<1x16xf32>,
          %scan3A_991 = arith.constant 7 : i32
          %scan3A_992 = arith.addi %scan3A_875, %scan3A_991 : i32
          %mul3A_993 = arith.constant 1 : i32
          %mul3A_994 = arith.muli %scan3A_992, %mul3A_993 : i32
          %add3A_995 = arith.constant 0 : i32
          %add3A_996 = arith.addi %add3A_995, %mul3A_994 : i32
          %mul3A_997 = arith.constant 16 : i32
          %mul3A_998 = arith.muli %add3A_996, %mul3A_997 : i32
          %get3A_999 = arith.index_cast %add3A_869 : i32 to index
          %get3A_1000 = arith.index_cast %mul3A_998 : i32 to index
          %get3A_1001 = tpu.vector_load %arg9[%get3A_999, %get3A_1000] {strides = array<i32>} : memref<16x1024xf32, #tpu.memory_space<vmem>>, vector<1x16xf32>,
          %get3A_1002 = vector.shape_cast %get3A_1001 : vector<1x16xf32> to vector<16xf32>
          %swap3A_1003 = arith.index_cast %add3A_869 : i32 to index
          %swap3A_1004 = arith.index_cast %mul3A_998 : i32 to index
          %swap3A_1005 = tpu.vector_load %arg7[%swap3A_1003, %swap3A_1004] {strides = array<i32>} : memref<16x1024xf32, #tpu.memory_space<vmem>>, vector<1x16xf32>,
          %swap3A_1006 = vector.shape_cast %swap3A_1005 : vector<1x16xf32> to vector<16xf32>
          %swap3A_1007 = vector.shape_cast %get3A_1002 : vector<16xf32> to vector<1x16xf32>
          tpu.vector_store %arg7[%swap3A_1003, %swap3A_1004], %swap3A_1007 {add = true, strides = array<i32>} : memref<16x1024xf32, #tpu.memory_space<vmem>>, vector<1x16xf32>,
        }
        %scan3A_874 = arith.constant 64 : i32
      }
      %scan3A_296 = arith.constant 16 : i32
      %jit3A_297 = arith.constant 4 : i32
      %eq3A_298 = arith.constant 0 : i32
      %eq3A_299 = arith.cmpi eq, %jit3A_297, %eq3A_298 : i32
      %jit3A_300 = arith.constant 1 : i32
      %select_n3A_301 = arith.select %eq3A_299, %jit3A_300, %jit3A_297 : i32
      %rem3A_302 = arith.remsi %add3A_249, %select_n3A_301 : i32
      %ne3A_303 = arith.constant 0 : i32
      %ne3A_304 = arith.cmpi ne, %rem3A_302, %ne3A_303 : i32
      %lt3A_305 = arith.constant 0 : i32
      %lt3A_306 = arith.cmpi slt, %rem3A_302, %lt3A_305 : i32
      %lt3A_307 = arith.constant 0 : i32
      %lt3A_308 = arith.cmpi slt, %select_n3A_301, %lt3A_307 : i32
      %ne3A_309 = arith.xori %lt3A_306, %lt3A_308 : i1
      %and3A_310 = arith.andi %ne3A_309, %ne3A_304 : i1
      %add3A_311 = arith.addi %rem3A_302, %select_n3A_301 : i32
      %select_n3A_312 = arith.select %and3A_310, %add3A_311, %rem3A_302 : i32
      %mul3A_313 = arith.constant 8192 : i32
      %mul3A_314 = arith.muli %select_n3A_312, %mul3A_313 : i32
      %add3A_315 = arith.addi %mul3A_314, %mul3A_2 : i32
      %jit3A_316 = arith.constant 4 : i32
      %div3A_317 = arith.divsi %add3A_249, %jit3A_316 : i32
      %sign3A_318 = arith.constant 0 : i32
      %sign3A_319 = arith.cmpi sgt, %add3A_249, %sign3A_318 : i32
      %sign3A_320 = arith.extui %sign3A_319 : i1 to i32
      %sign3A_321 = arith.constant 0 : i32
      %sign3A_322 = arith.cmpi slt, %add3A_249, %sign3A_321 : i32
      %sign3A_323 = arith.extui %sign3A_322 : i1 to i32
      %sign3A_324 = arith.subi %sign3A_320, %sign3A_323 : i32
      %sign3A_325 = arith.constant 0 : i32
      %sign3A_326 = arith.cmpi sgt, %jit3A_316, %sign3A_325 : i32
      %sign3A_327 = arith.extui %sign3A_326 : i1 to i32
      %sign3A_328 = arith.constant 0 : i32
      %sign3A_329 = arith.cmpi slt, %jit3A_316, %sign3A_328 : i32
      %sign3A_330 = arith.extui %sign3A_329 : i1 to i32
      %sign3A_331 = arith.subi %sign3A_327, %sign3A_330 : i32
      %ne3A_332 = arith.cmpi ne, %sign3A_324, %sign3A_331 : i32
      %rem3A_333 = arith.remsi %add3A_249, %jit3A_316 : i32
      %ne3A_334 = arith.constant 0 : i32
      %ne3A_335 = arith.cmpi ne, %rem3A_333, %ne3A_334 : i32
      %and3A_336 = arith.andi %ne3A_332, %ne3A_335 : i1
      %sub3A_337 = arith.constant 1 : i32
      %sub3A_338 = arith.subi %div3A_317, %sub3A_337 : i32
      %select_n3A_339 = arith.select %and3A_336, %sub3A_338, %div3A_317 : i32
      %mul3A_340 = arith.constant 16 : i32
      %mul3A_341 = arith.muli %select_n3A_339, %mul3A_340 : i32
      %add3A_342 = arith.addi %add3A_315, %mul3A_341 : i32
      %dma_start3A_343 = arith.constant 0 : i32
      %dma_start3A_344 = tpu.memref_slice %arg4[%add3A_342, %dma_start3A_343] : memref<32768x1024xf32, #tpu.memory_space<hbm>> -> memref<16x1024xf32, #tpu.memory_space<hbm>>
      %dma_start3A_345 = arith.constant 0 : i32
      %dma_start3A_346 = tpu.memref_slice %arg4[%add3A_342, %dma_start3A_345] : memref<32768x1024xf32, #tpu.memory_space<hbm>> -> memref<16x1024xf32, #tpu.memory_space<hbm>>
      tpu.enqueue_dma source(%arg7 : memref<16x1024xf32, #tpu.memory_space<vmem>>) target(%dma_start3A_346 : memref<16x1024xf32, #tpu.memory_space<hbm>>) target_semaphore(%arg19 : memref<!tpu.dma_semaphore, #tpu.memory_space<semaphore_mem>>)
      %mul3A_347 = arith.constant 8 : i32
      %mul3A_348 = arith.muli %add3A_43, %mul3A_347 : i32
      %add3A_349 = arith.constant 3 : i32
      %add3A_350 = arith.addi %mul3A_348, %add3A_349 : i32
      %jit3A_351 = arith.constant 4 : i32
      %div3A_352 = arith.divsi %add3A_350, %jit3A_351 : i32
      %sign3A_353 = arith.constant 0 : i32
      %sign3A_354 = arith.cmpi sgt, %add3A_350, %sign3A_353 : i32
      %sign3A_355 = arith.extui %sign3A_354 : i1 to i32
      %sign3A_356 = arith.constant 0 : i32
      %sign3A_357 = arith.cmpi slt, %add3A_350, %sign3A_356 : i32
      %sign3A_358 = arith.extui %sign3A_357 : i1 to i32
      %sign3A_359 = arith.subi %sign3A_355, %sign3A_358 : i32
      %sign3A_360 = arith.constant 0 : i32
      %sign3A_361 = arith.cmpi sgt, %jit3A_351, %sign3A_360 : i32
      %sign3A_362 = arith.extui %sign3A_361 : i1 to i32
      %sign3A_363 = arith.constant 0 : i32
      %sign3A_364 = arith.cmpi slt, %jit3A_351, %sign3A_363 : i32
      %sign3A_365 = arith.extui %sign3A_364 : i1 to i32
      %sign3A_366 = arith.subi %sign3A_362, %sign3A_365 : i32
      %ne3A_367 = arith.cmpi ne, %sign3A_359, %sign3A_366 : i32
      %rem3A_368 = arith.remsi %add3A_350, %jit3A_351 : i32
      %ne3A_369 = arith.constant 0 : i32
      %ne3A_370 = arith.cmpi ne, %rem3A_368, %ne3A_369 : i32
      %and3A_371 = arith.andi %ne3A_367, %ne3A_370 : i1
      %sub3A_372 = arith.constant 1 : i32
      %sub3A_373 = arith.subi %div3A_352, %sub3A_372 : i32
      %select_n3A_374 = arith.select %and3A_371, %sub3A_373, %div3A_352 : i32
      %ge3A_375 = arith.constant 2 : i32
      %ge3A_376 = arith.cmpi sge, %add3A_350, %ge3A_375 : i32
      %convert_element_type3A_377 = arith.extui %ge3A_376 : i1 to i32
      %cond3A_378 = arith.constant 0 : i32
      %cond3A_379 = arith.cmpi ne, %convert_element_type3A_377, %cond3A_378 : i32
      scf.if %cond3A_379 {
        %dma_wait3A_865 = arith.constant 0 : i32
        %dma_wait3A_866 = arith.constant 0 : i32
        %dma_wait3A_867 = tpu.memref_slice %arg2[%dma_wait3A_865, %dma_wait3A_866] : memref<32768x1024xf32, #tpu.memory_space<hbm>> -> memref<16x1024xf32, #tpu.memory_space<hbm>>
        %dma_wait3A_868 = arith.constant 0 : i32
        %dma_wait3A_869 = arith.constant 0 : i32
        %dma_wait3A_870 = tpu.memref_slice %arg2[%dma_wait3A_868, %dma_wait3A_869] : memref<32768x1024xf32, #tpu.memory_space<hbm>> -> memref<16x1024xf32, #tpu.memory_space<hbm>>
        tpu.wait_dma2 semaphore(%arg18 : memref<!tpu.dma_semaphore, #tpu.memory_space<semaphore_mem>>) src(%dma_wait3A_870 : memref<16x1024xf32, #tpu.memory_space<hbm>>) dst(%arg6 : memref<16x1024xf32, #tpu.memory_space<vmem>>)
      } else {
      }
      %add3A_380 = arith.constant 2 : i32
      %add3A_381 = arith.addi %add3A_350, %add3A_380 : i32
      %lt3A_382 = arith.constant 64 : i32
      %lt3A_383 = arith.cmpi slt, %add3A_381, %lt3A_382 : i32
      %convert_element_type3A_384 = arith.extui %lt3A_383 : i1 to i32
      %cond3A_385 = arith.constant 0 : i32
      %cond3A_386 = arith.cmpi ne, %convert_element_type3A_384, %cond3A_385 : i32
      scf.if %cond3A_386 {
        %add3A_865 = arith.constant 2 : i32
        %add3A_866 = arith.addi %add3A_350, %add3A_865 : i32
        %jit3A_867 = arith.constant 4 : i32
        %eq3A_868 = arith.constant 0 : i32
        %eq3A_869 = arith.cmpi eq, %jit3A_867, %eq3A_868 : i32
        %jit3A_870 = arith.constant 1 : i32
        %select_n3A_871 = arith.select %eq3A_869, %jit3A_870, %jit3A_867 : i32
        %rem3A_872 = arith.remsi %add3A_866, %select_n3A_871 : i32
        %ne3A_873 = arith.constant 0 : i32
        %ne3A_874 = arith.cmpi ne, %rem3A_872, %ne3A_873 : i32
        %lt3A_875 = arith.constant 0 : i32
        %lt3A_876 = arith.cmpi slt, %rem3A_872, %lt3A_875 : i32
        %lt3A_877 = arith.constant 0 : i32
        %lt3A_878 = arith.cmpi slt, %select_n3A_871, %lt3A_877 : i32
        %ne3A_879 = arith.xori %lt3A_876, %lt3A_878 : i1
        %and3A_880 = arith.andi %ne3A_879, %ne3A_874 : i1
        %add3A_881 = arith.addi %rem3A_872, %select_n3A_871 : i32
        %select_n3A_882 = arith.select %and3A_880, %add3A_881, %rem3A_872 : i32
        %mul3A_883 = arith.constant 8192 : i32
        %mul3A_884 = arith.muli %select_n3A_882, %mul3A_883 : i32
        %add3A_885 = arith.addi %mul3A_884, %mul3A_2 : i32
        %jit3A_886 = arith.constant 4 : i32
        %div3A_887 = arith.divsi %add3A_866, %jit3A_886 : i32
        %sign3A_888 = arith.constant 0 : i32
        %sign3A_889 = arith.cmpi sgt, %add3A_866, %sign3A_888 : i32
        %sign3A_890 = arith.extui %sign3A_889 : i1 to i32
        %sign3A_891 = arith.constant 0 : i32
        %sign3A_892 = arith.cmpi slt, %add3A_866, %sign3A_891 : i32
        %sign3A_893 = arith.extui %sign3A_892 : i1 to i32
        %sign3A_894 = arith.subi %sign3A_890, %sign3A_893 : i32
        %sign3A_895 = arith.constant 0 : i32
        %sign3A_896 = arith.cmpi sgt, %jit3A_886, %sign3A_895 : i32
        %sign3A_897 = arith.extui %sign3A_896 : i1 to i32
        %sign3A_898 = arith.constant 0 : i32
        %sign3A_899 = arith.cmpi slt, %jit3A_886, %sign3A_898 : i32
        %sign3A_900 = arith.extui %sign3A_899 : i1 to i32
        %sign3A_901 = arith.subi %sign3A_897, %sign3A_900 : i32
        %ne3A_902 = arith.cmpi ne, %sign3A_894, %sign3A_901 : i32
        %rem3A_903 = arith.remsi %add3A_866, %jit3A_886 : i32
        %ne3A_904 = arith.constant 0 : i32
        %ne3A_905 = arith.cmpi ne, %rem3A_903, %ne3A_904 : i32
        %and3A_906 = arith.andi %ne3A_902, %ne3A_905 : i1
        %sub3A_907 = arith.constant 1 : i32
        %sub3A_908 = arith.subi %div3A_887, %sub3A_907 : i32
        %select_n3A_909 = arith.select %and3A_906, %sub3A_908, %div3A_887 : i32
        %mul3A_910 = arith.constant 16 : i32
        %mul3A_911 = arith.muli %select_n3A_909, %mul3A_910 : i32
        %add3A_912 = arith.addi %add3A_885, %mul3A_911 : i32
        %dma_start3A_913 = arith.constant 0 : i32
        %dma_start3A_914 = tpu.memref_slice %arg2[%add3A_912, %dma_start3A_913] : memref<32768x1024xf32, #tpu.memory_space<hbm>> -> memref<16x1024xf32, #tpu.memory_space<hbm>>
        %dma_start3A_915 = arith.constant 0 : i32
        %dma_start3A_916 = tpu.memref_slice %arg2[%add3A_912, %dma_start3A_915] : memref<32768x1024xf32, #tpu.memory_space<hbm>> -> memref<16x1024xf32, #tpu.memory_space<hbm>>
        tpu.enqueue_dma source(%dma_start3A_916 : memref<16x1024xf32, #tpu.memory_space<hbm>>) target(%arg6 : memref<16x1024xf32, #tpu.memory_space<vmem>>) target_semaphore(%arg12 : memref<!tpu.dma_semaphore, #tpu.memory_space<semaphore_mem>>)
      } else {
      }
      %dma_wait3A_387 = arith.constant 0 : i32
      %dma_wait3A_388 = arith.constant 0 : i32
      %dma_wait3A_389 = tpu.memref_slice %arg2[%dma_wait3A_387, %dma_wait3A_388] : memref<32768x1024xf32, #tpu.memory_space<hbm>> -> memref<16x1024xf32, #tpu.memory_space<hbm>>
      %dma_wait3A_390 = arith.constant 0 : i32
      %dma_wait3A_391 = arith.constant 0 : i32
      %dma_wait3A_392 = tpu.memref_slice %arg2[%dma_wait3A_390, %dma_wait3A_391] : memref<32768x1024xf32, #tpu.memory_space<hbm>> -> memref<16x1024xf32, #tpu.memory_space<hbm>>
      tpu.wait_dma2 semaphore(%arg14 : memref<!tpu.dma_semaphore, #tpu.memory_space<semaphore_mem>>) src(%dma_wait3A_392 : memref<16x1024xf32, #tpu.memory_space<hbm>>) dst(%arg8 : memref<16x1024xf32, #tpu.memory_space<vmem>>)
      %scan3A_393 = arith.constant 0 : i32
      %scan3A_394 = arith.constant 16 : i32
      %scan3A_395 = arith.addi %scan3A_393, %scan3A_394 : i32
      %scan3A_396 = arith.constant 1 : i32
      scf.for %scan3A_865 = %scan3A_393 to %scan3A_395 step %scan3A_396  : i32 {
        %mul3A_866 = arith.constant 1 : i32
        %mul3A_867 = arith.muli %scan3A_865, %mul3A_866 : i32
        %add3A_868 = arith.constant 0 : i32
        %add3A_869 = arith.addi %add3A_868, %mul3A_867 : i32
        %scan3A_870 = arith.constant 0 : i32
        %scan3A_871 = arith.constant 64 : i32
        %scan3A_872 = arith.addi %scan3A_870, %scan3A_871 : i32
        %scan3A_873 = arith.constant 8 : i32
        scf.for %scan3A_875 = %scan3A_870 to %scan3A_872 step %scan3A_873  : i32 {
          %mul3A_876 = arith.constant 1 : i32
          %mul3A_877 = arith.muli %scan3A_875, %mul3A_876 : i32
          %add3A_878 = arith.constant 0 : i32
          %add3A_879 = arith.addi %add3A_878, %mul3A_877 : i32
          %mul3A_880 = arith.constant 16 : i32
          %mul3A_881 = arith.muli %add3A_879, %mul3A_880 : i32
          %get3A = arith.index_cast %add3A_869 : i32 to index
          %get3A_882 = arith.index_cast %mul3A_881 : i32 to index
          %get3A_883 = tpu.vector_load %arg9[%get3A, %get3A_882] {strides = array<i32>} : memref<16x1024xf32, #tpu.memory_space<vmem>>, vector<1x16xf32>,
          %get3A_884 = vector.shape_cast %get3A_883 : vector<1x16xf32> to vector<16xf32>
          %swap3A = arith.index_cast %add3A_869 : i32 to index
          %swap3A_885 = arith.index_cast %mul3A_881 : i32 to index
          %swap3A_886 = tpu.vector_load %arg8[%swap3A, %swap3A_885] {strides = array<i32>} : memref<16x1024xf32, #tpu.memory_space<vmem>>, vector<1x16xf32>,
          %swap3A_887 = vector.shape_cast %swap3A_886 : vector<1x16xf32> to vector<16xf32>
          %swap3A_888 = vector.shape_cast %get3A_884 : vector<16xf32> to vector<1x16xf32>
          tpu.vector_store %arg8[%swap3A, %swap3A_885], %swap3A_888 {add = true, strides = array<i32>} : memref<16x1024xf32, #tpu.memory_space<vmem>>, vector<1x16xf32>,
          %scan3A_889 = arith.constant 1 : i32
          %scan3A_890 = arith.addi %scan3A_875, %scan3A_889 : i32
          %mul3A_891 = arith.constant 1 : i32
          %mul3A_892 = arith.muli %scan3A_890, %mul3A_891 : i32
          %add3A_893 = arith.constant 0 : i32
          %add3A_894 = arith.addi %add3A_893, %mul3A_892 : i32
          %mul3A_895 = arith.constant 16 : i32
          %mul3A_896 = arith.muli %add3A_894, %mul3A_895 : i32
          %get3A_897 = arith.index_cast %add3A_869 : i32 to index
          %get3A_898 = arith.index_cast %mul3A_896 : i32 to index
          %get3A_899 = tpu.vector_load %arg9[%get3A_897, %get3A_898] {strides = array<i32>} : memref<16x1024xf32, #tpu.memory_space<vmem>>, vector<1x16xf32>,
          %get3A_900 = vector.shape_cast %get3A_899 : vector<1x16xf32> to vector<16xf32>
          %swap3A_901 = arith.index_cast %add3A_869 : i32 to index
          %swap3A_902 = arith.index_cast %mul3A_896 : i32 to index
          %swap3A_903 = tpu.vector_load %arg8[%swap3A_901, %swap3A_902] {strides = array<i32>} : memref<16x1024xf32, #tpu.memory_space<vmem>>, vector<1x16xf32>,
          %swap3A_904 = vector.shape_cast %swap3A_903 : vector<1x16xf32> to vector<16xf32>
          %swap3A_905 = vector.shape_cast %get3A_900 : vector<16xf32> to vector<1x16xf32>
          tpu.vector_store %arg8[%swap3A_901, %swap3A_902], %swap3A_905 {add = true, strides = array<i32>} : memref<16x1024xf32, #tpu.memory_space<vmem>>, vector<1x16xf32>,
          %scan3A_906 = arith.constant 2 : i32
          %scan3A_907 = arith.addi %scan3A_875, %scan3A_906 : i32
          %mul3A_908 = arith.constant 1 : i32
          %mul3A_909 = arith.muli %scan3A_907, %mul3A_908 : i32
          %add3A_910 = arith.constant 0 : i32
          %add3A_911 = arith.addi %add3A_910, %mul3A_909 : i32
          %mul3A_912 = arith.constant 16 : i32
          %mul3A_913 = arith.muli %add3A_911, %mul3A_912 : i32
          %get3A_914 = arith.index_cast %add3A_869 : i32 to index
          %get3A_915 = arith.index_cast %mul3A_913 : i32 to index
          %get3A_916 = tpu.vector_load %arg9[%get3A_914, %get3A_915] {strides = array<i32>} : memref<16x1024xf32, #tpu.memory_space<vmem>>, vector<1x16xf32>,
          %get3A_917 = vector.shape_cast %get3A_916 : vector<1x16xf32> to vector<16xf32>
          %swap3A_918 = arith.index_cast %add3A_869 : i32 to index
          %swap3A_919 = arith.index_cast %mul3A_913 : i32 to index
          %swap3A_920 = tpu.vector_load %arg8[%swap3A_918, %swap3A_919] {strides = array<i32>} : memref<16x1024xf32, #tpu.memory_space<vmem>>, vector<1x16xf32>,
          %swap3A_921 = vector.shape_cast %swap3A_920 : vector<1x16xf32> to vector<16xf32>
          %swap3A_922 = vector.shape_cast %get3A_917 : vector<16xf32> to vector<1x16xf32>
          tpu.vector_store %arg8[%swap3A_918, %swap3A_919], %swap3A_922 {add = true, strides = array<i32>} : memref<16x1024xf32, #tpu.memory_space<vmem>>, vector<1x16xf32>,
          %scan3A_923 = arith.constant 3 : i32
          %scan3A_924 = arith.addi %scan3A_875, %scan3A_923 : i32
          %mul3A_925 = arith.constant 1 : i32
          %mul3A_926 = arith.muli %scan3A_924, %mul3A_925 : i32
          %add3A_927 = arith.constant 0 : i32
          %add3A_928 = arith.addi %add3A_927, %mul3A_926 : i32
          %mul3A_929 = arith.constant 16 : i32
          %mul3A_930 = arith.muli %add3A_928, %mul3A_929 : i32
          %get3A_931 = arith.index_cast %add3A_869 : i32 to index
          %get3A_932 = arith.index_cast %mul3A_930 : i32 to index
          %get3A_933 = tpu.vector_load %arg9[%get3A_931, %get3A_932] {strides = array<i32>} : memref<16x1024xf32, #tpu.memory_space<vmem>>, vector<1x16xf32>,
          %get3A_934 = vector.shape_cast %get3A_933 : vector<1x16xf32> to vector<16xf32>
          %swap3A_935 = arith.index_cast %add3A_869 : i32 to index
          %swap3A_936 = arith.index_cast %mul3A_930 : i32 to index
          %swap3A_937 = tpu.vector_load %arg8[%swap3A_935, %swap3A_936] {strides = array<i32>} : memref<16x1024xf32, #tpu.memory_space<vmem>>, vector<1x16xf32>,
          %swap3A_938 = vector.shape_cast %swap3A_937 : vector<1x16xf32> to vector<16xf32>
          %swap3A_939 = vector.shape_cast %get3A_934 : vector<16xf32> to vector<1x16xf32>
          tpu.vector_store %arg8[%swap3A_935, %swap3A_936], %swap3A_939 {add = true, strides = array<i32>} : memref<16x1024xf32, #tpu.memory_space<vmem>>, vector<1x16xf32>,
          %scan3A_940 = arith.constant 4 : i32
          %scan3A_941 = arith.addi %scan3A_875, %scan3A_940 : i32
          %mul3A_942 = arith.constant 1 : i32
          %mul3A_943 = arith.muli %scan3A_941, %mul3A_942 : i32
          %add3A_944 = arith.constant 0 : i32
          %add3A_945 = arith.addi %add3A_944, %mul3A_943 : i32
          %mul3A_946 = arith.constant 16 : i32
          %mul3A_947 = arith.muli %add3A_945, %mul3A_946 : i32
          %get3A_948 = arith.index_cast %add3A_869 : i32 to index
          %get3A_949 = arith.index_cast %mul3A_947 : i32 to index
          %get3A_950 = tpu.vector_load %arg9[%get3A_948, %get3A_949] {strides = array<i32>} : memref<16x1024xf32, #tpu.memory_space<vmem>>, vector<1x16xf32>,
          %get3A_951 = vector.shape_cast %get3A_950 : vector<1x16xf32> to vector<16xf32>
          %swap3A_952 = arith.index_cast %add3A_869 : i32 to index
          %swap3A_953 = arith.index_cast %mul3A_947 : i32 to index
          %swap3A_954 = tpu.vector_load %arg8[%swap3A_952, %swap3A_953] {strides = array<i32>} : memref<16x1024xf32, #tpu.memory_space<vmem>>, vector<1x16xf32>,
          %swap3A_955 = vector.shape_cast %swap3A_954 : vector<1x16xf32> to vector<16xf32>
          %swap3A_956 = vector.shape_cast %get3A_951 : vector<16xf32> to vector<1x16xf32>
          tpu.vector_store %arg8[%swap3A_952, %swap3A_953], %swap3A_956 {add = true, strides = array<i32>} : memref<16x1024xf32, #tpu.memory_space<vmem>>, vector<1x16xf32>,
          %scan3A_957 = arith.constant 5 : i32
          %scan3A_958 = arith.addi %scan3A_875, %scan3A_957 : i32
          %mul3A_959 = arith.constant 1 : i32
          %mul3A_960 = arith.muli %scan3A_958, %mul3A_959 : i32
          %add3A_961 = arith.constant 0 : i32
          %add3A_962 = arith.addi %add3A_961, %mul3A_960 : i32
          %mul3A_963 = arith.constant 16 : i32
          %mul3A_964 = arith.muli %add3A_962, %mul3A_963 : i32
          %get3A_965 = arith.index_cast %add3A_869 : i32 to index
          %get3A_966 = arith.index_cast %mul3A_964 : i32 to index
          %get3A_967 = tpu.vector_load %arg9[%get3A_965, %get3A_966] {strides = array<i32>} : memref<16x1024xf32, #tpu.memory_space<vmem>>, vector<1x16xf32>,
          %get3A_968 = vector.shape_cast %get3A_967 : vector<1x16xf32> to vector<16xf32>
          %swap3A_969 = arith.index_cast %add3A_869 : i32 to index
          %swap3A_970 = arith.index_cast %mul3A_964 : i32 to index
          %swap3A_971 = tpu.vector_load %arg8[%swap3A_969, %swap3A_970] {strides = array<i32>} : memref<16x1024xf32, #tpu.memory_space<vmem>>, vector<1x16xf32>,
          %swap3A_972 = vector.shape_cast %swap3A_971 : vector<1x16xf32> to vector<16xf32>
          %swap3A_973 = vector.shape_cast %get3A_968 : vector<16xf32> to vector<1x16xf32>
          tpu.vector_store %arg8[%swap3A_969, %swap3A_970], %swap3A_973 {add = true, strides = array<i32>} : memref<16x1024xf32, #tpu.memory_space<vmem>>, vector<1x16xf32>,
          %scan3A_974 = arith.constant 6 : i32
          %scan3A_975 = arith.addi %scan3A_875, %scan3A_974 : i32
          %mul3A_976 = arith.constant 1 : i32
          %mul3A_977 = arith.muli %scan3A_975, %mul3A_976 : i32
          %add3A_978 = arith.constant 0 : i32
          %add3A_979 = arith.addi %add3A_978, %mul3A_977 : i32
          %mul3A_980 = arith.constant 16 : i32
          %mul3A_981 = arith.muli %add3A_979, %mul3A_980 : i32
          %get3A_982 = arith.index_cast %add3A_869 : i32 to index
          %get3A_983 = arith.index_cast %mul3A_981 : i32 to index
          %get3A_984 = tpu.vector_load %arg9[%get3A_982, %get3A_983] {strides = array<i32>} : memref<16x1024xf32, #tpu.memory_space<vmem>>, vector<1x16xf32>,
          %get3A_985 = vector.shape_cast %get3A_984 : vector<1x16xf32> to vector<16xf32>
          %swap3A_986 = arith.index_cast %add3A_869 : i32 to index
          %swap3A_987 = arith.index_cast %mul3A_981 : i32 to index
          %swap3A_988 = tpu.vector_load %arg8[%swap3A_986, %swap3A_987] {strides = array<i32>} : memref<16x1024xf32, #tpu.memory_space<vmem>>, vector<1x16xf32>,
          %swap3A_989 = vector.shape_cast %swap3A_988 : vector<1x16xf32> to vector<16xf32>
          %swap3A_990 = vector.shape_cast %get3A_985 : vector<16xf32> to vector<1x16xf32>
          tpu.vector_store %arg8[%swap3A_986, %swap3A_987], %swap3A_990 {add = true, strides = array<i32>} : memref<16x1024xf32, #tpu.memory_space<vmem>>, vector<1x16xf32>,
          %scan3A_991 = arith.constant 7 : i32
          %scan3A_992 = arith.addi %scan3A_875, %scan3A_991 : i32
          %mul3A_993 = arith.constant 1 : i32
          %mul3A_994 = arith.muli %scan3A_992, %mul3A_993 : i32
          %add3A_995 = arith.constant 0 : i32
          %add3A_996 = arith.addi %add3A_995, %mul3A_994 : i32
          %mul3A_997 = arith.constant 16 : i32
          %mul3A_998 = arith.muli %add3A_996, %mul3A_997 : i32
          %get3A_999 = arith.index_cast %add3A_869 : i32 to index
          %get3A_1000 = arith.index_cast %mul3A_998 : i32 to index
          %get3A_1001 = tpu.vector_load %arg9[%get3A_999, %get3A_1000] {strides = array<i32>} : memref<16x1024xf32, #tpu.memory_space<vmem>>, vector<1x16xf32>,
          %get3A_1002 = vector.shape_cast %get3A_1001 : vector<1x16xf32> to vector<16xf32>
          %swap3A_1003 = arith.index_cast %add3A_869 : i32 to index
          %swap3A_1004 = arith.index_cast %mul3A_998 : i32 to index
          %swap3A_1005 = tpu.vector_load %arg8[%swap3A_1003, %swap3A_1004] {strides = array<i32>} : memref<16x1024xf32, #tpu.memory_space<vmem>>, vector<1x16xf32>,
          %swap3A_1006 = vector.shape_cast %swap3A_1005 : vector<1x16xf32> to vector<16xf32>
          %swap3A_1007 = vector.shape_cast %get3A_1002 : vector<16xf32> to vector<1x16xf32>
          tpu.vector_store %arg8[%swap3A_1003, %swap3A_1004], %swap3A_1007 {add = true, strides = array<i32>} : memref<16x1024xf32, #tpu.memory_space<vmem>>, vector<1x16xf32>,
        }
        %scan3A_874 = arith.constant 64 : i32
      }
      %scan3A_397 = arith.constant 16 : i32
      %jit3A_398 = arith.constant 4 : i32
      %eq3A_399 = arith.constant 0 : i32
      %eq3A_400 = arith.cmpi eq, %jit3A_398, %eq3A_399 : i32
      %jit3A_401 = arith.constant 1 : i32
      %select_n3A_402 = arith.select %eq3A_400, %jit3A_401, %jit3A_398 : i32
      %rem3A_403 = arith.remsi %add3A_350, %select_n3A_402 : i32
      %ne3A_404 = arith.constant 0 : i32
      %ne3A_405 = arith.cmpi ne, %rem3A_403, %ne3A_404 : i32
      %lt3A_406 = arith.constant 0 : i32
      %lt3A_407 = arith.cmpi slt, %rem3A_403, %lt3A_406 : i32
      %lt3A_408 = arith.constant 0 : i32
      %lt3A_409 = arith.cmpi slt, %select_n3A_402, %lt3A_408 : i32
      %ne3A_410 = arith.xori %lt3A_407, %lt3A_409 : i1
      %and3A_411 = arith.andi %ne3A_410, %ne3A_405 : i1
      %add3A_412 = arith.addi %rem3A_403, %select_n3A_402 : i32
      %select_n3A_413 = arith.select %and3A_411, %add3A_412, %rem3A_403 : i32
      %mul3A_414 = arith.constant 8192 : i32
      %mul3A_415 = arith.muli %select_n3A_413, %mul3A_414 : i32
      %add3A_416 = arith.addi %mul3A_415, %mul3A_2 : i32
      %jit3A_417 = arith.constant 4 : i32
      %div3A_418 = arith.divsi %add3A_350, %jit3A_417 : i32
      %sign3A_419 = arith.constant 0 : i32
      %sign3A_420 = arith.cmpi sgt, %add3A_350, %sign3A_419 : i32
      %sign3A_421 = arith.extui %sign3A_420 : i1 to i32
      %sign3A_422 = arith.constant 0 : i32
      %sign3A_423 = arith.cmpi slt, %add3A_350, %sign3A_422 : i32
      %sign3A_424 = arith.extui %sign3A_423 : i1 to i32
      %sign3A_425 = arith.subi %sign3A_421, %sign3A_424 : i32
      %sign3A_426 = arith.constant 0 : i32
      %sign3A_427 = arith.cmpi sgt, %jit3A_417, %sign3A_426 : i32
      %sign3A_428 = arith.extui %sign3A_427 : i1 to i32
      %sign3A_429 = arith.constant 0 : i32
      %sign3A_430 = arith.cmpi slt, %jit3A_417, %sign3A_429 : i32
      %sign3A_431 = arith.extui %sign3A_430 : i1 to i32
      %sign3A_432 = arith.subi %sign3A_428, %sign3A_431 : i32
      %ne3A_433 = arith.cmpi ne, %sign3A_425, %sign3A_432 : i32
      %rem3A_434 = arith.remsi %add3A_350, %jit3A_417 : i32
      %ne3A_435 = arith.constant 0 : i32
      %ne3A_436 = arith.cmpi ne, %rem3A_434, %ne3A_435 : i32
      %and3A_437 = arith.andi %ne3A_433, %ne3A_436 : i1
      %sub3A_438 = arith.constant 1 : i32
      %sub3A_439 = arith.subi %div3A_418, %sub3A_438 : i32
      %select_n3A_440 = arith.select %and3A_437, %sub3A_439, %div3A_418 : i32
      %mul3A_441 = arith.constant 16 : i32
      %mul3A_442 = arith.muli %select_n3A_440, %mul3A_441 : i32
      %add3A_443 = arith.addi %add3A_416, %mul3A_442 : i32
      %dma_start3A_444 = arith.constant 0 : i32
      %dma_start3A_445 = tpu.memref_slice %arg4[%add3A_443, %dma_start3A_444] : memref<32768x1024xf32, #tpu.memory_space<hbm>> -> memref<16x1024xf32, #tpu.memory_space<hbm>>
      %dma_start3A_446 = arith.constant 0 : i32
      %dma_start3A_447 = tpu.memref_slice %arg4[%add3A_443, %dma_start3A_446] : memref<32768x1024xf32, #tpu.memory_space<hbm>> -> memref<16x1024xf32, #tpu.memory_space<hbm>>
      tpu.enqueue_dma source(%arg8 : memref<16x1024xf32, #tpu.memory_space<vmem>>) target(%dma_start3A_447 : memref<16x1024xf32, #tpu.memory_space<hbm>>) target_semaphore(%arg20 : memref<!tpu.dma_semaphore, #tpu.memory_space<semaphore_mem>>)
      %mul3A_448 = arith.constant 8 : i32
      %mul3A_449 = arith.muli %add3A_43, %mul3A_448 : i32
      %add3A_450 = arith.constant 4 : i32
      %add3A_451 = arith.addi %mul3A_449, %add3A_450 : i32
      %jit3A_452 = arith.constant 4 : i32
      %div3A_453 = arith.divsi %add3A_451, %jit3A_452 : i32
      %sign3A_454 = arith.constant 0 : i32
      %sign3A_455 = arith.cmpi sgt, %add3A_451, %sign3A_454 : i32
      %sign3A_456 = arith.extui %sign3A_455 : i1 to i32
      %sign3A_457 = arith.constant 0 : i32
      %sign3A_458 = arith.cmpi slt, %add3A_451, %sign3A_457 : i32
      %sign3A_459 = arith.extui %sign3A_458 : i1 to i32
      %sign3A_460 = arith.subi %sign3A_456, %sign3A_459 : i32
      %sign3A_461 = arith.constant 0 : i32
      %sign3A_462 = arith.cmpi sgt, %jit3A_452, %sign3A_461 : i32
      %sign3A_463 = arith.extui %sign3A_462 : i1 to i32
      %sign3A_464 = arith.constant 0 : i32
      %sign3A_465 = arith.cmpi slt, %jit3A_452, %sign3A_464 : i32
      %sign3A_466 = arith.extui %sign3A_465 : i1 to i32
      %sign3A_467 = arith.subi %sign3A_463, %sign3A_466 : i32
      %ne3A_468 = arith.cmpi ne, %sign3A_460, %sign3A_467 : i32
      %rem3A_469 = arith.remsi %add3A_451, %jit3A_452 : i32
      %ne3A_470 = arith.constant 0 : i32
      %ne3A_471 = arith.cmpi ne, %rem3A_469, %ne3A_470 : i32
      %and3A_472 = arith.andi %ne3A_468, %ne3A_471 : i1
      %sub3A_473 = arith.constant 1 : i32
      %sub3A_474 = arith.subi %div3A_453, %sub3A_473 : i32
      %select_n3A_475 = arith.select %and3A_472, %sub3A_474, %div3A_453 : i32
      %ge3A_476 = arith.constant 2 : i32
      %ge3A_477 = arith.cmpi sge, %add3A_451, %ge3A_476 : i32
      %convert_element_type3A_478 = arith.extui %ge3A_477 : i1 to i32
      %cond3A_479 = arith.constant 0 : i32
      %cond3A_480 = arith.cmpi ne, %convert_element_type3A_478, %cond3A_479 : i32
      scf.if %cond3A_480 {
        %dma_wait3A_865 = arith.constant 0 : i32
        %dma_wait3A_866 = arith.constant 0 : i32
        %dma_wait3A_867 = tpu.memref_slice %arg2[%dma_wait3A_865, %dma_wait3A_866] : memref<32768x1024xf32, #tpu.memory_space<hbm>> -> memref<16x1024xf32, #tpu.memory_space<hbm>>
        %dma_wait3A_868 = arith.constant 0 : i32
        %dma_wait3A_869 = arith.constant 0 : i32
        %dma_wait3A_870 = tpu.memref_slice %arg2[%dma_wait3A_868, %dma_wait3A_869] : memref<32768x1024xf32, #tpu.memory_space<hbm>> -> memref<16x1024xf32, #tpu.memory_space<hbm>>
        tpu.wait_dma2 semaphore(%arg19 : memref<!tpu.dma_semaphore, #tpu.memory_space<semaphore_mem>>) src(%dma_wait3A_870 : memref<16x1024xf32, #tpu.memory_space<hbm>>) dst(%arg7 : memref<16x1024xf32, #tpu.memory_space<vmem>>)
      } else {
      }
      %add3A_481 = arith.constant 2 : i32
      %add3A_482 = arith.addi %add3A_451, %add3A_481 : i32
      %lt3A_483 = arith.constant 64 : i32
      %lt3A_484 = arith.cmpi slt, %add3A_482, %lt3A_483 : i32
      %convert_element_type3A_485 = arith.extui %lt3A_484 : i1 to i32
      %cond3A_486 = arith.constant 0 : i32
      %cond3A_487 = arith.cmpi ne, %convert_element_type3A_485, %cond3A_486 : i32
      scf.if %cond3A_487 {
        %add3A_865 = arith.constant 2 : i32
        %add3A_866 = arith.addi %add3A_451, %add3A_865 : i32
        %jit3A_867 = arith.constant 4 : i32
        %eq3A_868 = arith.constant 0 : i32
        %eq3A_869 = arith.cmpi eq, %jit3A_867, %eq3A_868 : i32
        %jit3A_870 = arith.constant 1 : i32
        %select_n3A_871 = arith.select %eq3A_869, %jit3A_870, %jit3A_867 : i32
        %rem3A_872 = arith.remsi %add3A_866, %select_n3A_871 : i32
        %ne3A_873 = arith.constant 0 : i32
        %ne3A_874 = arith.cmpi ne, %rem3A_872, %ne3A_873 : i32
        %lt3A_875 = arith.constant 0 : i32
        %lt3A_876 = arith.cmpi slt, %rem3A_872, %lt3A_875 : i32
        %lt3A_877 = arith.constant 0 : i32
        %lt3A_878 = arith.cmpi slt, %select_n3A_871, %lt3A_877 : i32
        %ne3A_879 = arith.xori %lt3A_876, %lt3A_878 : i1
        %and3A_880 = arith.andi %ne3A_879, %ne3A_874 : i1
        %add3A_881 = arith.addi %rem3A_872, %select_n3A_871 : i32
        %select_n3A_882 = arith.select %and3A_880, %add3A_881, %rem3A_872 : i32
        %mul3A_883 = arith.constant 8192 : i32
        %mul3A_884 = arith.muli %select_n3A_882, %mul3A_883 : i32
        %add3A_885 = arith.addi %mul3A_884, %mul3A_2 : i32
        %jit3A_886 = arith.constant 4 : i32
        %div3A_887 = arith.divsi %add3A_866, %jit3A_886 : i32
        %sign3A_888 = arith.constant 0 : i32
        %sign3A_889 = arith.cmpi sgt, %add3A_866, %sign3A_888 : i32
        %sign3A_890 = arith.extui %sign3A_889 : i1 to i32
        %sign3A_891 = arith.constant 0 : i32
        %sign3A_892 = arith.cmpi slt, %add3A_866, %sign3A_891 : i32
        %sign3A_893 = arith.extui %sign3A_892 : i1 to i32
        %sign3A_894 = arith.subi %sign3A_890, %sign3A_893 : i32
        %sign3A_895 = arith.constant 0 : i32
        %sign3A_896 = arith.cmpi sgt, %jit3A_886, %sign3A_895 : i32
        %sign3A_897 = arith.extui %sign3A_896 : i1 to i32
        %sign3A_898 = arith.constant 0 : i32
        %sign3A_899 = arith.cmpi slt, %jit3A_886, %sign3A_898 : i32
        %sign3A_900 = arith.extui %sign3A_899 : i1 to i32
        %sign3A_901 = arith.subi %sign3A_897, %sign3A_900 : i32
        %ne3A_902 = arith.cmpi ne, %sign3A_894, %sign3A_901 : i32
        %rem3A_903 = arith.remsi %add3A_866, %jit3A_886 : i32
        %ne3A_904 = arith.constant 0 : i32
        %ne3A_905 = arith.cmpi ne, %rem3A_903, %ne3A_904 : i32
        %and3A_906 = arith.andi %ne3A_902, %ne3A_905 : i1
        %sub3A_907 = arith.constant 1 : i32
        %sub3A_908 = arith.subi %div3A_887, %sub3A_907 : i32
        %select_n3A_909 = arith.select %and3A_906, %sub3A_908, %div3A_887 : i32
        %mul3A_910 = arith.constant 16 : i32
        %mul3A_911 = arith.muli %select_n3A_909, %mul3A_910 : i32
        %add3A_912 = arith.addi %add3A_885, %mul3A_911 : i32
        %dma_start3A_913 = arith.constant 0 : i32
        %dma_start3A_914 = tpu.memref_slice %arg2[%add3A_912, %dma_start3A_913] : memref<32768x1024xf32, #tpu.memory_space<hbm>> -> memref<16x1024xf32, #tpu.memory_space<hbm>>
        %dma_start3A_915 = arith.constant 0 : i32
        %dma_start3A_916 = tpu.memref_slice %arg2[%add3A_912, %dma_start3A_915] : memref<32768x1024xf32, #tpu.memory_space<hbm>> -> memref<16x1024xf32, #tpu.memory_space<hbm>>
        tpu.enqueue_dma source(%dma_start3A_916 : memref<16x1024xf32, #tpu.memory_space<hbm>>) target(%arg7 : memref<16x1024xf32, #tpu.memory_space<vmem>>) target_semaphore(%arg13 : memref<!tpu.dma_semaphore, #tpu.memory_space<semaphore_mem>>)
      } else {
      }
      %dma_wait3A_488 = arith.constant 0 : i32
      %dma_wait3A_489 = arith.constant 0 : i32
      %dma_wait3A_490 = tpu.memref_slice %arg2[%dma_wait3A_488, %dma_wait3A_489] : memref<32768x1024xf32, #tpu.memory_space<hbm>> -> memref<16x1024xf32, #tpu.memory_space<hbm>>
      %dma_wait3A_491 = arith.constant 0 : i32
      %dma_wait3A_492 = arith.constant 0 : i32
      %dma_wait3A_493 = tpu.memref_slice %arg2[%dma_wait3A_491, %dma_wait3A_492] : memref<32768x1024xf32, #tpu.memory_space<hbm>> -> memref<16x1024xf32, #tpu.memory_space<hbm>>
      tpu.wait_dma2 semaphore(%arg16 : memref<!tpu.dma_semaphore, #tpu.memory_space<semaphore_mem>>) src(%dma_wait3A_493 : memref<16x1024xf32, #tpu.memory_space<hbm>>) dst(%arg10 : memref<16x1024xf32, #tpu.memory_space<vmem>>)
      %add3A_494 = arith.constant 1 : i32
      %add3A_495 = arith.addi %select_n3A_475, %add3A_494 : i32
      %lt3A_496 = arith.constant 16 : i32
      %lt3A_497 = arith.cmpi slt, %add3A_495, %lt3A_496 : i32
      %convert_element_type3A_498 = arith.extui %lt3A_497 : i1 to i32
      %cond3A_499 = arith.constant 0 : i32
      %cond3A_500 = arith.cmpi ne, %convert_element_type3A_498, %cond3A_499 : i32
      scf.if %cond3A_500 {
        %add3A_865 = arith.constant 1 : i32
        %add3A_866 = arith.addi %select_n3A_475, %add3A_865 : i32
        %mul3A_867 = arith.constant 16 : i32
        %mul3A_868 = arith.muli %add3A_866, %mul3A_867 : i32
        %add3A_869 = arith.addi %mul3A_2, %mul3A_868 : i32
        %dma_start3A_870 = arith.constant 0 : i32
        %dma_start3A_871 = tpu.memref_slice %arg3[%add3A_869, %dma_start3A_870] : memref<10000x1024xf32, #tpu.memory_space<hbm>> -> memref<16x1024xf32, #tpu.memory_space<hbm>>
        %dma_start3A_872 = arith.constant 0 : i32
        %dma_start3A_873 = tpu.memref_slice %arg3[%add3A_869, %dma_start3A_872] : memref<10000x1024xf32, #tpu.memory_space<hbm>> -> memref<16x1024xf32, #tpu.memory_space<hbm>>
        tpu.enqueue_dma source(%dma_start3A_873 : memref<16x1024xf32, #tpu.memory_space<hbm>>) target(%arg9 : memref<16x1024xf32, #tpu.memory_space<vmem>>) target_semaphore(%arg15 : memref<!tpu.dma_semaphore, #tpu.memory_space<semaphore_mem>>)
      } else {
      }
      %dma_wait3A_501 = arith.constant 0 : i32
      %dma_wait3A_502 = arith.constant 0 : i32
      %dma_wait3A_503 = tpu.memref_slice %arg2[%dma_wait3A_501, %dma_wait3A_502] : memref<32768x1024xf32, #tpu.memory_space<hbm>> -> memref<16x1024xf32, #tpu.memory_space<hbm>>
      %dma_wait3A_504 = arith.constant 0 : i32
      %dma_wait3A_505 = arith.constant 0 : i32
      %dma_wait3A_506 = tpu.memref_slice %arg2[%dma_wait3A_504, %dma_wait3A_505] : memref<32768x1024xf32, #tpu.memory_space<hbm>> -> memref<16x1024xf32, #tpu.memory_space<hbm>>
      tpu.wait_dma2 semaphore(%arg11 : memref<!tpu.dma_semaphore, #tpu.memory_space<semaphore_mem>>) src(%dma_wait3A_506 : memref<16x1024xf32, #tpu.memory_space<hbm>>) dst(%arg5 : memref<16x1024xf32, #tpu.memory_space<vmem>>)
      %scan3A_507 = arith.constant 0 : i32
      %scan3A_508 = arith.constant 16 : i32
      %scan3A_509 = arith.addi %scan3A_507, %scan3A_508 : i32
      %scan3A_510 = arith.constant 1 : i32
      scf.for %scan3A_865 = %scan3A_507 to %scan3A_509 step %scan3A_510  : i32 {
        %mul3A_866 = arith.constant 1 : i32
        %mul3A_867 = arith.muli %scan3A_865, %mul3A_866 : i32
        %add3A_868 = arith.constant 0 : i32
        %add3A_869 = arith.addi %add3A_868, %mul3A_867 : i32
        %scan3A_870 = arith.constant 0 : i32
        %scan3A_871 = arith.constant 64 : i32
        %scan3A_872 = arith.addi %scan3A_870, %scan3A_871 : i32
        %scan3A_873 = arith.constant 8 : i32
        scf.for %scan3A_875 = %scan3A_870 to %scan3A_872 step %scan3A_873  : i32 {
          %mul3A_876 = arith.constant 1 : i32
          %mul3A_877 = arith.muli %scan3A_875, %mul3A_876 : i32
          %add3A_878 = arith.constant 0 : i32
          %add3A_879 = arith.addi %add3A_878, %mul3A_877 : i32
          %mul3A_880 = arith.constant 16 : i32
          %mul3A_881 = arith.muli %add3A_879, %mul3A_880 : i32
          %get3A = arith.index_cast %add3A_869 : i32 to index
          %get3A_882 = arith.index_cast %mul3A_881 : i32 to index
          %get3A_883 = tpu.vector_load %arg10[%get3A, %get3A_882] {strides = array<i32>} : memref<16x1024xf32, #tpu.memory_space<vmem>>, vector<1x16xf32>,
          %get3A_884 = vector.shape_cast %get3A_883 : vector<1x16xf32> to vector<16xf32>
          %swap3A = arith.index_cast %add3A_869 : i32 to index
          %swap3A_885 = arith.index_cast %mul3A_881 : i32 to index
          %swap3A_886 = tpu.vector_load %arg5[%swap3A, %swap3A_885] {strides = array<i32>} : memref<16x1024xf32, #tpu.memory_space<vmem>>, vector<1x16xf32>,
          %swap3A_887 = vector.shape_cast %swap3A_886 : vector<1x16xf32> to vector<16xf32>
          %swap3A_888 = vector.shape_cast %get3A_884 : vector<16xf32> to vector<1x16xf32>
          tpu.vector_store %arg5[%swap3A, %swap3A_885], %swap3A_888 {add = true, strides = array<i32>} : memref<16x1024xf32, #tpu.memory_space<vmem>>, vector<1x16xf32>,
          %scan3A_889 = arith.constant 1 : i32
          %scan3A_890 = arith.addi %scan3A_875, %scan3A_889 : i32
          %mul3A_891 = arith.constant 1 : i32
          %mul3A_892 = arith.muli %scan3A_890, %mul3A_891 : i32
          %add3A_893 = arith.constant 0 : i32
          %add3A_894 = arith.addi %add3A_893, %mul3A_892 : i32
          %mul3A_895 = arith.constant 16 : i32
          %mul3A_896 = arith.muli %add3A_894, %mul3A_895 : i32
          %get3A_897 = arith.index_cast %add3A_869 : i32 to index
          %get3A_898 = arith.index_cast %mul3A_896 : i32 to index
          %get3A_899 = tpu.vector_load %arg10[%get3A_897, %get3A_898] {strides = array<i32>} : memref<16x1024xf32, #tpu.memory_space<vmem>>, vector<1x16xf32>,
          %get3A_900 = vector.shape_cast %get3A_899 : vector<1x16xf32> to vector<16xf32>
          %swap3A_901 = arith.index_cast %add3A_869 : i32 to index
          %swap3A_902 = arith.index_cast %mul3A_896 : i32 to index
          %swap3A_903 = tpu.vector_load %arg5[%swap3A_901, %swap3A_902] {strides = array<i32>} : memref<16x1024xf32, #tpu.memory_space<vmem>>, vector<1x16xf32>,
          %swap3A_904 = vector.shape_cast %swap3A_903 : vector<1x16xf32> to vector<16xf32>
          %swap3A_905 = vector.shape_cast %get3A_900 : vector<16xf32> to vector<1x16xf32>
          tpu.vector_store %arg5[%swap3A_901, %swap3A_902], %swap3A_905 {add = true, strides = array<i32>} : memref<16x1024xf32, #tpu.memory_space<vmem>>, vector<1x16xf32>,
          %scan3A_906 = arith.constant 2 : i32
          %scan3A_907 = arith.addi %scan3A_875, %scan3A_906 : i32
          %mul3A_908 = arith.constant 1 : i32
          %mul3A_909 = arith.muli %scan3A_907, %mul3A_908 : i32
          %add3A_910 = arith.constant 0 : i32
          %add3A_911 = arith.addi %add3A_910, %mul3A_909 : i32
          %mul3A_912 = arith.constant 16 : i32
          %mul3A_913 = arith.muli %add3A_911, %mul3A_912 : i32
          %get3A_914 = arith.index_cast %add3A_869 : i32 to index
          %get3A_915 = arith.index_cast %mul3A_913 : i32 to index
          %get3A_916 = tpu.vector_load %arg10[%get3A_914, %get3A_915] {strides = array<i32>} : memref<16x1024xf32, #tpu.memory_space<vmem>>, vector<1x16xf32>,
          %get3A_917 = vector.shape_cast %get3A_916 : vector<1x16xf32> to vector<16xf32>
          %swap3A_918 = arith.index_cast %add3A_869 : i32 to index
          %swap3A_919 = arith.index_cast %mul3A_913 : i32 to index
          %swap3A_920 = tpu.vector_load %arg5[%swap3A_918, %swap3A_919] {strides = array<i32>} : memref<16x1024xf32, #tpu.memory_space<vmem>>, vector<1x16xf32>,
          %swap3A_921 = vector.shape_cast %swap3A_920 : vector<1x16xf32> to vector<16xf32>
          %swap3A_922 = vector.shape_cast %get3A_917 : vector<16xf32> to vector<1x16xf32>
          tpu.vector_store %arg5[%swap3A_918, %swap3A_919], %swap3A_922 {add = true, strides = array<i32>} : memref<16x1024xf32, #tpu.memory_space<vmem>>, vector<1x16xf32>,
          %scan3A_923 = arith.constant 3 : i32
          %scan3A_924 = arith.addi %scan3A_875, %scan3A_923 : i32
          %mul3A_925 = arith.constant 1 : i32
          %mul3A_926 = arith.muli %scan3A_924, %mul3A_925 : i32
          %add3A_927 = arith.constant 0 : i32
          %add3A_928 = arith.addi %add3A_927, %mul3A_926 : i32
          %mul3A_929 = arith.constant 16 : i32
          %mul3A_930 = arith.muli %add3A_928, %mul3A_929 : i32
          %get3A_931 = arith.index_cast %add3A_869 : i32 to index
          %get3A_932 = arith.index_cast %mul3A_930 : i32 to index
          %get3A_933 = tpu.vector_load %arg10[%get3A_931, %get3A_932] {strides = array<i32>} : memref<16x1024xf32, #tpu.memory_space<vmem>>, vector<1x16xf32>,
          %get3A_934 = vector.shape_cast %get3A_933 : vector<1x16xf32> to vector<16xf32>
          %swap3A_935 = arith.index_cast %add3A_869 : i32 to index
          %swap3A_936 = arith.index_cast %mul3A_930 : i32 to index
          %swap3A_937 = tpu.vector_load %arg5[%swap3A_935, %swap3A_936] {strides = array<i32>} : memref<16x1024xf32, #tpu.memory_space<vmem>>, vector<1x16xf32>,
          %swap3A_938 = vector.shape_cast %swap3A_937 : vector<1x16xf32> to vector<16xf32>
          %swap3A_939 = vector.shape_cast %get3A_934 : vector<16xf32> to vector<1x16xf32>
          tpu.vector_store %arg5[%swap3A_935, %swap3A_936], %swap3A_939 {add = true, strides = array<i32>} : memref<16x1024xf32, #tpu.memory_space<vmem>>, vector<1x16xf32>,
          %scan3A_940 = arith.constant 4 : i32
          %scan3A_941 = arith.addi %scan3A_875, %scan3A_940 : i32
          %mul3A_942 = arith.constant 1 : i32
          %mul3A_943 = arith.muli %scan3A_941, %mul3A_942 : i32
          %add3A_944 = arith.constant 0 : i32
          %add3A_945 = arith.addi %add3A_944, %mul3A_943 : i32
          %mul3A_946 = arith.constant 16 : i32
          %mul3A_947 = arith.muli %add3A_945, %mul3A_946 : i32
          %get3A_948 = arith.index_cast %add3A_869 : i32 to index
          %get3A_949 = arith.index_cast %mul3A_947 : i32 to index
          %get3A_950 = tpu.vector_load %arg10[%get3A_948, %get3A_949] {strides = array<i32>} : memref<16x1024xf32, #tpu.memory_space<vmem>>, vector<1x16xf32>,
          %get3A_951 = vector.shape_cast %get3A_950 : vector<1x16xf32> to vector<16xf32>
          %swap3A_952 = arith.index_cast %add3A_869 : i32 to index
          %swap3A_953 = arith.index_cast %mul3A_947 : i32 to index
          %swap3A_954 = tpu.vector_load %arg5[%swap3A_952, %swap3A_953] {strides = array<i32>} : memref<16x1024xf32, #tpu.memory_space<vmem>>, vector<1x16xf32>,
          %swap3A_955 = vector.shape_cast %swap3A_954 : vector<1x16xf32> to vector<16xf32>
          %swap3A_956 = vector.shape_cast %get3A_951 : vector<16xf32> to vector<1x16xf32>
          tpu.vector_store %arg5[%swap3A_952, %swap3A_953], %swap3A_956 {add = true, strides = array<i32>} : memref<16x1024xf32, #tpu.memory_space<vmem>>, vector<1x16xf32>,
          %scan3A_957 = arith.constant 5 : i32
          %scan3A_958 = arith.addi %scan3A_875, %scan3A_957 : i32
          %mul3A_959 = arith.constant 1 : i32
          %mul3A_960 = arith.muli %scan3A_958, %mul3A_959 : i32
          %add3A_961 = arith.constant 0 : i32
          %add3A_962 = arith.addi %add3A_961, %mul3A_960 : i32
          %mul3A_963 = arith.constant 16 : i32
          %mul3A_964 = arith.muli %add3A_962, %mul3A_963 : i32
          %get3A_965 = arith.index_cast %add3A_869 : i32 to index
          %get3A_966 = arith.index_cast %mul3A_964 : i32 to index
          %get3A_967 = tpu.vector_load %arg10[%get3A_965, %get3A_966] {strides = array<i32>} : memref<16x1024xf32, #tpu.memory_space<vmem>>, vector<1x16xf32>,
          %get3A_968 = vector.shape_cast %get3A_967 : vector<1x16xf32> to vector<16xf32>
          %swap3A_969 = arith.index_cast %add3A_869 : i32 to index
          %swap3A_970 = arith.index_cast %mul3A_964 : i32 to index
          %swap3A_971 = tpu.vector_load %arg5[%swap3A_969, %swap3A_970] {strides = array<i32>} : memref<16x1024xf32, #tpu.memory_space<vmem>>, vector<1x16xf32>,
          %swap3A_972 = vector.shape_cast %swap3A_971 : vector<1x16xf32> to vector<16xf32>
          %swap3A_973 = vector.shape_cast %get3A_968 : vector<16xf32> to vector<1x16xf32>
          tpu.vector_store %arg5[%swap3A_969, %swap3A_970], %swap3A_973 {add = true, strides = array<i32>} : memref<16x1024xf32, #tpu.memory_space<vmem>>, vector<1x16xf32>,
          %scan3A_974 = arith.constant 6 : i32
          %scan3A_975 = arith.addi %scan3A_875, %scan3A_974 : i32
          %mul3A_976 = arith.constant 1 : i32
          %mul3A_977 = arith.muli %scan3A_975, %mul3A_976 : i32
          %add3A_978 = arith.constant 0 : i32
          %add3A_979 = arith.addi %add3A_978, %mul3A_977 : i32
          %mul3A_980 = arith.constant 16 : i32
          %mul3A_981 = arith.muli %add3A_979, %mul3A_980 : i32
          %get3A_982 = arith.index_cast %add3A_869 : i32 to index
          %get3A_983 = arith.index_cast %mul3A_981 : i32 to index
          %get3A_984 = tpu.vector_load %arg10[%get3A_982, %get3A_983] {strides = array<i32>} : memref<16x1024xf32, #tpu.memory_space<vmem>>, vector<1x16xf32>,
          %get3A_985 = vector.shape_cast %get3A_984 : vector<1x16xf32> to vector<16xf32>
          %swap3A_986 = arith.index_cast %add3A_869 : i32 to index
          %swap3A_987 = arith.index_cast %mul3A_981 : i32 to index
          %swap3A_988 = tpu.vector_load %arg5[%swap3A_986, %swap3A_987] {strides = array<i32>} : memref<16x1024xf32, #tpu.memory_space<vmem>>, vector<1x16xf32>,
          %swap3A_989 = vector.shape_cast %swap3A_988 : vector<1x16xf32> to vector<16xf32>
          %swap3A_990 = vector.shape_cast %get3A_985 : vector<16xf32> to vector<1x16xf32>
          tpu.vector_store %arg5[%swap3A_986, %swap3A_987], %swap3A_990 {add = true, strides = array<i32>} : memref<16x1024xf32, #tpu.memory_space<vmem>>, vector<1x16xf32>,
          %scan3A_991 = arith.constant 7 : i32
          %scan3A_992 = arith.addi %scan3A_875, %scan3A_991 : i32
          %mul3A_993 = arith.constant 1 : i32
          %mul3A_994 = arith.muli %scan3A_992, %mul3A_993 : i32
          %add3A_995 = arith.constant 0 : i32
          %add3A_996 = arith.addi %add3A_995, %mul3A_994 : i32
          %mul3A_997 = arith.constant 16 : i32
          %mul3A_998 = arith.muli %add3A_996, %mul3A_997 : i32
          %get3A_999 = arith.index_cast %add3A_869 : i32 to index
          %get3A_1000 = arith.index_cast %mul3A_998 : i32 to index
          %get3A_1001 = tpu.vector_load %arg10[%get3A_999, %get3A_1000] {strides = array<i32>} : memref<16x1024xf32, #tpu.memory_space<vmem>>, vector<1x16xf32>,
          %get3A_1002 = vector.shape_cast %get3A_1001 : vector<1x16xf32> to vector<16xf32>
          %swap3A_1003 = arith.index_cast %add3A_869 : i32 to index
          %swap3A_1004 = arith.index_cast %mul3A_998 : i32 to index
          %swap3A_1005 = tpu.vector_load %arg5[%swap3A_1003, %swap3A_1004] {strides = array<i32>} : memref<16x1024xf32, #tpu.memory_space<vmem>>, vector<1x16xf32>,
          %swap3A_1006 = vector.shape_cast %swap3A_1005 : vector<1x16xf32> to vector<16xf32>
          %swap3A_1007 = vector.shape_cast %get3A_1002 : vector<16xf32> to vector<1x16xf32>
          tpu.vector_store %arg5[%swap3A_1003, %swap3A_1004], %swap3A_1007 {add = true, strides = array<i32>} : memref<16x1024xf32, #tpu.memory_space<vmem>>, vector<1x16xf32>,
        }
        %scan3A_874 = arith.constant 64 : i32
      }
      %scan3A_511 = arith.constant 16 : i32
      %jit3A_512 = arith.constant 4 : i32
      %eq3A_513 = arith.constant 0 : i32
      %eq3A_514 = arith.cmpi eq, %jit3A_512, %eq3A_513 : i32
      %jit3A_515 = arith.constant 1 : i32
      %select_n3A_516 = arith.select %eq3A_514, %jit3A_515, %jit3A_512 : i32
      %rem3A_517 = arith.remsi %add3A_451, %select_n3A_516 : i32
      %ne3A_518 = arith.constant 0 : i32
      %ne3A_519 = arith.cmpi ne, %rem3A_517, %ne3A_518 : i32
      %lt3A_520 = arith.constant 0 : i32
      %lt3A_521 = arith.cmpi slt, %rem3A_517, %lt3A_520 : i32
      %lt3A_522 = arith.constant 0 : i32
      %lt3A_523 = arith.cmpi slt, %select_n3A_516, %lt3A_522 : i32
      %ne3A_524 = arith.xori %lt3A_521, %lt3A_523 : i1
      %and3A_525 = arith.andi %ne3A_524, %ne3A_519 : i1
      %add3A_526 = arith.addi %rem3A_517, %select_n3A_516 : i32
      %select_n3A_527 = arith.select %and3A_525, %add3A_526, %rem3A_517 : i32
      %mul3A_528 = arith.constant 8192 : i32
      %mul3A_529 = arith.muli %select_n3A_527, %mul3A_528 : i32
      %add3A_530 = arith.addi %mul3A_529, %mul3A_2 : i32
      %jit3A_531 = arith.constant 4 : i32
      %div3A_532 = arith.divsi %add3A_451, %jit3A_531 : i32
      %sign3A_533 = arith.constant 0 : i32
      %sign3A_534 = arith.cmpi sgt, %add3A_451, %sign3A_533 : i32
      %sign3A_535 = arith.extui %sign3A_534 : i1 to i32
      %sign3A_536 = arith.constant 0 : i32
      %sign3A_537 = arith.cmpi slt, %add3A_451, %sign3A_536 : i32
      %sign3A_538 = arith.extui %sign3A_537 : i1 to i32
      %sign3A_539 = arith.subi %sign3A_535, %sign3A_538 : i32
      %sign3A_540 = arith.constant 0 : i32
      %sign3A_541 = arith.cmpi sgt, %jit3A_531, %sign3A_540 : i32
      %sign3A_542 = arith.extui %sign3A_541 : i1 to i32
      %sign3A_543 = arith.constant 0 : i32
      %sign3A_544 = arith.cmpi slt, %jit3A_531, %sign3A_543 : i32
      %sign3A_545 = arith.extui %sign3A_544 : i1 to i32
      %sign3A_546 = arith.subi %sign3A_542, %sign3A_545 : i32
      %ne3A_547 = arith.cmpi ne, %sign3A_539, %sign3A_546 : i32
      %rem3A_548 = arith.remsi %add3A_451, %jit3A_531 : i32
      %ne3A_549 = arith.constant 0 : i32
      %ne3A_550 = arith.cmpi ne, %rem3A_548, %ne3A_549 : i32
      %and3A_551 = arith.andi %ne3A_547, %ne3A_550 : i1
      %sub3A_552 = arith.constant 1 : i32
      %sub3A_553 = arith.subi %div3A_532, %sub3A_552 : i32
      %select_n3A_554 = arith.select %and3A_551, %sub3A_553, %div3A_532 : i32
      %mul3A_555 = arith.constant 16 : i32
      %mul3A_556 = arith.muli %select_n3A_554, %mul3A_555 : i32
      %add3A_557 = arith.addi %add3A_530, %mul3A_556 : i32
      %dma_start3A_558 = arith.constant 0 : i32
      %dma_start3A_559 = tpu.memref_slice %arg4[%add3A_557, %dma_start3A_558] : memref<32768x1024xf32, #tpu.memory_space<hbm>> -> memref<16x1024xf32, #tpu.memory_space<hbm>>
      %dma_start3A_560 = arith.constant 0 : i32
      %dma_start3A_561 = tpu.memref_slice %arg4[%add3A_557, %dma_start3A_560] : memref<32768x1024xf32, #tpu.memory_space<hbm>> -> memref<16x1024xf32, #tpu.memory_space<hbm>>
      tpu.enqueue_dma source(%arg5 : memref<16x1024xf32, #tpu.memory_space<vmem>>) target(%dma_start3A_561 : memref<16x1024xf32, #tpu.memory_space<hbm>>) target_semaphore(%arg17 : memref<!tpu.dma_semaphore, #tpu.memory_space<semaphore_mem>>)
      %mul3A_562 = arith.constant 8 : i32
      %mul3A_563 = arith.muli %add3A_43, %mul3A_562 : i32
      %add3A_564 = arith.constant 5 : i32
      %add3A_565 = arith.addi %mul3A_563, %add3A_564 : i32
      %jit3A_566 = arith.constant 4 : i32
      %div3A_567 = arith.divsi %add3A_565, %jit3A_566 : i32
      %sign3A_568 = arith.constant 0 : i32
      %sign3A_569 = arith.cmpi sgt, %add3A_565, %sign3A_568 : i32
      %sign3A_570 = arith.extui %sign3A_569 : i1 to i32
      %sign3A_571 = arith.constant 0 : i32
      %sign3A_572 = arith.cmpi slt, %add3A_565, %sign3A_571 : i32
      %sign3A_573 = arith.extui %sign3A_572 : i1 to i32
      %sign3A_574 = arith.subi %sign3A_570, %sign3A_573 : i32
      %sign3A_575 = arith.constant 0 : i32
      %sign3A_576 = arith.cmpi sgt, %jit3A_566, %sign3A_575 : i32
      %sign3A_577 = arith.extui %sign3A_576 : i1 to i32
      %sign3A_578 = arith.constant 0 : i32
      %sign3A_579 = arith.cmpi slt, %jit3A_566, %sign3A_578 : i32
      %sign3A_580 = arith.extui %sign3A_579 : i1 to i32
      %sign3A_581 = arith.subi %sign3A_577, %sign3A_580 : i32
      %ne3A_582 = arith.cmpi ne, %sign3A_574, %sign3A_581 : i32
      %rem3A_583 = arith.remsi %add3A_565, %jit3A_566 : i32
      %ne3A_584 = arith.constant 0 : i32
      %ne3A_585 = arith.cmpi ne, %rem3A_583, %ne3A_584 : i32
      %and3A_586 = arith.andi %ne3A_582, %ne3A_585 : i1
      %sub3A_587 = arith.constant 1 : i32
      %sub3A_588 = arith.subi %div3A_567, %sub3A_587 : i32
      %select_n3A_589 = arith.select %and3A_586, %sub3A_588, %div3A_567 : i32
      %ge3A_590 = arith.constant 2 : i32
      %ge3A_591 = arith.cmpi sge, %add3A_565, %ge3A_590 : i32
      %convert_element_type3A_592 = arith.extui %ge3A_591 : i1 to i32
      %cond3A_593 = arith.constant 0 : i32
      %cond3A_594 = arith.cmpi ne, %convert_element_type3A_592, %cond3A_593 : i32
      scf.if %cond3A_594 {
        %dma_wait3A_865 = arith.constant 0 : i32
        %dma_wait3A_866 = arith.constant 0 : i32
        %dma_wait3A_867 = tpu.memref_slice %arg2[%dma_wait3A_865, %dma_wait3A_866] : memref<32768x1024xf32, #tpu.memory_space<hbm>> -> memref<16x1024xf32, #tpu.memory_space<hbm>>
        %dma_wait3A_868 = arith.constant 0 : i32
        %dma_wait3A_869 = arith.constant 0 : i32
        %dma_wait3A_870 = tpu.memref_slice %arg2[%dma_wait3A_868, %dma_wait3A_869] : memref<32768x1024xf32, #tpu.memory_space<hbm>> -> memref<16x1024xf32, #tpu.memory_space<hbm>>
        tpu.wait_dma2 semaphore(%arg20 : memref<!tpu.dma_semaphore, #tpu.memory_space<semaphore_mem>>) src(%dma_wait3A_870 : memref<16x1024xf32, #tpu.memory_space<hbm>>) dst(%arg8 : memref<16x1024xf32, #tpu.memory_space<vmem>>)
      } else {
      }
      %add3A_595 = arith.constant 2 : i32
      %add3A_596 = arith.addi %add3A_565, %add3A_595 : i32
      %lt3A_597 = arith.constant 64 : i32
      %lt3A_598 = arith.cmpi slt, %add3A_596, %lt3A_597 : i32
      %convert_element_type3A_599 = arith.extui %lt3A_598 : i1 to i32
      %cond3A_600 = arith.constant 0 : i32
      %cond3A_601 = arith.cmpi ne, %convert_element_type3A_599, %cond3A_600 : i32
      scf.if %cond3A_601 {
        %add3A_865 = arith.constant 2 : i32
        %add3A_866 = arith.addi %add3A_565, %add3A_865 : i32
        %jit3A_867 = arith.constant 4 : i32
        %eq3A_868 = arith.constant 0 : i32
        %eq3A_869 = arith.cmpi eq, %jit3A_867, %eq3A_868 : i32
        %jit3A_870 = arith.constant 1 : i32
        %select_n3A_871 = arith.select %eq3A_869, %jit3A_870, %jit3A_867 : i32
        %rem3A_872 = arith.remsi %add3A_866, %select_n3A_871 : i32
        %ne3A_873 = arith.constant 0 : i32
        %ne3A_874 = arith.cmpi ne, %rem3A_872, %ne3A_873 : i32
        %lt3A_875 = arith.constant 0 : i32
        %lt3A_876 = arith.cmpi slt, %rem3A_872, %lt3A_875 : i32
        %lt3A_877 = arith.constant 0 : i32
        %lt3A_878 = arith.cmpi slt, %select_n3A_871, %lt3A_877 : i32
        %ne3A_879 = arith.xori %lt3A_876, %lt3A_878 : i1
        %and3A_880 = arith.andi %ne3A_879, %ne3A_874 : i1
        %add3A_881 = arith.addi %rem3A_872, %select_n3A_871 : i32
        %select_n3A_882 = arith.select %and3A_880, %add3A_881, %rem3A_872 : i32
        %mul3A_883 = arith.constant 8192 : i32
        %mul3A_884 = arith.muli %select_n3A_882, %mul3A_883 : i32
        %add3A_885 = arith.addi %mul3A_884, %mul3A_2 : i32
        %jit3A_886 = arith.constant 4 : i32
        %div3A_887 = arith.divsi %add3A_866, %jit3A_886 : i32
        %sign3A_888 = arith.constant 0 : i32
        %sign3A_889 = arith.cmpi sgt, %add3A_866, %sign3A_888 : i32
        %sign3A_890 = arith.extui %sign3A_889 : i1 to i32
        %sign3A_891 = arith.constant 0 : i32
        %sign3A_892 = arith.cmpi slt, %add3A_866, %sign3A_891 : i32
        %sign3A_893 = arith.extui %sign3A_892 : i1 to i32
        %sign3A_894 = arith.subi %sign3A_890, %sign3A_893 : i32
        %sign3A_895 = arith.constant 0 : i32
        %sign3A_896 = arith.cmpi sgt, %jit3A_886, %sign3A_895 : i32
        %sign3A_897 = arith.extui %sign3A_896 : i1 to i32
        %sign3A_898 = arith.constant 0 : i32
        %sign3A_899 = arith.cmpi slt, %jit3A_886, %sign3A_898 : i32
        %sign3A_900 = arith.extui %sign3A_899 : i1 to i32
        %sign3A_901 = arith.subi %sign3A_897, %sign3A_900 : i32
        %ne3A_902 = arith.cmpi ne, %sign3A_894, %sign3A_901 : i32
        %rem3A_903 = arith.remsi %add3A_866, %jit3A_886 : i32
        %ne3A_904 = arith.constant 0 : i32
        %ne3A_905 = arith.cmpi ne, %rem3A_903, %ne3A_904 : i32
        %and3A_906 = arith.andi %ne3A_902, %ne3A_905 : i1
        %sub3A_907 = arith.constant 1 : i32
        %sub3A_908 = arith.subi %div3A_887, %sub3A_907 : i32
        %select_n3A_909 = arith.select %and3A_906, %sub3A_908, %div3A_887 : i32
        %mul3A_910 = arith.constant 16 : i32
        %mul3A_911 = arith.muli %select_n3A_909, %mul3A_910 : i32
        %add3A_912 = arith.addi %add3A_885, %mul3A_911 : i32
        %dma_start3A_913 = arith.constant 0 : i32
        %dma_start3A_914 = tpu.memref_slice %arg2[%add3A_912, %dma_start3A_913] : memref<32768x1024xf32, #tpu.memory_space<hbm>> -> memref<16x1024xf32, #tpu.memory_space<hbm>>
        %dma_start3A_915 = arith.constant 0 : i32
        %dma_start3A_916 = tpu.memref_slice %arg2[%add3A_912, %dma_start3A_915] : memref<32768x1024xf32, #tpu.memory_space<hbm>> -> memref<16x1024xf32, #tpu.memory_space<hbm>>
        tpu.enqueue_dma source(%dma_start3A_916 : memref<16x1024xf32, #tpu.memory_space<hbm>>) target(%arg8 : memref<16x1024xf32, #tpu.memory_space<vmem>>) target_semaphore(%arg14 : memref<!tpu.dma_semaphore, #tpu.memory_space<semaphore_mem>>)
      } else {
      }
      %dma_wait3A_602 = arith.constant 0 : i32
      %dma_wait3A_603 = arith.constant 0 : i32
      %dma_wait3A_604 = tpu.memref_slice %arg2[%dma_wait3A_602, %dma_wait3A_603] : memref<32768x1024xf32, #tpu.memory_space<hbm>> -> memref<16x1024xf32, #tpu.memory_space<hbm>>
      %dma_wait3A_605 = arith.constant 0 : i32
      %dma_wait3A_606 = arith.constant 0 : i32
      %dma_wait3A_607 = tpu.memref_slice %arg2[%dma_wait3A_605, %dma_wait3A_606] : memref<32768x1024xf32, #tpu.memory_space<hbm>> -> memref<16x1024xf32, #tpu.memory_space<hbm>>
      tpu.wait_dma2 semaphore(%arg12 : memref<!tpu.dma_semaphore, #tpu.memory_space<semaphore_mem>>) src(%dma_wait3A_607 : memref<16x1024xf32, #tpu.memory_space<hbm>>) dst(%arg6 : memref<16x1024xf32, #tpu.memory_space<vmem>>)
      %scan3A_608 = arith.constant 0 : i32
      %scan3A_609 = arith.constant 16 : i32
      %scan3A_610 = arith.addi %scan3A_608, %scan3A_609 : i32
      %scan3A_611 = arith.constant 1 : i32
      scf.for %scan3A_865 = %scan3A_608 to %scan3A_610 step %scan3A_611  : i32 {
        %mul3A_866 = arith.constant 1 : i32
        %mul3A_867 = arith.muli %scan3A_865, %mul3A_866 : i32
        %add3A_868 = arith.constant 0 : i32
        %add3A_869 = arith.addi %add3A_868, %mul3A_867 : i32
        %scan3A_870 = arith.constant 0 : i32
        %scan3A_871 = arith.constant 64 : i32
        %scan3A_872 = arith.addi %scan3A_870, %scan3A_871 : i32
        %scan3A_873 = arith.constant 8 : i32
        scf.for %scan3A_875 = %scan3A_870 to %scan3A_872 step %scan3A_873  : i32 {
          %mul3A_876 = arith.constant 1 : i32
          %mul3A_877 = arith.muli %scan3A_875, %mul3A_876 : i32
          %add3A_878 = arith.constant 0 : i32
          %add3A_879 = arith.addi %add3A_878, %mul3A_877 : i32
          %mul3A_880 = arith.constant 16 : i32
          %mul3A_881 = arith.muli %add3A_879, %mul3A_880 : i32
          %get3A = arith.index_cast %add3A_869 : i32 to index
          %get3A_882 = arith.index_cast %mul3A_881 : i32 to index
          %get3A_883 = tpu.vector_load %arg10[%get3A, %get3A_882] {strides = array<i32>} : memref<16x1024xf32, #tpu.memory_space<vmem>>, vector<1x16xf32>,
          %get3A_884 = vector.shape_cast %get3A_883 : vector<1x16xf32> to vector<16xf32>
          %swap3A = arith.index_cast %add3A_869 : i32 to index
          %swap3A_885 = arith.index_cast %mul3A_881 : i32 to index
          %swap3A_886 = tpu.vector_load %arg6[%swap3A, %swap3A_885] {strides = array<i32>} : memref<16x1024xf32, #tpu.memory_space<vmem>>, vector<1x16xf32>,
          %swap3A_887 = vector.shape_cast %swap3A_886 : vector<1x16xf32> to vector<16xf32>
          %swap3A_888 = vector.shape_cast %get3A_884 : vector<16xf32> to vector<1x16xf32>
          tpu.vector_store %arg6[%swap3A, %swap3A_885], %swap3A_888 {add = true, strides = array<i32>} : memref<16x1024xf32, #tpu.memory_space<vmem>>, vector<1x16xf32>,
          %scan3A_889 = arith.constant 1 : i32
          %scan3A_890 = arith.addi %scan3A_875, %scan3A_889 : i32
          %mul3A_891 = arith.constant 1 : i32
          %mul3A_892 = arith.muli %scan3A_890, %mul3A_891 : i32
          %add3A_893 = arith.constant 0 : i32
          %add3A_894 = arith.addi %add3A_893, %mul3A_892 : i32
          %mul3A_895 = arith.constant 16 : i32
          %mul3A_896 = arith.muli %add3A_894, %mul3A_895 : i32
          %get3A_897 = arith.index_cast %add3A_869 : i32 to index
          %get3A_898 = arith.index_cast %mul3A_896 : i32 to index
          %get3A_899 = tpu.vector_load %arg10[%get3A_897, %get3A_898] {strides = array<i32>} : memref<16x1024xf32, #tpu.memory_space<vmem>>, vector<1x16xf32>,
          %get3A_900 = vector.shape_cast %get3A_899 : vector<1x16xf32> to vector<16xf32>
          %swap3A_901 = arith.index_cast %add3A_869 : i32 to index
          %swap3A_902 = arith.index_cast %mul3A_896 : i32 to index
          %swap3A_903 = tpu.vector_load %arg6[%swap3A_901, %swap3A_902] {strides = array<i32>} : memref<16x1024xf32, #tpu.memory_space<vmem>>, vector<1x16xf32>,
          %swap3A_904 = vector.shape_cast %swap3A_903 : vector<1x16xf32> to vector<16xf32>
          %swap3A_905 = vector.shape_cast %get3A_900 : vector<16xf32> to vector<1x16xf32>
          tpu.vector_store %arg6[%swap3A_901, %swap3A_902], %swap3A_905 {add = true, strides = array<i32>} : memref<16x1024xf32, #tpu.memory_space<vmem>>, vector<1x16xf32>,
          %scan3A_906 = arith.constant 2 : i32
          %scan3A_907 = arith.addi %scan3A_875, %scan3A_906 : i32
          %mul3A_908 = arith.constant 1 : i32
          %mul3A_909 = arith.muli %scan3A_907, %mul3A_908 : i32
          %add3A_910 = arith.constant 0 : i32
          %add3A_911 = arith.addi %add3A_910, %mul3A_909 : i32
          %mul3A_912 = arith.constant 16 : i32
          %mul3A_913 = arith.muli %add3A_911, %mul3A_912 : i32
          %get3A_914 = arith.index_cast %add3A_869 : i32 to index
          %get3A_915 = arith.index_cast %mul3A_913 : i32 to index
          %get3A_916 = tpu.vector_load %arg10[%get3A_914, %get3A_915] {strides = array<i32>} : memref<16x1024xf32, #tpu.memory_space<vmem>>, vector<1x16xf32>,
          %get3A_917 = vector.shape_cast %get3A_916 : vector<1x16xf32> to vector<16xf32>
          %swap3A_918 = arith.index_cast %add3A_869 : i32 to index
          %swap3A_919 = arith.index_cast %mul3A_913 : i32 to index
          %swap3A_920 = tpu.vector_load %arg6[%swap3A_918, %swap3A_919] {strides = array<i32>} : memref<16x1024xf32, #tpu.memory_space<vmem>>, vector<1x16xf32>,
          %swap3A_921 = vector.shape_cast %swap3A_920 : vector<1x16xf32> to vector<16xf32>
          %swap3A_922 = vector.shape_cast %get3A_917 : vector<16xf32> to vector<1x16xf32>
          tpu.vector_store %arg6[%swap3A_918, %swap3A_919], %swap3A_922 {add = true, strides = array<i32>} : memref<16x1024xf32, #tpu.memory_space<vmem>>, vector<1x16xf32>,
          %scan3A_923 = arith.constant 3 : i32
          %scan3A_924 = arith.addi %scan3A_875, %scan3A_923 : i32
          %mul3A_925 = arith.constant 1 : i32
          %mul3A_926 = arith.muli %scan3A_924, %mul3A_925 : i32
          %add3A_927 = arith.constant 0 : i32
          %add3A_928 = arith.addi %add3A_927, %mul3A_926 : i32
          %mul3A_929 = arith.constant 16 : i32
          %mul3A_930 = arith.muli %add3A_928, %mul3A_929 : i32
          %get3A_931 = arith.index_cast %add3A_869 : i32 to index
          %get3A_932 = arith.index_cast %mul3A_930 : i32 to index
          %get3A_933 = tpu.vector_load %arg10[%get3A_931, %get3A_932] {strides = array<i32>} : memref<16x1024xf32, #tpu.memory_space<vmem>>, vector<1x16xf32>,
          %get3A_934 = vector.shape_cast %get3A_933 : vector<1x16xf32> to vector<16xf32>
          %swap3A_935 = arith.index_cast %add3A_869 : i32 to index
          %swap3A_936 = arith.index_cast %mul3A_930 : i32 to index
          %swap3A_937 = tpu.vector_load %arg6[%swap3A_935, %swap3A_936] {strides = array<i32>} : memref<16x1024xf32, #tpu.memory_space<vmem>>, vector<1x16xf32>,
          %swap3A_938 = vector.shape_cast %swap3A_937 : vector<1x16xf32> to vector<16xf32>
          %swap3A_939 = vector.shape_cast %get3A_934 : vector<16xf32> to vector<1x16xf32>
          tpu.vector_store %arg6[%swap3A_935, %swap3A_936], %swap3A_939 {add = true, strides = array<i32>} : memref<16x1024xf32, #tpu.memory_space<vmem>>, vector<1x16xf32>,
          %scan3A_940 = arith.constant 4 : i32
          %scan3A_941 = arith.addi %scan3A_875, %scan3A_940 : i32
          %mul3A_942 = arith.constant 1 : i32
          %mul3A_943 = arith.muli %scan3A_941, %mul3A_942 : i32
          %add3A_944 = arith.constant 0 : i32
          %add3A_945 = arith.addi %add3A_944, %mul3A_943 : i32
          %mul3A_946 = arith.constant 16 : i32
          %mul3A_947 = arith.muli %add3A_945, %mul3A_946 : i32
          %get3A_948 = arith.index_cast %add3A_869 : i32 to index
          %get3A_949 = arith.index_cast %mul3A_947 : i32 to index
          %get3A_950 = tpu.vector_load %arg10[%get3A_948, %get3A_949] {strides = array<i32>} : memref<16x1024xf32, #tpu.memory_space<vmem>>, vector<1x16xf32>,
          %get3A_951 = vector.shape_cast %get3A_950 : vector<1x16xf32> to vector<16xf32>
          %swap3A_952 = arith.index_cast %add3A_869 : i32 to index
          %swap3A_953 = arith.index_cast %mul3A_947 : i32 to index
          %swap3A_954 = tpu.vector_load %arg6[%swap3A_952, %swap3A_953] {strides = array<i32>} : memref<16x1024xf32, #tpu.memory_space<vmem>>, vector<1x16xf32>,
          %swap3A_955 = vector.shape_cast %swap3A_954 : vector<1x16xf32> to vector<16xf32>
          %swap3A_956 = vector.shape_cast %get3A_951 : vector<16xf32> to vector<1x16xf32>
          tpu.vector_store %arg6[%swap3A_952, %swap3A_953], %swap3A_956 {add = true, strides = array<i32>} : memref<16x1024xf32, #tpu.memory_space<vmem>>, vector<1x16xf32>,
          %scan3A_957 = arith.constant 5 : i32
          %scan3A_958 = arith.addi %scan3A_875, %scan3A_957 : i32
          %mul3A_959 = arith.constant 1 : i32
          %mul3A_960 = arith.muli %scan3A_958, %mul3A_959 : i32
          %add3A_961 = arith.constant 0 : i32
          %add3A_962 = arith.addi %add3A_961, %mul3A_960 : i32
          %mul3A_963 = arith.constant 16 : i32
          %mul3A_964 = arith.muli %add3A_962, %mul3A_963 : i32
          %get3A_965 = arith.index_cast %add3A_869 : i32 to index
          %get3A_966 = arith.index_cast %mul3A_964 : i32 to index
          %get3A_967 = tpu.vector_load %arg10[%get3A_965, %get3A_966] {strides = array<i32>} : memref<16x1024xf32, #tpu.memory_space<vmem>>, vector<1x16xf32>,
          %get3A_968 = vector.shape_cast %get3A_967 : vector<1x16xf32> to vector<16xf32>
          %swap3A_969 = arith.index_cast %add3A_869 : i32 to index
          %swap3A_970 = arith.index_cast %mul3A_964 : i32 to index
          %swap3A_971 = tpu.vector_load %arg6[%swap3A_969, %swap3A_970] {strides = array<i32>} : memref<16x1024xf32, #tpu.memory_space<vmem>>, vector<1x16xf32>,
          %swap3A_972 = vector.shape_cast %swap3A_971 : vector<1x16xf32> to vector<16xf32>
          %swap3A_973 = vector.shape_cast %get3A_968 : vector<16xf32> to vector<1x16xf32>
          tpu.vector_store %arg6[%swap3A_969, %swap3A_970], %swap3A_973 {add = true, strides = array<i32>} : memref<16x1024xf32, #tpu.memory_space<vmem>>, vector<1x16xf32>,
          %scan3A_974 = arith.constant 6 : i32
          %scan3A_975 = arith.addi %scan3A_875, %scan3A_974 : i32
          %mul3A_976 = arith.constant 1 : i32
          %mul3A_977 = arith.muli %scan3A_975, %mul3A_976 : i32
          %add3A_978 = arith.constant 0 : i32
          %add3A_979 = arith.addi %add3A_978, %mul3A_977 : i32
          %mul3A_980 = arith.constant 16 : i32
          %mul3A_981 = arith.muli %add3A_979, %mul3A_980 : i32
          %get3A_982 = arith.index_cast %add3A_869 : i32 to index
          %get3A_983 = arith.index_cast %mul3A_981 : i32 to index
          %get3A_984 = tpu.vector_load %arg10[%get3A_982, %get3A_983] {strides = array<i32>} : memref<16x1024xf32, #tpu.memory_space<vmem>>, vector<1x16xf32>,
          %get3A_985 = vector.shape_cast %get3A_984 : vector<1x16xf32> to vector<16xf32>
          %swap3A_986 = arith.index_cast %add3A_869 : i32 to index
          %swap3A_987 = arith.index_cast %mul3A_981 : i32 to index
          %swap3A_988 = tpu.vector_load %arg6[%swap3A_986, %swap3A_987] {strides = array<i32>} : memref<16x1024xf32, #tpu.memory_space<vmem>>, vector<1x16xf32>,
          %swap3A_989 = vector.shape_cast %swap3A_988 : vector<1x16xf32> to vector<16xf32>
          %swap3A_990 = vector.shape_cast %get3A_985 : vector<16xf32> to vector<1x16xf32>
          tpu.vector_store %arg6[%swap3A_986, %swap3A_987], %swap3A_990 {add = true, strides = array<i32>} : memref<16x1024xf32, #tpu.memory_space<vmem>>, vector<1x16xf32>,
          %scan3A_991 = arith.constant 7 : i32
          %scan3A_992 = arith.addi %scan3A_875, %scan3A_991 : i32
          %mul3A_993 = arith.constant 1 : i32
          %mul3A_994 = arith.muli %scan3A_992, %mul3A_993 : i32
          %add3A_995 = arith.constant 0 : i32
          %add3A_996 = arith.addi %add3A_995, %mul3A_994 : i32
          %mul3A_997 = arith.constant 16 : i32
          %mul3A_998 = arith.muli %add3A_996, %mul3A_997 : i32
          %get3A_999 = arith.index_cast %add3A_869 : i32 to index
          %get3A_1000 = arith.index_cast %mul3A_998 : i32 to index
          %get3A_1001 = tpu.vector_load %arg10[%get3A_999, %get3A_1000] {strides = array<i32>} : memref<16x1024xf32, #tpu.memory_space<vmem>>, vector<1x16xf32>,
          %get3A_1002 = vector.shape_cast %get3A_1001 : vector<1x16xf32> to vector<16xf32>
          %swap3A_1003 = arith.index_cast %add3A_869 : i32 to index
          %swap3A_1004 = arith.index_cast %mul3A_998 : i32 to index
          %swap3A_1005 = tpu.vector_load %arg6[%swap3A_1003, %swap3A_1004] {strides = array<i32>} : memref<16x1024xf32, #tpu.memory_space<vmem>>, vector<1x16xf32>,
          %swap3A_1006 = vector.shape_cast %swap3A_1005 : vector<1x16xf32> to vector<16xf32>
          %swap3A_1007 = vector.shape_cast %get3A_1002 : vector<16xf32> to vector<1x16xf32>
          tpu.vector_store %arg6[%swap3A_1003, %swap3A_1004], %swap3A_1007 {add = true, strides = array<i32>} : memref<16x1024xf32, #tpu.memory_space<vmem>>, vector<1x16xf32>,
        }
        %scan3A_874 = arith.constant 64 : i32
      }
      %scan3A_612 = arith.constant 16 : i32
      %jit3A_613 = arith.constant 4 : i32
      %eq3A_614 = arith.constant 0 : i32
      %eq3A_615 = arith.cmpi eq, %jit3A_613, %eq3A_614 : i32
      %jit3A_616 = arith.constant 1 : i32
      %select_n3A_617 = arith.select %eq3A_615, %jit3A_616, %jit3A_613 : i32
      %rem3A_618 = arith.remsi %add3A_565, %select_n3A_617 : i32
      %ne3A_619 = arith.constant 0 : i32
      %ne3A_620 = arith.cmpi ne, %rem3A_618, %ne3A_619 : i32
      %lt3A_621 = arith.constant 0 : i32
      %lt3A_622 = arith.cmpi slt, %rem3A_618, %lt3A_621 : i32
      %lt3A_623 = arith.constant 0 : i32
      %lt3A_624 = arith.cmpi slt, %select_n3A_617, %lt3A_623 : i32
      %ne3A_625 = arith.xori %lt3A_622, %lt3A_624 : i1
      %and3A_626 = arith.andi %ne3A_625, %ne3A_620 : i1
      %add3A_627 = arith.addi %rem3A_618, %select_n3A_617 : i32
      %select_n3A_628 = arith.select %and3A_626, %add3A_627, %rem3A_618 : i32
      %mul3A_629 = arith.constant 8192 : i32
      %mul3A_630 = arith.muli %select_n3A_628, %mul3A_629 : i32
      %add3A_631 = arith.addi %mul3A_630, %mul3A_2 : i32
      %jit3A_632 = arith.constant 4 : i32
      %div3A_633 = arith.divsi %add3A_565, %jit3A_632 : i32
      %sign3A_634 = arith.constant 0 : i32
      %sign3A_635 = arith.cmpi sgt, %add3A_565, %sign3A_634 : i32
      %sign3A_636 = arith.extui %sign3A_635 : i1 to i32
      %sign3A_637 = arith.constant 0 : i32
      %sign3A_638 = arith.cmpi slt, %add3A_565, %sign3A_637 : i32
      %sign3A_639 = arith.extui %sign3A_638 : i1 to i32
      %sign3A_640 = arith.subi %sign3A_636, %sign3A_639 : i32
      %sign3A_641 = arith.constant 0 : i32
      %sign3A_642 = arith.cmpi sgt, %jit3A_632, %sign3A_641 : i32
      %sign3A_643 = arith.extui %sign3A_642 : i1 to i32
      %sign3A_644 = arith.constant 0 : i32
      %sign3A_645 = arith.cmpi slt, %jit3A_632, %sign3A_644 : i32
      %sign3A_646 = arith.extui %sign3A_645 : i1 to i32
      %sign3A_647 = arith.subi %sign3A_643, %sign3A_646 : i32
      %ne3A_648 = arith.cmpi ne, %sign3A_640, %sign3A_647 : i32
      %rem3A_649 = arith.remsi %add3A_565, %jit3A_632 : i32
      %ne3A_650 = arith.constant 0 : i32
      %ne3A_651 = arith.cmpi ne, %rem3A_649, %ne3A_650 : i32
      %and3A_652 = arith.andi %ne3A_648, %ne3A_651 : i1
      %sub3A_653 = arith.constant 1 : i32
      %sub3A_654 = arith.subi %div3A_633, %sub3A_653 : i32
      %select_n3A_655 = arith.select %and3A_652, %sub3A_654, %div3A_633 : i32
      %mul3A_656 = arith.constant 16 : i32
      %mul3A_657 = arith.muli %select_n3A_655, %mul3A_656 : i32
      %add3A_658 = arith.addi %add3A_631, %mul3A_657 : i32
      %dma_start3A_659 = arith.constant 0 : i32
      %dma_start3A_660 = tpu.memref_slice %arg4[%add3A_658, %dma_start3A_659] : memref<32768x1024xf32, #tpu.memory_space<hbm>> -> memref<16x1024xf32, #tpu.memory_space<hbm>>
      %dma_start3A_661 = arith.constant 0 : i32
      %dma_start3A_662 = tpu.memref_slice %arg4[%add3A_658, %dma_start3A_661] : memref<32768x1024xf32, #tpu.memory_space<hbm>> -> memref<16x1024xf32, #tpu.memory_space<hbm>>
      tpu.enqueue_dma source(%arg6 : memref<16x1024xf32, #tpu.memory_space<vmem>>) target(%dma_start3A_662 : memref<16x1024xf32, #tpu.memory_space<hbm>>) target_semaphore(%arg18 : memref<!tpu.dma_semaphore, #tpu.memory_space<semaphore_mem>>)
      %mul3A_663 = arith.constant 8 : i32
      %mul3A_664 = arith.muli %add3A_43, %mul3A_663 : i32
      %add3A_665 = arith.constant 6 : i32
      %add3A_666 = arith.addi %mul3A_664, %add3A_665 : i32
      %jit3A_667 = arith.constant 4 : i32
      %div3A_668 = arith.divsi %add3A_666, %jit3A_667 : i32
      %sign3A_669 = arith.constant 0 : i32
      %sign3A_670 = arith.cmpi sgt, %add3A_666, %sign3A_669 : i32
      %sign3A_671 = arith.extui %sign3A_670 : i1 to i32
      %sign3A_672 = arith.constant 0 : i32
      %sign3A_673 = arith.cmpi slt, %add3A_666, %sign3A_672 : i32
      %sign3A_674 = arith.extui %sign3A_673 : i1 to i32
      %sign3A_675 = arith.subi %sign3A_671, %sign3A_674 : i32
      %sign3A_676 = arith.constant 0 : i32
      %sign3A_677 = arith.cmpi sgt, %jit3A_667, %sign3A_676 : i32
      %sign3A_678 = arith.extui %sign3A_677 : i1 to i32
      %sign3A_679 = arith.constant 0 : i32
      %sign3A_680 = arith.cmpi slt, %jit3A_667, %sign3A_679 : i32
      %sign3A_681 = arith.extui %sign3A_680 : i1 to i32
      %sign3A_682 = arith.subi %sign3A_678, %sign3A_681 : i32
      %ne3A_683 = arith.cmpi ne, %sign3A_675, %sign3A_682 : i32
      %rem3A_684 = arith.remsi %add3A_666, %jit3A_667 : i32
      %ne3A_685 = arith.constant 0 : i32
      %ne3A_686 = arith.cmpi ne, %rem3A_684, %ne3A_685 : i32
      %and3A_687 = arith.andi %ne3A_683, %ne3A_686 : i1
      %sub3A_688 = arith.constant 1 : i32
      %sub3A_689 = arith.subi %div3A_668, %sub3A_688 : i32
      %select_n3A_690 = arith.select %and3A_687, %sub3A_689, %div3A_668 : i32
      %ge3A_691 = arith.constant 2 : i32
      %ge3A_692 = arith.cmpi sge, %add3A_666, %ge3A_691 : i32
      %convert_element_type3A_693 = arith.extui %ge3A_692 : i1 to i32
      %cond3A_694 = arith.constant 0 : i32
      %cond3A_695 = arith.cmpi ne, %convert_element_type3A_693, %cond3A_694 : i32
      scf.if %cond3A_695 {
        %dma_wait3A_865 = arith.constant 0 : i32
        %dma_wait3A_866 = arith.constant 0 : i32
        %dma_wait3A_867 = tpu.memref_slice %arg2[%dma_wait3A_865, %dma_wait3A_866] : memref<32768x1024xf32, #tpu.memory_space<hbm>> -> memref<16x1024xf32, #tpu.memory_space<hbm>>
        %dma_wait3A_868 = arith.constant 0 : i32
        %dma_wait3A_869 = arith.constant 0 : i32
        %dma_wait3A_870 = tpu.memref_slice %arg2[%dma_wait3A_868, %dma_wait3A_869] : memref<32768x1024xf32, #tpu.memory_space<hbm>> -> memref<16x1024xf32, #tpu.memory_space<hbm>>
        tpu.wait_dma2 semaphore(%arg17 : memref<!tpu.dma_semaphore, #tpu.memory_space<semaphore_mem>>) src(%dma_wait3A_870 : memref<16x1024xf32, #tpu.memory_space<hbm>>) dst(%arg5 : memref<16x1024xf32, #tpu.memory_space<vmem>>)
      } else {
      }
      %add3A_696 = arith.constant 2 : i32
      %add3A_697 = arith.addi %add3A_666, %add3A_696 : i32
      %lt3A_698 = arith.constant 64 : i32
      %lt3A_699 = arith.cmpi slt, %add3A_697, %lt3A_698 : i32
      %convert_element_type3A_700 = arith.extui %lt3A_699 : i1 to i32
      %cond3A_701 = arith.constant 0 : i32
      %cond3A_702 = arith.cmpi ne, %convert_element_type3A_700, %cond3A_701 : i32
      scf.if %cond3A_702 {
        %add3A_865 = arith.constant 2 : i32
        %add3A_866 = arith.addi %add3A_666, %add3A_865 : i32
        %jit3A_867 = arith.constant 4 : i32
        %eq3A_868 = arith.constant 0 : i32
        %eq3A_869 = arith.cmpi eq, %jit3A_867, %eq3A_868 : i32
        %jit3A_870 = arith.constant 1 : i32
        %select_n3A_871 = arith.select %eq3A_869, %jit3A_870, %jit3A_867 : i32
        %rem3A_872 = arith.remsi %add3A_866, %select_n3A_871 : i32
        %ne3A_873 = arith.constant 0 : i32
        %ne3A_874 = arith.cmpi ne, %rem3A_872, %ne3A_873 : i32
        %lt3A_875 = arith.constant 0 : i32
        %lt3A_876 = arith.cmpi slt, %rem3A_872, %lt3A_875 : i32
        %lt3A_877 = arith.constant 0 : i32
        %lt3A_878 = arith.cmpi slt, %select_n3A_871, %lt3A_877 : i32
        %ne3A_879 = arith.xori %lt3A_876, %lt3A_878 : i1
        %and3A_880 = arith.andi %ne3A_879, %ne3A_874 : i1
        %add3A_881 = arith.addi %rem3A_872, %select_n3A_871 : i32
        %select_n3A_882 = arith.select %and3A_880, %add3A_881, %rem3A_872 : i32
        %mul3A_883 = arith.constant 8192 : i32
        %mul3A_884 = arith.muli %select_n3A_882, %mul3A_883 : i32
        %add3A_885 = arith.addi %mul3A_884, %mul3A_2 : i32
        %jit3A_886 = arith.constant 4 : i32
        %div3A_887 = arith.divsi %add3A_866, %jit3A_886 : i32
        %sign3A_888 = arith.constant 0 : i32
        %sign3A_889 = arith.cmpi sgt, %add3A_866, %sign3A_888 : i32
        %sign3A_890 = arith.extui %sign3A_889 : i1 to i32
        %sign3A_891 = arith.constant 0 : i32
        %sign3A_892 = arith.cmpi slt, %add3A_866, %sign3A_891 : i32
        %sign3A_893 = arith.extui %sign3A_892 : i1 to i32
        %sign3A_894 = arith.subi %sign3A_890, %sign3A_893 : i32
        %sign3A_895 = arith.constant 0 : i32
        %sign3A_896 = arith.cmpi sgt, %jit3A_886, %sign3A_895 : i32
        %sign3A_897 = arith.extui %sign3A_896 : i1 to i32
        %sign3A_898 = arith.constant 0 : i32
        %sign3A_899 = arith.cmpi slt, %jit3A_886, %sign3A_898 : i32
        %sign3A_900 = arith.extui %sign3A_899 : i1 to i32
        %sign3A_901 = arith.subi %sign3A_897, %sign3A_900 : i32
        %ne3A_902 = arith.cmpi ne, %sign3A_894, %sign3A_901 : i32
        %rem3A_903 = arith.remsi %add3A_866, %jit3A_886 : i32
        %ne3A_904 = arith.constant 0 : i32
        %ne3A_905 = arith.cmpi ne, %rem3A_903, %ne3A_904 : i32
        %and3A_906 = arith.andi %ne3A_902, %ne3A_905 : i1
        %sub3A_907 = arith.constant 1 : i32
        %sub3A_908 = arith.subi %div3A_887, %sub3A_907 : i32
        %select_n3A_909 = arith.select %and3A_906, %sub3A_908, %div3A_887 : i32
        %mul3A_910 = arith.constant 16 : i32
        %mul3A_911 = arith.muli %select_n3A_909, %mul3A_910 : i32
        %add3A_912 = arith.addi %add3A_885, %mul3A_911 : i32
        %dma_start3A_913 = arith.constant 0 : i32
        %dma_start3A_914 = tpu.memref_slice %arg2[%add3A_912, %dma_start3A_913] : memref<32768x1024xf32, #tpu.memory_space<hbm>> -> memref<16x1024xf32, #tpu.memory_space<hbm>>
        %dma_start3A_915 = arith.constant 0 : i32
        %dma_start3A_916 = tpu.memref_slice %arg2[%add3A_912, %dma_start3A_915] : memref<32768x1024xf32, #tpu.memory_space<hbm>> -> memref<16x1024xf32, #tpu.memory_space<hbm>>
        tpu.enqueue_dma source(%dma_start3A_916 : memref<16x1024xf32, #tpu.memory_space<hbm>>) target(%arg5 : memref<16x1024xf32, #tpu.memory_space<vmem>>) target_semaphore(%arg11 : memref<!tpu.dma_semaphore, #tpu.memory_space<semaphore_mem>>)
      } else {
      }
      %dma_wait3A_703 = arith.constant 0 : i32
      %dma_wait3A_704 = arith.constant 0 : i32
      %dma_wait3A_705 = tpu.memref_slice %arg2[%dma_wait3A_703, %dma_wait3A_704] : memref<32768x1024xf32, #tpu.memory_space<hbm>> -> memref<16x1024xf32, #tpu.memory_space<hbm>>
      %dma_wait3A_706 = arith.constant 0 : i32
      %dma_wait3A_707 = arith.constant 0 : i32
      %dma_wait3A_708 = tpu.memref_slice %arg2[%dma_wait3A_706, %dma_wait3A_707] : memref<32768x1024xf32, #tpu.memory_space<hbm>> -> memref<16x1024xf32, #tpu.memory_space<hbm>>
      tpu.wait_dma2 semaphore(%arg13 : memref<!tpu.dma_semaphore, #tpu.memory_space<semaphore_mem>>) src(%dma_wait3A_708 : memref<16x1024xf32, #tpu.memory_space<hbm>>) dst(%arg7 : memref<16x1024xf32, #tpu.memory_space<vmem>>)
      %scan3A_709 = arith.constant 0 : i32
      %scan3A_710 = arith.constant 16 : i32
      %scan3A_711 = arith.addi %scan3A_709, %scan3A_710 : i32
      %scan3A_712 = arith.constant 1 : i32
      scf.for %scan3A_865 = %scan3A_709 to %scan3A_711 step %scan3A_712  : i32 {
        %mul3A_866 = arith.constant 1 : i32
        %mul3A_867 = arith.muli %scan3A_865, %mul3A_866 : i32
        %add3A_868 = arith.constant 0 : i32
        %add3A_869 = arith.addi %add3A_868, %mul3A_867 : i32
        %scan3A_870 = arith.constant 0 : i32
        %scan3A_871 = arith.constant 64 : i32
        %scan3A_872 = arith.addi %scan3A_870, %scan3A_871 : i32
        %scan3A_873 = arith.constant 8 : i32
        scf.for %scan3A_875 = %scan3A_870 to %scan3A_872 step %scan3A_873  : i32 {
          %mul3A_876 = arith.constant 1 : i32
          %mul3A_877 = arith.muli %scan3A_875, %mul3A_876 : i32
          %add3A_878 = arith.constant 0 : i32
          %add3A_879 = arith.addi %add3A_878, %mul3A_877 : i32
          %mul3A_880 = arith.constant 16 : i32
          %mul3A_881 = arith.muli %add3A_879, %mul3A_880 : i32
          %get3A = arith.index_cast %add3A_869 : i32 to index
          %get3A_882 = arith.index_cast %mul3A_881 : i32 to index
          %get3A_883 = tpu.vector_load %arg10[%get3A, %get3A_882] {strides = array<i32>} : memref<16x1024xf32, #tpu.memory_space<vmem>>, vector<1x16xf32>,
          %get3A_884 = vector.shape_cast %get3A_883 : vector<1x16xf32> to vector<16xf32>
          %swap3A = arith.index_cast %add3A_869 : i32 to index
          %swap3A_885 = arith.index_cast %mul3A_881 : i32 to index
          %swap3A_886 = tpu.vector_load %arg7[%swap3A, %swap3A_885] {strides = array<i32>} : memref<16x1024xf32, #tpu.memory_space<vmem>>, vector<1x16xf32>,
          %swap3A_887 = vector.shape_cast %swap3A_886 : vector<1x16xf32> to vector<16xf32>
          %swap3A_888 = vector.shape_cast %get3A_884 : vector<16xf32> to vector<1x16xf32>
          tpu.vector_store %arg7[%swap3A, %swap3A_885], %swap3A_888 {add = true, strides = array<i32>} : memref<16x1024xf32, #tpu.memory_space<vmem>>, vector<1x16xf32>,
          %scan3A_889 = arith.constant 1 : i32
          %scan3A_890 = arith.addi %scan3A_875, %scan3A_889 : i32
          %mul3A_891 = arith.constant 1 : i32
          %mul3A_892 = arith.muli %scan3A_890, %mul3A_891 : i32
          %add3A_893 = arith.constant 0 : i32
          %add3A_894 = arith.addi %add3A_893, %mul3A_892 : i32
          %mul3A_895 = arith.constant 16 : i32
          %mul3A_896 = arith.muli %add3A_894, %mul3A_895 : i32
          %get3A_897 = arith.index_cast %add3A_869 : i32 to index
          %get3A_898 = arith.index_cast %mul3A_896 : i32 to index
          %get3A_899 = tpu.vector_load %arg10[%get3A_897, %get3A_898] {strides = array<i32>} : memref<16x1024xf32, #tpu.memory_space<vmem>>, vector<1x16xf32>,
          %get3A_900 = vector.shape_cast %get3A_899 : vector<1x16xf32> to vector<16xf32>
          %swap3A_901 = arith.index_cast %add3A_869 : i32 to index
          %swap3A_902 = arith.index_cast %mul3A_896 : i32 to index
          %swap3A_903 = tpu.vector_load %arg7[%swap3A_901, %swap3A_902] {strides = array<i32>} : memref<16x1024xf32, #tpu.memory_space<vmem>>, vector<1x16xf32>,
          %swap3A_904 = vector.shape_cast %swap3A_903 : vector<1x16xf32> to vector<16xf32>
          %swap3A_905 = vector.shape_cast %get3A_900 : vector<16xf32> to vector<1x16xf32>
          tpu.vector_store %arg7[%swap3A_901, %swap3A_902], %swap3A_905 {add = true, strides = array<i32>} : memref<16x1024xf32, #tpu.memory_space<vmem>>, vector<1x16xf32>,
          %scan3A_906 = arith.constant 2 : i32
          %scan3A_907 = arith.addi %scan3A_875, %scan3A_906 : i32
          %mul3A_908 = arith.constant 1 : i32
          %mul3A_909 = arith.muli %scan3A_907, %mul3A_908 : i32
          %add3A_910 = arith.constant 0 : i32
          %add3A_911 = arith.addi %add3A_910, %mul3A_909 : i32
          %mul3A_912 = arith.constant 16 : i32
          %mul3A_913 = arith.muli %add3A_911, %mul3A_912 : i32
          %get3A_914 = arith.index_cast %add3A_869 : i32 to index
          %get3A_915 = arith.index_cast %mul3A_913 : i32 to index
          %get3A_916 = tpu.vector_load %arg10[%get3A_914, %get3A_915] {strides = array<i32>} : memref<16x1024xf32, #tpu.memory_space<vmem>>, vector<1x16xf32>,
          %get3A_917 = vector.shape_cast %get3A_916 : vector<1x16xf32> to vector<16xf32>
          %swap3A_918 = arith.index_cast %add3A_869 : i32 to index
          %swap3A_919 = arith.index_cast %mul3A_913 : i32 to index
          %swap3A_920 = tpu.vector_load %arg7[%swap3A_918, %swap3A_919] {strides = array<i32>} : memref<16x1024xf32, #tpu.memory_space<vmem>>, vector<1x16xf32>,
          %swap3A_921 = vector.shape_cast %swap3A_920 : vector<1x16xf32> to vector<16xf32>
          %swap3A_922 = vector.shape_cast %get3A_917 : vector<16xf32> to vector<1x16xf32>
          tpu.vector_store %arg7[%swap3A_918, %swap3A_919], %swap3A_922 {add = true, strides = array<i32>} : memref<16x1024xf32, #tpu.memory_space<vmem>>, vector<1x16xf32>,
          %scan3A_923 = arith.constant 3 : i32
          %scan3A_924 = arith.addi %scan3A_875, %scan3A_923 : i32
          %mul3A_925 = arith.constant 1 : i32
          %mul3A_926 = arith.muli %scan3A_924, %mul3A_925 : i32
          %add3A_927 = arith.constant 0 : i32
          %add3A_928 = arith.addi %add3A_927, %mul3A_926 : i32
          %mul3A_929 = arith.constant 16 : i32
          %mul3A_930 = arith.muli %add3A_928, %mul3A_929 : i32
          %get3A_931 = arith.index_cast %add3A_869 : i32 to index
          %get3A_932 = arith.index_cast %mul3A_930 : i32 to index
          %get3A_933 = tpu.vector_load %arg10[%get3A_931, %get3A_932] {strides = array<i32>} : memref<16x1024xf32, #tpu.memory_space<vmem>>, vector<1x16xf32>,
          %get3A_934 = vector.shape_cast %get3A_933 : vector<1x16xf32> to vector<16xf32>
          %swap3A_935 = arith.index_cast %add3A_869 : i32 to index
          %swap3A_936 = arith.index_cast %mul3A_930 : i32 to index
          %swap3A_937 = tpu.vector_load %arg7[%swap3A_935, %swap3A_936] {strides = array<i32>} : memref<16x1024xf32, #tpu.memory_space<vmem>>, vector<1x16xf32>,
          %swap3A_938 = vector.shape_cast %swap3A_937 : vector<1x16xf32> to vector<16xf32>
          %swap3A_939 = vector.shape_cast %get3A_934 : vector<16xf32> to vector<1x16xf32>
          tpu.vector_store %arg7[%swap3A_935, %swap3A_936], %swap3A_939 {add = true, strides = array<i32>} : memref<16x1024xf32, #tpu.memory_space<vmem>>, vector<1x16xf32>,
          %scan3A_940 = arith.constant 4 : i32
          %scan3A_941 = arith.addi %scan3A_875, %scan3A_940 : i32
          %mul3A_942 = arith.constant 1 : i32
          %mul3A_943 = arith.muli %scan3A_941, %mul3A_942 : i32
          %add3A_944 = arith.constant 0 : i32
          %add3A_945 = arith.addi %add3A_944, %mul3A_943 : i32
          %mul3A_946 = arith.constant 16 : i32
          %mul3A_947 = arith.muli %add3A_945, %mul3A_946 : i32
          %get3A_948 = arith.index_cast %add3A_869 : i32 to index
          %get3A_949 = arith.index_cast %mul3A_947 : i32 to index
          %get3A_950 = tpu.vector_load %arg10[%get3A_948, %get3A_949] {strides = array<i32>} : memref<16x1024xf32, #tpu.memory_space<vmem>>, vector<1x16xf32>,
          %get3A_951 = vector.shape_cast %get3A_950 : vector<1x16xf32> to vector<16xf32>
          %swap3A_952 = arith.index_cast %add3A_869 : i32 to index
          %swap3A_953 = arith.index_cast %mul3A_947 : i32 to index
          %swap3A_954 = tpu.vector_load %arg7[%swap3A_952, %swap3A_953] {strides = array<i32>} : memref<16x1024xf32, #tpu.memory_space<vmem>>, vector<1x16xf32>,
          %swap3A_955 = vector.shape_cast %swap3A_954 : vector<1x16xf32> to vector<16xf32>
          %swap3A_956 = vector.shape_cast %get3A_951 : vector<16xf32> to vector<1x16xf32>
          tpu.vector_store %arg7[%swap3A_952, %swap3A_953], %swap3A_956 {add = true, strides = array<i32>} : memref<16x1024xf32, #tpu.memory_space<vmem>>, vector<1x16xf32>,
          %scan3A_957 = arith.constant 5 : i32
          %scan3A_958 = arith.addi %scan3A_875, %scan3A_957 : i32
          %mul3A_959 = arith.constant 1 : i32
          %mul3A_960 = arith.muli %scan3A_958, %mul3A_959 : i32
          %add3A_961 = arith.constant 0 : i32
          %add3A_962 = arith.addi %add3A_961, %mul3A_960 : i32
          %mul3A_963 = arith.constant 16 : i32
          %mul3A_964 = arith.muli %add3A_962, %mul3A_963 : i32
          %get3A_965 = arith.index_cast %add3A_869 : i32 to index
          %get3A_966 = arith.index_cast %mul3A_964 : i32 to index
          %get3A_967 = tpu.vector_load %arg10[%get3A_965, %get3A_966] {strides = array<i32>} : memref<16x1024xf32, #tpu.memory_space<vmem>>, vector<1x16xf32>,
          %get3A_968 = vector.shape_cast %get3A_967 : vector<1x16xf32> to vector<16xf32>
          %swap3A_969 = arith.index_cast %add3A_869 : i32 to index
          %swap3A_970 = arith.index_cast %mul3A_964 : i32 to index
          %swap3A_971 = tpu.vector_load %arg7[%swap3A_969, %swap3A_970] {strides = array<i32>} : memref<16x1024xf32, #tpu.memory_space<vmem>>, vector<1x16xf32>,
          %swap3A_972 = vector.shape_cast %swap3A_971 : vector<1x16xf32> to vector<16xf32>
          %swap3A_973 = vector.shape_cast %get3A_968 : vector<16xf32> to vector<1x16xf32>
          tpu.vector_store %arg7[%swap3A_969, %swap3A_970], %swap3A_973 {add = true, strides = array<i32>} : memref<16x1024xf32, #tpu.memory_space<vmem>>, vector<1x16xf32>,
          %scan3A_974 = arith.constant 6 : i32
          %scan3A_975 = arith.addi %scan3A_875, %scan3A_974 : i32
          %mul3A_976 = arith.constant 1 : i32
          %mul3A_977 = arith.muli %scan3A_975, %mul3A_976 : i32
          %add3A_978 = arith.constant 0 : i32
          %add3A_979 = arith.addi %add3A_978, %mul3A_977 : i32
          %mul3A_980 = arith.constant 16 : i32
          %mul3A_981 = arith.muli %add3A_979, %mul3A_980 : i32
          %get3A_982 = arith.index_cast %add3A_869 : i32 to index
          %get3A_983 = arith.index_cast %mul3A_981 : i32 to index
          %get3A_984 = tpu.vector_load %arg10[%get3A_982, %get3A_983] {strides = array<i32>} : memref<16x1024xf32, #tpu.memory_space<vmem>>, vector<1x16xf32>,
          %get3A_985 = vector.shape_cast %get3A_984 : vector<1x16xf32> to vector<16xf32>
          %swap3A_986 = arith.index_cast %add3A_869 : i32 to index
          %swap3A_987 = arith.index_cast %mul3A_981 : i32 to index
          %swap3A_988 = tpu.vector_load %arg7[%swap3A_986, %swap3A_987] {strides = array<i32>} : memref<16x1024xf32, #tpu.memory_space<vmem>>, vector<1x16xf32>,
          %swap3A_989 = vector.shape_cast %swap3A_988 : vector<1x16xf32> to vector<16xf32>
          %swap3A_990 = vector.shape_cast %get3A_985 : vector<16xf32> to vector<1x16xf32>
          tpu.vector_store %arg7[%swap3A_986, %swap3A_987], %swap3A_990 {add = true, strides = array<i32>} : memref<16x1024xf32, #tpu.memory_space<vmem>>, vector<1x16xf32>,
          %scan3A_991 = arith.constant 7 : i32
          %scan3A_992 = arith.addi %scan3A_875, %scan3A_991 : i32
          %mul3A_993 = arith.constant 1 : i32
          %mul3A_994 = arith.muli %scan3A_992, %mul3A_993 : i32
          %add3A_995 = arith.constant 0 : i32
          %add3A_996 = arith.addi %add3A_995, %mul3A_994 : i32
          %mul3A_997 = arith.constant 16 : i32
          %mul3A_998 = arith.muli %add3A_996, %mul3A_997 : i32
          %get3A_999 = arith.index_cast %add3A_869 : i32 to index
          %get3A_1000 = arith.index_cast %mul3A_998 : i32 to index
          %get3A_1001 = tpu.vector_load %arg10[%get3A_999, %get3A_1000] {strides = array<i32>} : memref<16x1024xf32, #tpu.memory_space<vmem>>, vector<1x16xf32>,
          %get3A_1002 = vector.shape_cast %get3A_1001 : vector<1x16xf32> to vector<16xf32>
          %swap3A_1003 = arith.index_cast %add3A_869 : i32 to index
          %swap3A_1004 = arith.index_cast %mul3A_998 : i32 to index
          %swap3A_1005 = tpu.vector_load %arg7[%swap3A_1003, %swap3A_1004] {strides = array<i32>} : memref<16x1024xf32, #tpu.memory_space<vmem>>, vector<1x16xf32>,
          %swap3A_1006 = vector.shape_cast %swap3A_1005 : vector<1x16xf32> to vector<16xf32>
          %swap3A_1007 = vector.shape_cast %get3A_1002 : vector<16xf32> to vector<1x16xf32>
          tpu.vector_store %arg7[%swap3A_1003, %swap3A_1004], %swap3A_1007 {add = true, strides = array<i32>} : memref<16x1024xf32, #tpu.memory_space<vmem>>, vector<1x16xf32>,
        }
        %scan3A_874 = arith.constant 64 : i32
      }
      %scan3A_713 = arith.constant 16 : i32
      %jit3A_714 = arith.constant 4 : i32
      %eq3A_715 = arith.constant 0 : i32
      %eq3A_716 = arith.cmpi eq, %jit3A_714, %eq3A_715 : i32
      %jit3A_717 = arith.constant 1 : i32
      %select_n3A_718 = arith.select %eq3A_716, %jit3A_717, %jit3A_714 : i32
      %rem3A_719 = arith.remsi %add3A_666, %select_n3A_718 : i32
      %ne3A_720 = arith.constant 0 : i32
      %ne3A_721 = arith.cmpi ne, %rem3A_719, %ne3A_720 : i32
      %lt3A_722 = arith.constant 0 : i32
      %lt3A_723 = arith.cmpi slt, %rem3A_719, %lt3A_722 : i32
      %lt3A_724 = arith.constant 0 : i32
      %lt3A_725 = arith.cmpi slt, %select_n3A_718, %lt3A_724 : i32
      %ne3A_726 = arith.xori %lt3A_723, %lt3A_725 : i1
      %and3A_727 = arith.andi %ne3A_726, %ne3A_721 : i1
      %add3A_728 = arith.addi %rem3A_719, %select_n3A_718 : i32
      %select_n3A_729 = arith.select %and3A_727, %add3A_728, %rem3A_719 : i32
      %mul3A_730 = arith.constant 8192 : i32
      %mul3A_731 = arith.muli %select_n3A_729, %mul3A_730 : i32
      %add3A_732 = arith.addi %mul3A_731, %mul3A_2 : i32
      %jit3A_733 = arith.constant 4 : i32
      %div3A_734 = arith.divsi %add3A_666, %jit3A_733 : i32
      %sign3A_735 = arith.constant 0 : i32
      %sign3A_736 = arith.cmpi sgt, %add3A_666, %sign3A_735 : i32
      %sign3A_737 = arith.extui %sign3A_736 : i1 to i32
      %sign3A_738 = arith.constant 0 : i32
      %sign3A_739 = arith.cmpi slt, %add3A_666, %sign3A_738 : i32
      %sign3A_740 = arith.extui %sign3A_739 : i1 to i32
      %sign3A_741 = arith.subi %sign3A_737, %sign3A_740 : i32
      %sign3A_742 = arith.constant 0 : i32
      %sign3A_743 = arith.cmpi sgt, %jit3A_733, %sign3A_742 : i32
      %sign3A_744 = arith.extui %sign3A_743 : i1 to i32
      %sign3A_745 = arith.constant 0 : i32
      %sign3A_746 = arith.cmpi slt, %jit3A_733, %sign3A_745 : i32
      %sign3A_747 = arith.extui %sign3A_746 : i1 to i32
      %sign3A_748 = arith.subi %sign3A_744, %sign3A_747 : i32
      %ne3A_749 = arith.cmpi ne, %sign3A_741, %sign3A_748 : i32
      %rem3A_750 = arith.remsi %add3A_666, %jit3A_733 : i32
      %ne3A_751 = arith.constant 0 : i32
      %ne3A_752 = arith.cmpi ne, %rem3A_750, %ne3A_751 : i32
      %and3A_753 = arith.andi %ne3A_749, %ne3A_752 : i1
      %sub3A_754 = arith.constant 1 : i32
      %sub3A_755 = arith.subi %div3A_734, %sub3A_754 : i32
      %select_n3A_756 = arith.select %and3A_753, %sub3A_755, %div3A_734 : i32
      %mul3A_757 = arith.constant 16 : i32
      %mul3A_758 = arith.muli %select_n3A_756, %mul3A_757 : i32
      %add3A_759 = arith.addi %add3A_732, %mul3A_758 : i32
      %dma_start3A_760 = arith.constant 0 : i32
      %dma_start3A_761 = tpu.memref_slice %arg4[%add3A_759, %dma_start3A_760] : memref<32768x1024xf32, #tpu.memory_space<hbm>> -> memref<16x1024xf32, #tpu.memory_space<hbm>>
      %dma_start3A_762 = arith.constant 0 : i32
      %dma_start3A_763 = tpu.memref_slice %arg4[%add3A_759, %dma_start3A_762] : memref<32768x1024xf32, #tpu.memory_space<hbm>> -> memref<16x1024xf32, #tpu.memory_space<hbm>>
      tpu.enqueue_dma source(%arg7 : memref<16x1024xf32, #tpu.memory_space<vmem>>) target(%dma_start3A_763 : memref<16x1024xf32, #tpu.memory_space<hbm>>) target_semaphore(%arg19 : memref<!tpu.dma_semaphore, #tpu.memory_space<semaphore_mem>>)
      %mul3A_764 = arith.constant 8 : i32
      %mul3A_765 = arith.muli %add3A_43, %mul3A_764 : i32
      %add3A_766 = arith.constant 7 : i32
      %add3A_767 = arith.addi %mul3A_765, %add3A_766 : i32
      %jit3A_768 = arith.constant 4 : i32
      %div3A_769 = arith.divsi %add3A_767, %jit3A_768 : i32
      %sign3A_770 = arith.constant 0 : i32
      %sign3A_771 = arith.cmpi sgt, %add3A_767, %sign3A_770 : i32
      %sign3A_772 = arith.extui %sign3A_771 : i1 to i32
      %sign3A_773 = arith.constant 0 : i32
      %sign3A_774 = arith.cmpi slt, %add3A_767, %sign3A_773 : i32
      %sign3A_775 = arith.extui %sign3A_774 : i1 to i32
      %sign3A_776 = arith.subi %sign3A_772, %sign3A_775 : i32
      %sign3A_777 = arith.constant 0 : i32
      %sign3A_778 = arith.cmpi sgt, %jit3A_768, %sign3A_777 : i32
      %sign3A_779 = arith.extui %sign3A_778 : i1 to i32
      %sign3A_780 = arith.constant 0 : i32
      %sign3A_781 = arith.cmpi slt, %jit3A_768, %sign3A_780 : i32
      %sign3A_782 = arith.extui %sign3A_781 : i1 to i32
      %sign3A_783 = arith.subi %sign3A_779, %sign3A_782 : i32
      %ne3A_784 = arith.cmpi ne, %sign3A_776, %sign3A_783 : i32
      %rem3A_785 = arith.remsi %add3A_767, %jit3A_768 : i32
      %ne3A_786 = arith.constant 0 : i32
      %ne3A_787 = arith.cmpi ne, %rem3A_785, %ne3A_786 : i32
      %and3A_788 = arith.andi %ne3A_784, %ne3A_787 : i1
      %sub3A_789 = arith.constant 1 : i32
      %sub3A_790 = arith.subi %div3A_769, %sub3A_789 : i32
      %select_n3A_791 = arith.select %and3A_788, %sub3A_790, %div3A_769 : i32
      %ge3A_792 = arith.constant 2 : i32
      %ge3A_793 = arith.cmpi sge, %add3A_767, %ge3A_792 : i32
      %convert_element_type3A_794 = arith.extui %ge3A_793 : i1 to i32
      %cond3A_795 = arith.constant 0 : i32
      %cond3A_796 = arith.cmpi ne, %convert_element_type3A_794, %cond3A_795 : i32
      scf.if %cond3A_796 {
        %dma_wait3A_865 = arith.constant 0 : i32
        %dma_wait3A_866 = arith.constant 0 : i32
        %dma_wait3A_867 = tpu.memref_slice %arg2[%dma_wait3A_865, %dma_wait3A_866] : memref<32768x1024xf32, #tpu.memory_space<hbm>> -> memref<16x1024xf32, #tpu.memory_space<hbm>>
        %dma_wait3A_868 = arith.constant 0 : i32
        %dma_wait3A_869 = arith.constant 0 : i32
        %dma_wait3A_870 = tpu.memref_slice %arg2[%dma_wait3A_868, %dma_wait3A_869] : memref<32768x1024xf32, #tpu.memory_space<hbm>> -> memref<16x1024xf32, #tpu.memory_space<hbm>>
        tpu.wait_dma2 semaphore(%arg18 : memref<!tpu.dma_semaphore, #tpu.memory_space<semaphore_mem>>) src(%dma_wait3A_870 : memref<16x1024xf32, #tpu.memory_space<hbm>>) dst(%arg6 : memref<16x1024xf32, #tpu.memory_space<vmem>>)
      } else {
      }
      %add3A_797 = arith.constant 2 : i32
      %add3A_798 = arith.addi %add3A_767, %add3A_797 : i32
      %lt3A_799 = arith.constant 64 : i32
      %lt3A_800 = arith.cmpi slt, %add3A_798, %lt3A_799 : i32
      %convert_element_type3A_801 = arith.extui %lt3A_800 : i1 to i32
      %cond3A_802 = arith.constant 0 : i32
      %cond3A_803 = arith.cmpi ne, %convert_element_type3A_801, %cond3A_802 : i32
      scf.if %cond3A_803 {
        %add3A_865 = arith.constant 2 : i32
        %add3A_866 = arith.addi %add3A_767, %add3A_865 : i32
        %jit3A_867 = arith.constant 4 : i32
        %eq3A_868 = arith.constant 0 : i32
        %eq3A_869 = arith.cmpi eq, %jit3A_867, %eq3A_868 : i32
        %jit3A_870 = arith.constant 1 : i32
        %select_n3A_871 = arith.select %eq3A_869, %jit3A_870, %jit3A_867 : i32
        %rem3A_872 = arith.remsi %add3A_866, %select_n3A_871 : i32
        %ne3A_873 = arith.constant 0 : i32
        %ne3A_874 = arith.cmpi ne, %rem3A_872, %ne3A_873 : i32
        %lt3A_875 = arith.constant 0 : i32
        %lt3A_876 = arith.cmpi slt, %rem3A_872, %lt3A_875 : i32
        %lt3A_877 = arith.constant 0 : i32
        %lt3A_878 = arith.cmpi slt, %select_n3A_871, %lt3A_877 : i32
        %ne3A_879 = arith.xori %lt3A_876, %lt3A_878 : i1
        %and3A_880 = arith.andi %ne3A_879, %ne3A_874 : i1
        %add3A_881 = arith.addi %rem3A_872, %select_n3A_871 : i32
        %select_n3A_882 = arith.select %and3A_880, %add3A_881, %rem3A_872 : i32
        %mul3A_883 = arith.constant 8192 : i32
        %mul3A_884 = arith.muli %select_n3A_882, %mul3A_883 : i32
        %add3A_885 = arith.addi %mul3A_884, %mul3A_2 : i32
        %jit3A_886 = arith.constant 4 : i32
        %div3A_887 = arith.divsi %add3A_866, %jit3A_886 : i32
        %sign3A_888 = arith.constant 0 : i32
        %sign3A_889 = arith.cmpi sgt, %add3A_866, %sign3A_888 : i32
        %sign3A_890 = arith.extui %sign3A_889 : i1 to i32
        %sign3A_891 = arith.constant 0 : i32
        %sign3A_892 = arith.cmpi slt, %add3A_866, %sign3A_891 : i32
        %sign3A_893 = arith.extui %sign3A_892 : i1 to i32
        %sign3A_894 = arith.subi %sign3A_890, %sign3A_893 : i32
        %sign3A_895 = arith.constant 0 : i32
        %sign3A_896 = arith.cmpi sgt, %jit3A_886, %sign3A_895 : i32
        %sign3A_897 = arith.extui %sign3A_896 : i1 to i32
        %sign3A_898 = arith.constant 0 : i32
        %sign3A_899 = arith.cmpi slt, %jit3A_886, %sign3A_898 : i32
        %sign3A_900 = arith.extui %sign3A_899 : i1 to i32
        %sign3A_901 = arith.subi %sign3A_897, %sign3A_900 : i32
        %ne3A_902 = arith.cmpi ne, %sign3A_894, %sign3A_901 : i32
        %rem3A_903 = arith.remsi %add3A_866, %jit3A_886 : i32
        %ne3A_904 = arith.constant 0 : i32
        %ne3A_905 = arith.cmpi ne, %rem3A_903, %ne3A_904 : i32
        %and3A_906 = arith.andi %ne3A_902, %ne3A_905 : i1
        %sub3A_907 = arith.constant 1 : i32
        %sub3A_908 = arith.subi %div3A_887, %sub3A_907 : i32
        %select_n3A_909 = arith.select %and3A_906, %sub3A_908, %div3A_887 : i32
        %mul3A_910 = arith.constant 16 : i32
        %mul3A_911 = arith.muli %select_n3A_909, %mul3A_910 : i32
        %add3A_912 = arith.addi %add3A_885, %mul3A_911 : i32
        %dma_start3A_913 = arith.constant 0 : i32
        %dma_start3A_914 = tpu.memref_slice %arg2[%add3A_912, %dma_start3A_913] : memref<32768x1024xf32, #tpu.memory_space<hbm>> -> memref<16x1024xf32, #tpu.memory_space<hbm>>
        %dma_start3A_915 = arith.constant 0 : i32
        %dma_start3A_916 = tpu.memref_slice %arg2[%add3A_912, %dma_start3A_915] : memref<32768x1024xf32, #tpu.memory_space<hbm>> -> memref<16x1024xf32, #tpu.memory_space<hbm>>
        tpu.enqueue_dma source(%dma_start3A_916 : memref<16x1024xf32, #tpu.memory_space<hbm>>) target(%arg6 : memref<16x1024xf32, #tpu.memory_space<vmem>>) target_semaphore(%arg12 : memref<!tpu.dma_semaphore, #tpu.memory_space<semaphore_mem>>)
      } else {
      }
      %dma_wait3A_804 = arith.constant 0 : i32
      %dma_wait3A_805 = arith.constant 0 : i32
      %dma_wait3A_806 = tpu.memref_slice %arg2[%dma_wait3A_804, %dma_wait3A_805] : memref<32768x1024xf32, #tpu.memory_space<hbm>> -> memref<16x1024xf32, #tpu.memory_space<hbm>>
      %dma_wait3A_807 = arith.constant 0 : i32
      %dma_wait3A_808 = arith.constant 0 : i32
      %dma_wait3A_809 = tpu.memref_slice %arg2[%dma_wait3A_807, %dma_wait3A_808] : memref<32768x1024xf32, #tpu.memory_space<hbm>> -> memref<16x1024xf32, #tpu.memory_space<hbm>>
      tpu.wait_dma2 semaphore(%arg14 : memref<!tpu.dma_semaphore, #tpu.memory_space<semaphore_mem>>) src(%dma_wait3A_809 : memref<16x1024xf32, #tpu.memory_space<hbm>>) dst(%arg8 : memref<16x1024xf32, #tpu.memory_space<vmem>>)
      %scan3A_810 = arith.constant 0 : i32
      %scan3A_811 = arith.constant 16 : i32
      %scan3A_812 = arith.addi %scan3A_810, %scan3A_811 : i32
      %scan3A_813 = arith.constant 1 : i32
      scf.for %scan3A_865 = %scan3A_810 to %scan3A_812 step %scan3A_813  : i32 {
        %mul3A_866 = arith.constant 1 : i32
        %mul3A_867 = arith.muli %scan3A_865, %mul3A_866 : i32
        %add3A_868 = arith.constant 0 : i32
        %add3A_869 = arith.addi %add3A_868, %mul3A_867 : i32
        %scan3A_870 = arith.constant 0 : i32
        %scan3A_871 = arith.constant 64 : i32
        %scan3A_872 = arith.addi %scan3A_870, %scan3A_871 : i32
        %scan3A_873 = arith.constant 8 : i32
        scf.for %scan3A_875 = %scan3A_870 to %scan3A_872 step %scan3A_873  : i32 {
          %mul3A_876 = arith.constant 1 : i32
          %mul3A_877 = arith.muli %scan3A_875, %mul3A_876 : i32
          %add3A_878 = arith.constant 0 : i32
          %add3A_879 = arith.addi %add3A_878, %mul3A_877 : i32
          %mul3A_880 = arith.constant 16 : i32
          %mul3A_881 = arith.muli %add3A_879, %mul3A_880 : i32
          %get3A = arith.index_cast %add3A_869 : i32 to index
          %get3A_882 = arith.index_cast %mul3A_881 : i32 to index
          %get3A_883 = tpu.vector_load %arg10[%get3A, %get3A_882] {strides = array<i32>} : memref<16x1024xf32, #tpu.memory_space<vmem>>, vector<1x16xf32>,
          %get3A_884 = vector.shape_cast %get3A_883 : vector<1x16xf32> to vector<16xf32>
          %swap3A = arith.index_cast %add3A_869 : i32 to index
          %swap3A_885 = arith.index_cast %mul3A_881 : i32 to index
          %swap3A_886 = tpu.vector_load %arg8[%swap3A, %swap3A_885] {strides = array<i32>} : memref<16x1024xf32, #tpu.memory_space<vmem>>, vector<1x16xf32>,
          %swap3A_887 = vector.shape_cast %swap3A_886 : vector<1x16xf32> to vector<16xf32>
          %swap3A_888 = vector.shape_cast %get3A_884 : vector<16xf32> to vector<1x16xf32>
          tpu.vector_store %arg8[%swap3A, %swap3A_885], %swap3A_888 {add = true, strides = array<i32>} : memref<16x1024xf32, #tpu.memory_space<vmem>>, vector<1x16xf32>,
          %scan3A_889 = arith.constant 1 : i32
          %scan3A_890 = arith.addi %scan3A_875, %scan3A_889 : i32
          %mul3A_891 = arith.constant 1 : i32
          %mul3A_892 = arith.muli %scan3A_890, %mul3A_891 : i32
          %add3A_893 = arith.constant 0 : i32
          %add3A_894 = arith.addi %add3A_893, %mul3A_892 : i32
          %mul3A_895 = arith.constant 16 : i32
          %mul3A_896 = arith.muli %add3A_894, %mul3A_895 : i32
          %get3A_897 = arith.index_cast %add3A_869 : i32 to index
          %get3A_898 = arith.index_cast %mul3A_896 : i32 to index
          %get3A_899 = tpu.vector_load %arg10[%get3A_897, %get3A_898] {strides = array<i32>} : memref<16x1024xf32, #tpu.memory_space<vmem>>, vector<1x16xf32>,
          %get3A_900 = vector.shape_cast %get3A_899 : vector<1x16xf32> to vector<16xf32>
          %swap3A_901 = arith.index_cast %add3A_869 : i32 to index
          %swap3A_902 = arith.index_cast %mul3A_896 : i32 to index
          %swap3A_903 = tpu.vector_load %arg8[%swap3A_901, %swap3A_902] {strides = array<i32>} : memref<16x1024xf32, #tpu.memory_space<vmem>>, vector<1x16xf32>,
          %swap3A_904 = vector.shape_cast %swap3A_903 : vector<1x16xf32> to vector<16xf32>
          %swap3A_905 = vector.shape_cast %get3A_900 : vector<16xf32> to vector<1x16xf32>
          tpu.vector_store %arg8[%swap3A_901, %swap3A_902], %swap3A_905 {add = true, strides = array<i32>} : memref<16x1024xf32, #tpu.memory_space<vmem>>, vector<1x16xf32>,
          %scan3A_906 = arith.constant 2 : i32
          %scan3A_907 = arith.addi %scan3A_875, %scan3A_906 : i32
          %mul3A_908 = arith.constant 1 : i32
          %mul3A_909 = arith.muli %scan3A_907, %mul3A_908 : i32
          %add3A_910 = arith.constant 0 : i32
          %add3A_911 = arith.addi %add3A_910, %mul3A_909 : i32
          %mul3A_912 = arith.constant 16 : i32
          %mul3A_913 = arith.muli %add3A_911, %mul3A_912 : i32
          %get3A_914 = arith.index_cast %add3A_869 : i32 to index
          %get3A_915 = arith.index_cast %mul3A_913 : i32 to index
          %get3A_916 = tpu.vector_load %arg10[%get3A_914, %get3A_915] {strides = array<i32>} : memref<16x1024xf32, #tpu.memory_space<vmem>>, vector<1x16xf32>,
          %get3A_917 = vector.shape_cast %get3A_916 : vector<1x16xf32> to vector<16xf32>
          %swap3A_918 = arith.index_cast %add3A_869 : i32 to index
          %swap3A_919 = arith.index_cast %mul3A_913 : i32 to index
          %swap3A_920 = tpu.vector_load %arg8[%swap3A_918, %swap3A_919] {strides = array<i32>} : memref<16x1024xf32, #tpu.memory_space<vmem>>, vector<1x16xf32>,
          %swap3A_921 = vector.shape_cast %swap3A_920 : vector<1x16xf32> to vector<16xf32>
          %swap3A_922 = vector.shape_cast %get3A_917 : vector<16xf32> to vector<1x16xf32>
          tpu.vector_store %arg8[%swap3A_918, %swap3A_919], %swap3A_922 {add = true, strides = array<i32>} : memref<16x1024xf32, #tpu.memory_space<vmem>>, vector<1x16xf32>,
          %scan3A_923 = arith.constant 3 : i32
          %scan3A_924 = arith.addi %scan3A_875, %scan3A_923 : i32
          %mul3A_925 = arith.constant 1 : i32
          %mul3A_926 = arith.muli %scan3A_924, %mul3A_925 : i32
          %add3A_927 = arith.constant 0 : i32
          %add3A_928 = arith.addi %add3A_927, %mul3A_926 : i32
          %mul3A_929 = arith.constant 16 : i32
          %mul3A_930 = arith.muli %add3A_928, %mul3A_929 : i32
          %get3A_931 = arith.index_cast %add3A_869 : i32 to index
          %get3A_932 = arith.index_cast %mul3A_930 : i32 to index
          %get3A_933 = tpu.vector_load %arg10[%get3A_931, %get3A_932] {strides = array<i32>} : memref<16x1024xf32, #tpu.memory_space<vmem>>, vector<1x16xf32>,
          %get3A_934 = vector.shape_cast %get3A_933 : vector<1x16xf32> to vector<16xf32>
          %swap3A_935 = arith.index_cast %add3A_869 : i32 to index
          %swap3A_936 = arith.index_cast %mul3A_930 : i32 to index
          %swap3A_937 = tpu.vector_load %arg8[%swap3A_935, %swap3A_936] {strides = array<i32>} : memref<16x1024xf32, #tpu.memory_space<vmem>>, vector<1x16xf32>,
          %swap3A_938 = vector.shape_cast %swap3A_937 : vector<1x16xf32> to vector<16xf32>
          %swap3A_939 = vector.shape_cast %get3A_934 : vector<16xf32> to vector<1x16xf32>
          tpu.vector_store %arg8[%swap3A_935, %swap3A_936], %swap3A_939 {add = true, strides = array<i32>} : memref<16x1024xf32, #tpu.memory_space<vmem>>, vector<1x16xf32>,
          %scan3A_940 = arith.constant 4 : i32
          %scan3A_941 = arith.addi %scan3A_875, %scan3A_940 : i32
          %mul3A_942 = arith.constant 1 : i32
          %mul3A_943 = arith.muli %scan3A_941, %mul3A_942 : i32
          %add3A_944 = arith.constant 0 : i32
          %add3A_945 = arith.addi %add3A_944, %mul3A_943 : i32
          %mul3A_946 = arith.constant 16 : i32
          %mul3A_947 = arith.muli %add3A_945, %mul3A_946 : i32
          %get3A_948 = arith.index_cast %add3A_869 : i32 to index
          %get3A_949 = arith.index_cast %mul3A_947 : i32 to index
          %get3A_950 = tpu.vector_load %arg10[%get3A_948, %get3A_949] {strides = array<i32>} : memref<16x1024xf32, #tpu.memory_space<vmem>>, vector<1x16xf32>,
          %get3A_951 = vector.shape_cast %get3A_950 : vector<1x16xf32> to vector<16xf32>
          %swap3A_952 = arith.index_cast %add3A_869 : i32 to index
          %swap3A_953 = arith.index_cast %mul3A_947 : i32 to index
          %swap3A_954 = tpu.vector_load %arg8[%swap3A_952, %swap3A_953] {strides = array<i32>} : memref<16x1024xf32, #tpu.memory_space<vmem>>, vector<1x16xf32>,
          %swap3A_955 = vector.shape_cast %swap3A_954 : vector<1x16xf32> to vector<16xf32>
          %swap3A_956 = vector.shape_cast %get3A_951 : vector<16xf32> to vector<1x16xf32>
          tpu.vector_store %arg8[%swap3A_952, %swap3A_953], %swap3A_956 {add = true, strides = array<i32>} : memref<16x1024xf32, #tpu.memory_space<vmem>>, vector<1x16xf32>,
          %scan3A_957 = arith.constant 5 : i32
          %scan3A_958 = arith.addi %scan3A_875, %scan3A_957 : i32
          %mul3A_959 = arith.constant 1 : i32
          %mul3A_960 = arith.muli %scan3A_958, %mul3A_959 : i32
          %add3A_961 = arith.constant 0 : i32
          %add3A_962 = arith.addi %add3A_961, %mul3A_960 : i32
          %mul3A_963 = arith.constant 16 : i32
          %mul3A_964 = arith.muli %add3A_962, %mul3A_963 : i32
          %get3A_965 = arith.index_cast %add3A_869 : i32 to index
          %get3A_966 = arith.index_cast %mul3A_964 : i32 to index
          %get3A_967 = tpu.vector_load %arg10[%get3A_965, %get3A_966] {strides = array<i32>} : memref<16x1024xf32, #tpu.memory_space<vmem>>, vector<1x16xf32>,
          %get3A_968 = vector.shape_cast %get3A_967 : vector<1x16xf32> to vector<16xf32>
          %swap3A_969 = arith.index_cast %add3A_869 : i32 to index
          %swap3A_970 = arith.index_cast %mul3A_964 : i32 to index
          %swap3A_971 = tpu.vector_load %arg8[%swap3A_969, %swap3A_970] {strides = array<i32>} : memref<16x1024xf32, #tpu.memory_space<vmem>>, vector<1x16xf32>,
          %swap3A_972 = vector.shape_cast %swap3A_971 : vector<1x16xf32> to vector<16xf32>
          %swap3A_973 = vector.shape_cast %get3A_968 : vector<16xf32> to vector<1x16xf32>
          tpu.vector_store %arg8[%swap3A_969, %swap3A_970], %swap3A_973 {add = true, strides = array<i32>} : memref<16x1024xf32, #tpu.memory_space<vmem>>, vector<1x16xf32>,
          %scan3A_974 = arith.constant 6 : i32
          %scan3A_975 = arith.addi %scan3A_875, %scan3A_974 : i32
          %mul3A_976 = arith.constant 1 : i32
          %mul3A_977 = arith.muli %scan3A_975, %mul3A_976 : i32
          %add3A_978 = arith.constant 0 : i32
          %add3A_979 = arith.addi %add3A_978, %mul3A_977 : i32
          %mul3A_980 = arith.constant 16 : i32
          %mul3A_981 = arith.muli %add3A_979, %mul3A_980 : i32
          %get3A_982 = arith.index_cast %add3A_869 : i32 to index
          %get3A_983 = arith.index_cast %mul3A_981 : i32 to index
          %get3A_984 = tpu.vector_load %arg10[%get3A_982, %get3A_983] {strides = array<i32>} : memref<16x1024xf32, #tpu.memory_space<vmem>>, vector<1x16xf32>,
          %get3A_985 = vector.shape_cast %get3A_984 : vector<1x16xf32> to vector<16xf32>
          %swap3A_986 = arith.index_cast %add3A_869 : i32 to index
          %swap3A_987 = arith.index_cast %mul3A_981 : i32 to index
          %swap3A_988 = tpu.vector_load %arg8[%swap3A_986, %swap3A_987] {strides = array<i32>} : memref<16x1024xf32, #tpu.memory_space<vmem>>, vector<1x16xf32>,
          %swap3A_989 = vector.shape_cast %swap3A_988 : vector<1x16xf32> to vector<16xf32>
          %swap3A_990 = vector.shape_cast %get3A_985 : vector<16xf32> to vector<1x16xf32>
          tpu.vector_store %arg8[%swap3A_986, %swap3A_987], %swap3A_990 {add = true, strides = array<i32>} : memref<16x1024xf32, #tpu.memory_space<vmem>>, vector<1x16xf32>,
          %scan3A_991 = arith.constant 7 : i32
          %scan3A_992 = arith.addi %scan3A_875, %scan3A_991 : i32
          %mul3A_993 = arith.constant 1 : i32
          %mul3A_994 = arith.muli %scan3A_992, %mul3A_993 : i32
          %add3A_995 = arith.constant 0 : i32
          %add3A_996 = arith.addi %add3A_995, %mul3A_994 : i32
          %mul3A_997 = arith.constant 16 : i32
          %mul3A_998 = arith.muli %add3A_996, %mul3A_997 : i32
          %get3A_999 = arith.index_cast %add3A_869 : i32 to index
          %get3A_1000 = arith.index_cast %mul3A_998 : i32 to index
          %get3A_1001 = tpu.vector_load %arg10[%get3A_999, %get3A_1000] {strides = array<i32>} : memref<16x1024xf32, #tpu.memory_space<vmem>>, vector<1x16xf32>,
          %get3A_1002 = vector.shape_cast %get3A_1001 : vector<1x16xf32> to vector<16xf32>
          %swap3A_1003 = arith.index_cast %add3A_869 : i32 to index
          %swap3A_1004 = arith.index_cast %mul3A_998 : i32 to index
          %swap3A_1005 = tpu.vector_load %arg8[%swap3A_1003, %swap3A_1004] {strides = array<i32>} : memref<16x1024xf32, #tpu.memory_space<vmem>>, vector<1x16xf32>,
          %swap3A_1006 = vector.shape_cast %swap3A_1005 : vector<1x16xf32> to vector<16xf32>
          %swap3A_1007 = vector.shape_cast %get3A_1002 : vector<16xf32> to vector<1x16xf32>
          tpu.vector_store %arg8[%swap3A_1003, %swap3A_1004], %swap3A_1007 {add = true, strides = array<i32>} : memref<16x1024xf32, #tpu.memory_space<vmem>>, vector<1x16xf32>,
        }
        %scan3A_874 = arith.constant 64 : i32
      }
      %scan3A_814 = arith.constant 16 : i32
      %jit3A_815 = arith.constant 4 : i32
      %eq3A_816 = arith.constant 0 : i32
      %eq3A_817 = arith.cmpi eq, %jit3A_815, %eq3A_816 : i32
      %jit3A_818 = arith.constant 1 : i32
      %select_n3A_819 = arith.select %eq3A_817, %jit3A_818, %jit3A_815 : i32
      %rem3A_820 = arith.remsi %add3A_767, %select_n3A_819 : i32
      %ne3A_821 = arith.constant 0 : i32
      %ne3A_822 = arith.cmpi ne, %rem3A_820, %ne3A_821 : i32
      %lt3A_823 = arith.constant 0 : i32
      %lt3A_824 = arith.cmpi slt, %rem3A_820, %lt3A_823 : i32
      %lt3A_825 = arith.constant 0 : i32
      %lt3A_826 = arith.cmpi slt, %select_n3A_819, %lt3A_825 : i32
      %ne3A_827 = arith.xori %lt3A_824, %lt3A_826 : i1
      %and3A_828 = arith.andi %ne3A_827, %ne3A_822 : i1
      %add3A_829 = arith.addi %rem3A_820, %select_n3A_819 : i32
      %select_n3A_830 = arith.select %and3A_828, %add3A_829, %rem3A_820 : i32
      %mul3A_831 = arith.constant 8192 : i32
      %mul3A_832 = arith.muli %select_n3A_830, %mul3A_831 : i32
      %add3A_833 = arith.addi %mul3A_832, %mul3A_2 : i32
      %jit3A_834 = arith.constant 4 : i32
      %div3A_835 = arith.divsi %add3A_767, %jit3A_834 : i32
      %sign3A_836 = arith.constant 0 : i32
      %sign3A_837 = arith.cmpi sgt, %add3A_767, %sign3A_836 : i32
      %sign3A_838 = arith.extui %sign3A_837 : i1 to i32
      %sign3A_839 = arith.constant 0 : i32
      %sign3A_840 = arith.cmpi slt, %add3A_767, %sign3A_839 : i32
      %sign3A_841 = arith.extui %sign3A_840 : i1 to i32
      %sign3A_842 = arith.subi %sign3A_838, %sign3A_841 : i32
      %sign3A_843 = arith.constant 0 : i32
      %sign3A_844 = arith.cmpi sgt, %jit3A_834, %sign3A_843 : i32
      %sign3A_845 = arith.extui %sign3A_844 : i1 to i32
      %sign3A_846 = arith.constant 0 : i32
      %sign3A_847 = arith.cmpi slt, %jit3A_834, %sign3A_846 : i32
      %sign3A_848 = arith.extui %sign3A_847 : i1 to i32
      %sign3A_849 = arith.subi %sign3A_845, %sign3A_848 : i32
      %ne3A_850 = arith.cmpi ne, %sign3A_842, %sign3A_849 : i32
      %rem3A_851 = arith.remsi %add3A_767, %jit3A_834 : i32
      %ne3A_852 = arith.constant 0 : i32
      %ne3A_853 = arith.cmpi ne, %rem3A_851, %ne3A_852 : i32
      %and3A_854 = arith.andi %ne3A_850, %ne3A_853 : i1
      %sub3A_855 = arith.constant 1 : i32
      %sub3A_856 = arith.subi %div3A_835, %sub3A_855 : i32
      %select_n3A_857 = arith.select %and3A_854, %sub3A_856, %div3A_835 : i32
      %mul3A_858 = arith.constant 16 : i32
      %mul3A_859 = arith.muli %select_n3A_857, %mul3A_858 : i32
      %add3A_860 = arith.addi %add3A_833, %mul3A_859 : i32
      %dma_start3A_861 = arith.constant 0 : i32
      %dma_start3A_862 = tpu.memref_slice %arg4[%add3A_860, %dma_start3A_861] : memref<32768x1024xf32, #tpu.memory_space<hbm>> -> memref<16x1024xf32, #tpu.memory_space<hbm>>
      %dma_start3A_863 = arith.constant 0 : i32
      %dma_start3A_864 = tpu.memref_slice %arg4[%add3A_860, %dma_start3A_863] : memref<32768x1024xf32, #tpu.memory_space<hbm>> -> memref<16x1024xf32, #tpu.memory_space<hbm>>
      tpu.enqueue_dma source(%arg8 : memref<16x1024xf32, #tpu.memory_space<vmem>>) target(%dma_start3A_864 : memref<16x1024xf32, #tpu.memory_space<hbm>>) target_semaphore(%arg20 : memref<!tpu.dma_semaphore, #tpu.memory_space<semaphore_mem>>)
    }
    %scan3A_27 = arith.constant 8 : i32
    %dma_wait3A = arith.constant 0 : i32
    %dma_wait3A_28 = arith.constant 0 : i32
    %dma_wait3A_29 = tpu.memref_slice %arg2[%dma_wait3A, %dma_wait3A_28] : memref<32768x1024xf32, #tpu.memory_space<hbm>> -> memref<16x1024xf32, #tpu.memory_space<hbm>>
    %dma_wait3A_30 = arith.constant 0 : i32
    %dma_wait3A_31 = arith.constant 0 : i32
    %dma_wait3A_32 = tpu.memref_slice %arg2[%dma_wait3A_30, %dma_wait3A_31] : memref<32768x1024xf32, #tpu.memory_space<hbm>> -> memref<16x1024xf32, #tpu.memory_space<hbm>>
    tpu.wait_dma2 semaphore(%arg19 : memref<!tpu.dma_semaphore, #tpu.memory_space<semaphore_mem>>) src(%dma_wait3A_32 : memref<16x1024xf32, #tpu.memory_space<hbm>>) dst(%arg7 : memref<16x1024xf32, #tpu.memory_space<vmem>>)
    %dma_wait3A_33 = arith.constant 0 : i32
    %dma_wait3A_34 = arith.constant 0 : i32
    %dma_wait3A_35 = tpu.memref_slice %arg2[%dma_wait3A_33, %dma_wait3A_34] : memref<32768x1024xf32, #tpu.memory_space<hbm>> -> memref<16x1024xf32, #tpu.memory_space<hbm>>
    %dma_wait3A_36 = arith.constant 0 : i32
    %dma_wait3A_37 = arith.constant 0 : i32
    %dma_wait3A_38 = tpu.memref_slice %arg2[%dma_wait3A_36, %dma_wait3A_37] : memref<32768x1024xf32, #tpu.memory_space<hbm>> -> memref<16x1024xf32, #tpu.memory_space<hbm>>
    tpu.wait_dma2 semaphore(%arg20 : memref<!tpu.dma_semaphore, #tpu.memory_space<semaphore_mem>>) src(%dma_wait3A_38 : memref<16x1024xf32, #tpu.memory_space<hbm>>) dst(%arg8 : memref<16x1024xf32, #tpu.memory_space<vmem>>)
    return
  }
}

</mosaic_0001>

<sc_bundles>
// kernel: kernel.3.cloned.1.call-start
scs
__scs_entry_jumppad:
0x0: {  	(pc) =	sbr.rel $0x88, $3  }
0x1: {  	(tag) =	ssettag $0x0;
	lr =	simm.s32 $0x1  }
0x2: {  	[smem:$0x3F9F] =	sst lr;
	_ =	strace $0xD0000000  }
0x3: {  	_ = 	snop  }
0x4: {  	_ = 	snop  }
0x5: {  	_ = 	snop  }
0x6: {  	_ = 	snop  }
0x7: {  	_ = 	snop  }
__scs_overlays_trampoline_lowered:
0x8: {  	[smem:$0x3FAE] =	sst s0  }
0x9: {  	[smem:$0x3FAF] =	sst s1  }
0xa: {  	[smem:$0x3FB0] =	sst s2  }
0xb: {  	[smem:$0x3FB1] =	sst s3  }
0xc: {  	[smem:$0x3FB2] =	sst s4  }
0xd: {  	[smem:$0x3FB3] =	sst s5  }
0xe: {  	[smem:$0x3FB4] =	sst s6  }
0xf: {  	[smem:$0x3FB5] =	sst s7  }
0x10: {  	[smem:$0x3FB6] =	sst s8  }
0x11: {  	[smem:$0x3FB7] =	sst s9;
	s0 =	simm.s32 @!p0 $0x0  }
0x12: {  	s1 =	sld [smem:$0x3F9D];
	s0 =	simm.s32 @p0 $0x1  }
0x13: {  	[smem:$0x3FB8] =	sst s0;
	s0 =	simm.s32 @!p1 $0x0  }
0x14: {  	s2 =	sld [smem:$0x3F9C];
	s0 =	simm.s32 @p1 $0x1  }
0x15: {  	[smem:$0x3FB9] =	sst s0;
	s0 =	simm.s32 @!p2 $0x0  }
0x16: {  	s3 =	sld [smem:$0x3FDB];
	s0 =	simm.s32 @p2 $0x1  }
0x17: {  	s4 =	simm.s32 $0x1BF5;
	[smem:$0x3FBB] =	sst s0  }
0x18: {  	s0 =	sld [smem:$0x3F9E];
	_ =	swait.ge [sflag:s4], $0x0  }
0x19: {  	s7 =	sld [smem:$0x3F9F]  }
0x1a: {  	s8 =	sadd.s32 $0xFFFFE003, lr  }
0x1b: {  	s9 =	sadd.s32 $0xFFFFFEF7, lr;
	s5 =	simm.s32 $0xFFFFFFFF;
	p2 =	slt.u32 s8, $0xFFFFF086  }
0x1c: {  	p1 =	slt.u32 s9, $0xF7A;
	s5 =	simm.s32 @!p2 $0x0  }
0x1d: {  	s5 =	simm.s32 @p1 $0x1;
	p0 =	seq.s32 s7, s2  }
0x1e: {  	s7 =	smul.u32 @!p0 $0xF7A, s2;
	p2 =	seq.s32 @!p0 s5, $0x0  }
0x1f: {  	s9 =	smul.u32 $0xF7A, s1;
	s8 =	simm.s32 @!p0 $0x1BF5;
	p2 =	por !p2, p0  }
0x20: {  	[sflag:s8] =	ssyncset.s32 @!p0 $0xFFFFF086;
	s6 =	sadd.s32 @!p0 s3, s7;
	s7 =	simm.s32 @!p0 $0x108  }
0x21: {  	s3 =	sadd.s32 s3, s9;
	s6 =	sadd.s32 @!p0 $0x88, s6;
	s7 =	simm.s32 @p2 $0x1082  }
0x22: {  	[simem:s7], [sflag:s8] =	dma.local @!p0 [hbm:s6], $0xF7A  }
0x23: {  	s9 =	sor.u32 $0xD0000000, s2;
	s6 =	simm.s32 $0x108;
	_ =	swait.ge @!p0 [sflag:s8], $0x0  }
0x24: {  	s3 =	sadd.s32 $0x88, s3;
	s6 =	simm.s32 @!p1 $0x1082;
	[sflag:s4] =	ssyncset.s32 $0xFFFFF086  }
0x25: {  	[simem:s6], [sflag:s4] =	dma.local [hbm:s3], $0xF7A  }
0x26: {  	[smem:$0x3F9F] =	sst s1;
	(tag) =	ssettag s2;
	_ =	strace s9  }
0x27: {  	s1 =	sld [smem:$0x3FAF]  }
0x28: {  	s2 =	sld [smem:$0x3FB0]  }
0x29: {  	s4 =	sld [smem:$0x3FB2]  }
0x2a: {  	p0 =	seq.s32 s5, $0x0;
	s5 =	sld [smem:$0x3FB3]  }
0x2b: {  	s6 =	sld [smem:$0x3FB4]  }
0x2c: {  	s7 =	sld [smem:$0x3FB5]  }
0x2d: {  	s3 =	simm.s32 $0x108;
	s8 =	sld [smem:$0x3FB6]  }
0x2e: {  	s3 =	simm.s32 @!p0 $0x1082;
	s9 =	sld [smem:$0x3FB7]  }
0x2f: {  	lr =	sadd.s32 s0, s3;
	s0 =	sld [smem:$0x3FAE]  }
0x30: {  	s3 =	sld [smem:$0x3FB1]  }
0x31: {  	[smem:$0x3FBA] =	sst s10  }
0x32: {  	s10 =	sld [smem:$0x3FB8];
	_ =	sdelay $0x3  }
0x33: {  	p0 =	seq.s32 s10, $0x1;
	s10 =	sld [smem:$0x3FBA];
	_ =	sdelay $0x3  }
0x34: {  	[smem:$0x3FBA] =	sst s10  }
0x35: {  	s10 =	sld [smem:$0x3FB9];
	_ =	sdelay $0x3  }
0x36: {  	p1 =	seq.s32 s10, $0x1;
	s10 =	sld [smem:$0x3FBA];
	_ =	sdelay $0x3  }
0x37: {  	[smem:$0x3FBA] =	sst s10  }
0x38: {  	s10 =	sld [smem:$0x3FBB]  }
0x39: {  	_ = 	snop;
	(pc) =	sbr.ind lr, $3  }
0x3a: {  	_ = 	snop  }
0x3b: {  	_ = 	snop  }
0x3c: {  	p2 =	seq.s32 s10, $0x1;
	s10 =	sld [smem:$0x3FBA]  }
0x3d: {  	_ =	shalt  }
0x3e: {  	_ =	shalt  }
0x3f: {  	_ =	shalt  }
0x40: {  	_ =	shalt  }
0x41: {  	_ =	shalt  }
0x42: {  	_ =	shalt  }
0x43: {  	_ =	shalt  }
0x44: {  	_ =	shalt  }
0x45: {  	_ =	shalt  }
0x46: {  	_ =	shalt  }
0x47: {  	_ =	shalt  }
0x48: {  	_ =	shalt  }
0x49: {  	_ =	shalt  }
0x4a: {  	_ =	shalt  }
0x4b: {  	_ =	shalt  }
0x4c: {  	_ =	shalt  }
0x4d: {  	_ =	shalt  }
0x4e: {  	_ =	shalt  }
0x4f: {  	_ =	shalt  }
0x50: {  	_ =	shalt  }
0x51: {  	_ =	shalt  }
0x52: {  	_ =	shalt  }
0x53: {  	_ =	shalt  }
0x54: {  	_ =	shalt  }
0x55: {  	_ =	shalt  }
0x56: {  	_ =	shalt  }
0x57: {  	_ =	shalt  }
0x58: {  	_ =	shalt  }
0x59: {  	_ =	shalt  }
0x5a: {  	_ =	shalt  }
0x5b: {  	_ =	shalt  }
0x5c: {  	_ =	shalt  }
0x5d: {  	_ =	shalt  }
0x5e: {  	_ =	shalt  }
0x5f: {  	_ =	shalt  }
0x60: {  	_ =	shalt  }
0x61: {  	_ =	shalt  }
0x62: {  	_ =	shalt  }
0x63: {  	_ =	shalt  }
0x64: {  	_ =	shalt  }
0x65: {  	_ =	shalt  }
0x66: {  	_ =	shalt  }
0x67: {  	_ =	shalt  }
0x68: {  	_ =	shalt  }
0x69: {  	_ =	shalt  }
0x6a: {  	_ =	shalt  }
0x6b: {  	_ =	shalt  }
0x6c: {  	_ =	shalt  }
0x6d: {  	_ =	shalt  }
0x6e: {  	_ =	shalt  }
0x6f: {  	_ =	shalt  }
0x70: {  	_ =	shalt  }
0x71: {  	_ =	shalt  }
0x72: {  	_ =	shalt  }
0x73: {  	_ =	shalt  }
0x74: {  	_ =	shalt  }
0x75: {  	_ =	shalt  }
0x76: {  	_ =	shalt  }
0x77: {  	_ =	shalt  }
0x78: {  	_ =	shalt  }
0x79: {  	_ =	shalt  }
0x7a: {  	_ =	shalt  }
0x7b: {  	_ =	shalt  }
0x7c: {  	_ =	shalt  }
0x7d: {  	_ =	shalt  }
0x7e: {  	_ =	shalt  }
0x7f: {  	_ =	shalt  }
0x80: {  	_ =	shalt  }
0x81: {  	_ =	shalt  }
0x82: {  	_ =	shalt  }
0x83: {  	_ =	shalt  }
0x84: {  	_ =	shalt  }
0x85: {  	_ =	shalt  }
0x86: {  	_ =	shalt  }
0x87: {  	_ =	shalt  }
.Lfunc_end0:
.L_simem_size_0:
called_computation_lowered:
.L_overlay_start_0:
0x88: {  	s2 =	sld [smem:$0x3FD9]  }
0x89: {  	s3 =	sld [smem:$0x3FFE];
	_ =	sdelay $0x1  }
0x8a: {  	s1 =	srdreg.scid  }
0x8b: {  	s0 =	sand.u32 $0x1, s1  }
0x8c: {  	s18 =	sshll.u32 s0, $0xA;
	s2 =	sadd.s32 s3, s2  }
0x8d: {  	s2 =	sadd.s32 s2, s18  }
0x8e: {  	[smem:$0x3FC6] =	sst s2  }
0x8f: {  	_ = 	snop  }
0x90: {  	s2 =	sld [smem:$0x3FC9]  }
0x91: {  	s19 =	sld [smem:$0x3FC8]  }
0x92: {  	s4 =	sld [smem:$0x3FD0];
	(tm) =	ssettm $0x1  }
0x93: {  	s5 =	sld [smem:$0x3FFB];
	_ =	sdelay $0x3  }
0x94: {  	_ =	strace s5  }
0x95: {  	s5 =	sld [smem:$0x3FFC];
	_ =	sdelay $0x3  }
0x96: {  	_ =	strace s5  }
0x97: {  	s5 =	sld [smem:$0x3FFD];
	_ =	sdelay $0x3  }
0x98: {  	_ =	strace s5  }
0x99: {  	_ =	strace $0x8FFFFFFF  }
0x9a: {  	s20 =	sld [smem:$0x3FDB];
	_ =	sdelay $0x1  }
0x9b: {  	s6 =	simm.s32 $_scs_section_size  }
0x9c: {  	s7 =	simm.s32 $_size__tile_overlayer_lowered;
	s8 =	simm.s32 $_tile_overlayer_lowered  }
0x9d: {  	s23 =	simm.s32 $0x1BFF;
	s22 =	sshll.u32 s8, $0x1;
	s5 =	sadd.s32 s6, s20  }
0x9e: {  	s9 =	simm.s32 $0x0;
	s21 =	sshll.u32 s7, $0x1;
	s7 =	sadd.s32 s22, s5  }
0x9f: {  	[timem:s9], [sflag:s23] =	dma.local [hbm:s7], s21  }
0xa0: {  	_ =	swait.ge [sflag:s23], s21  }
0xa1: {  	s6 =	ssub.s32 $0x0, s21;
	[sflag:s23] =	ssyncset.done $0x0  }
0xa2: {  	[sflag:s23] =	ssyncadd.s32 s6;
	_ =	sdelay $0x1  }
0xa3: {  	s24 =	simm.s32 $0x1B8B  }
0xa4: {  	_ =	swait.ge [sflag:s24], $0x1  }
0xa5: {  	[sflag:s24] =	ssyncset.done $0x0  }
0xa6: {  	s25 =	simm.s32 $0x1B8E;
	[sflag:s24] =	ssyncadd.s32 $0xFFFFFFFF  }
0xa7: {  	s26 =	simm.s32 $execute0_lowered;
	[smem:$0x3FD2] =	sst s25  }
0xa8: {  	s6 =	sshll.u32 s26, $0x1;
	_ =	strace $0x80000046;
	[dreg:$0x1] =	wrdreg $0xFFFFFFFF  }
0xa9: {  	s28 =	simm.s32 $_size_execute0_lowered;
	s5 =	sadd.s32 s5, s6;
	[dreg:$0x0] =	wrdreg $0x0  }
0xaa: {  	s6 =	sshll.u32 s28, $0x1;
	[dreg:$0x2] =	wrdreg s5  }
0xab: {  	[dreg:$0x3] =	wrdreg s6  }
0xac: {  	[dreg:$0x4] =	wrdreg $0xC0  }
0xad: {  	_ =	task [dreg:s9], $0x5FFFF  }
0xae: {  	[dreg:$0x1] =	wrdreg $0xFFFFFFFF  }
0xaf: {  	[dreg:$0x0] =	wrdreg $0x60  }
0xb0: {  	[dreg:$0x2] =	wrdreg s2  }
0xb1: {  	[dreg:$0x3] =	wrdreg s19  }
0xb2: {  	[dreg:$0x4] =	wrdreg s4  }
0xb3: {  	[dreg:$0x5] =	wrdreg $0x9  }
0xb4: {  	_ =	task.clear_ibuf [dreg:s9], $0x6FFFF;
	_ =	strace $0x90000046  }
0xb5: {  	s29 =	simm.s32 $0x9;
	_ =	strace $0x80000048  }
0xb6: {  	_ =	swait.ge [sflag:s29], $0x1  }
0xb7: {  	[sflag:s29] =	ssyncadd.s32 $0xFFFFFFFF  }
0xb8: {  	_ =	strace $0x90000048  }
0xb9: {  	_ =	sfence  }
0xba: {  	s30 =	sld [smem:$0x0];
	_ =	sdelay $0x2  }
0xbb: {  	s31 =	sshll.u32 s1, $0xD;
	s1 =	sshrl.u32 s1, $0x2  }
0xbc: {  	s3 =	sand.u32 $0x4000, s31;
	s1 =	sadd.s32 s1, s30  }
0xbd: {  	s0 =	sor.u32 s3, s0;
	s1 =	sshll.u32 s1, $0x11  }
0xbe: {  	s0 =	sor.u32 s1, s0  }
0xbf: {  	s0 =	sadd.s32 $0x8F2B, s0  }
0xc0: {  	[sflag:s0] =	ssyncadd.remote.s32 $0x1  }
0xc1: {  	_ =	sfence.sel $0xFFFF  }
0xc2: {  	[dreg:$0x0] =	wrdreg $0xFFFFFFFF;
	(pc) =	sbr.abs _section_cstart, $3  }
0xc3: {  	[dreg:$0x1] =	wrdreg $0xFFFFFFFF  }
0xc4: {  	_ =	task.clear_ibuf [dreg:s9], $0x2FFFF;
	_ =	strace $0x9FFFFFFF  }
0xc5: {  	(tm) =	ssettm $0x7FFFFFFF  }
tec
execute0_lowered:
.L_overlay_start_1:
0x0: {  	(tag) =	ssettag $0x1  }
0x1: {  	s1 =	rddreg [dreg:$0x0]  }
0x2: {  	s0 =	rddreg [dreg:$0x1]  }
0x3: {  	s2 =	rddreg [dreg:$0x2];
	s3 =	srdreg.scid  }
0x4: {  	s4 =	simm.s32 $0x0;
	s5 =	stileid.u32;
	s3 =	sand.u32 $0x1, s3  }
0x5: {  	s5 =	sshll.u32 s5, $0x10;
	s6 =	ssub.s32 $0x2, s3;
	s3 =	sshll.u32 s3, $0xF  }
0x6: {  	[smem:$0x7FF] =	sst s4;
	s17 =	sadd.s32 $0x800, s0;
	s5 =	sor.u32 s3, s5  }
0x7: {  	_ =	strace $0x80000047;
	[dreg:$0x8] =	wrdreg s17;
	s14 =	sadd.s32 s0, s5  }
0x8: {  	s28 =	simm.s32 $0x2;
	s15 =	sadd.s32 s1, s5;
	[dreg:$0x4] =	wrdreg s14  }
0x9: {  	s29 =	simm.s32 $0x7;
	s16 =	sor.u32 $0x200000, s5;
	[dreg:$0x5] =	wrdreg s15  }
0xa: {  	s30 =	simm.s32 $0x3;
	s18 =	sor.u32 $0x300000, s5;
	[dreg:$0x7] =	wrdreg s16  }
0xb: {  	s31 =	simm.s32 $0x8;
	s20 =	sor.u32 $0x100800, s5;
	[dreg:$0x9] =	wrdreg s18  }
0xc: {  	s23 =	sadd.s32 $0x1000, s1;
	s22 =	sor.u32 $0x200800, s5;
	[dreg:$0xa] =	wrdreg s20  }
0xd: {  	s7 =	sshrl.u32 s6, $0x1;
	s8 =	sor.u32 $0x300800, s5;
	[dreg:$0xc] =	wrdreg s22  }
0xe: {  	s3 =	simm.s32 $0x9;
	s24 =	sadd.s32 s5, s23;
	[dreg:$0xd] =	wrdreg s8  }
0xf: {  	s13 =	ssub.s32 s6, s7;
	s26 =	sadd.s32 s5, s17;
	[dreg:$0xe] =	wrdreg s24  }
0x10: {  	s19 =	sor.u32 $0x100000, s5;
	s6 =	sadd.s32 $0x100000, s15;
	[dreg:$0x11] =	wrdreg s26  }
0x11: {  	s21 =	sadd.s32 s2, s19;
	s0 =	sadd.s32 s19, s23;
	[dreg:$0x6] =	wrdreg s6  }
0x12: {  	s25 =	smax.u32 s13, $0x1;
	s22 =	simm.s32 $0x8000;
	[dreg:$0xb] =	wrdreg s21  }
0x13: {  	s26 =	simm.s32 $0xC000;
	s20 =	simm.s32 $0x6;
	[dreg:$0xf] =	wrdreg s0  }
0x14: {  	s8 =	simm.s32 $0x0;
	[dreg:$0x10] =	wrdreg s25;
	s21 =	simm.s32 $0x4000  }
0x15: {  	s25 =	simm.s32 $0x1;
	s0 =	simm.s32 $0x4;
	s6 =	simm.s32 $0xA  }
.LBB2_1:
0x16: {  	[dreg:$0x12] =	wrdreg s8  }
0x17: {  	s7 =	rddreg [dreg:$0x4];
	s19 =	simm.s32 $0x10000  }
0x18: {  	[tilespmem:s19], [sflag:$0x5] =	stream.linear.gather [hbm4b:s7+s4], $0x4000, $0x38;
	[tilespmem:$0x18000] =	vst v63  }
0x19: {  	s23 =	rddreg [dreg:$0x5]  }
0x1a: {  	[tilespmem:s4], [sflag:$0x1] =	stream.linear.gather [hbm4b:s23+s4], $0x4000, $0x38;
	[tilespmem:$0x18000] =	vst v63  }
0x1b: {  	s24 =	rddreg [dreg:$0x6];
	s18 =	simm.s32 $0x0  }
0x1c: {  	[tilespmem:s21], [sflag:$0x2] =	stream.linear.gather [hbm4b:s24+s4], $0x4000, $0x38;
	[tilespmem:$0x18000] =	vst v63  }
.LBB2_2:
0x1d: {  	p0 =	seq.s32 s18, $0x0  }
0x1e: {  	s9 =	simm.s32 @!p0 $0x9  }
0x1f: {  	_ =	swait.ge @!p0 [sflag:s9], $0x4000  }
0x20: {  	s7 =	sshll.u32 s18, $0xC;
	s8 =	rddreg [dreg:$0x7]  }
0x21: {  	s10 =	simm.s32 $0x0;
	[sflag:s9] =	ssyncset.done @!p0 $0x0;
	s8 =	sor.u32 s8, s7  }
0x22: {  	s23 =	simm.s32 $0x5;
	[sflag:s9] =	ssyncadd.s32 @!p0 $0xFFFFC000;
	s19 =	sadd.s32 s1, s8  }
0x23: {  	[tilespmem:s22], [sflag:$0x3] =	stream.linear.gather [hbm4b:s19+s10], $0x4000, $0x38;
	[tilespmem:$0x18000] =	vst v63  }
0x24: {  	_ =	swait.ge [sflag:s23], $0x4000  }
0x25: {  	s11 =	sor.u32 s5, s7;
	[sflag:s23] =	ssyncset.done $0x0;
	s24 =	rddreg [dreg:$0x8]  }
0x26: {  	s12 =	simm.s32 $0x14000;
	[sflag:s23] =	ssyncadd.s32 $0xFFFFC000;
	s9 =	sadd.s32 s11, s24  }
0x27: {  	[tilespmem:s12], [sflag:$0x6] =	stream.linear.gather [hbm4b:s9+s10], $0x4000, $0x38;
	[tilespmem:$0x18000] =	vst v63  }
0x28: {  	_ =	swait.ge [sflag:s25], $0x4000  }
0x29: {  	s13 =	simm.s32 $0x0;
	[sflag:s25] =	ssyncset.done $0x0  }
0x2a: {  	s9 =	sshll.u32 s18, $0x3;
	s12 =	simm.s32 $0x0;
	[sflag:s25] =	ssyncadd.s32 $0xFFFFC000  }
.LBB2_3:
0x2b: {  	s14 =	sand.u32 $0x7, s12  }
0x2c: {  	s14 =	sshll.u32 s14, $0x9  }
0x2d: {  	s14 =	sshrl.u32 s14, $0x2  }
0x2e: {  	v0 =	vmov s14;
	_ =	sdelay $0x2  }
0x2f: {  	s15 =	sand.u32 $0x3FFFE000, s10  }
0x30: {  	s17 =	sadd.s32 $0x10040, s15  }
0x31: {  	v1 =	vld.idx.msk [tilespmem:v0+s17+$0xFFFFFFC0 ss:$0x1], $0xffff;
	_ =	sdelay $0x3  }
0x32: {  	s19 =	sadd.s32 s14, s15  }
0x33: {  	[tilespmem:s19+$0x0] =	vst.add.f32.msk $0xffff, v1  }
0x34: {  	v1 =	vld.idx.msk [tilespmem:v0+s17+$0xFFFFFFD0 ss:$0x1], $0xffff;
	_ =	sdelay $0x4  }
0x35: {  	[tilespmem:s19+$0x10] =	vst.add.f32.msk $0xffff, v1  }
0x36: {  	v1 =	vld.idx.msk [tilespmem:v0+s17+$0xFFFFFFE0 ss:$0x1], $0xffff;
	_ =	sdelay $0x4  }
0x37: {  	[tilespmem:s19+$0x20] =	vst.add.f32.msk $0xffff, v1  }
0x38: {  	v1 =	vld.idx.msk [tilespmem:v0+s17+$0xFFFFFFF0 ss:$0x1], $0xffff;
	_ =	sdelay $0x4  }
0x39: {  	[tilespmem:s19+$0x30] =	vst.add.f32.msk $0xffff, v1  }
0x3a: {  	v1 =	vld.idx.msk [tilespmem:v0+s17+$0x0 ss:$0x1], $0xffff;
	_ =	sdelay $0x4  }
0x3b: {  	[tilespmem:s19+$0x40] =	vst.add.f32.msk $0xffff, v1  }
0x3c: {  	v1 =	vld.idx.msk [tilespmem:v0+s17+$0x10 ss:$0x1], $0xffff;
	_ =	sdelay $0x4  }
0x3d: {  	[tilespmem:s19+$0x50] =	vst.add.f32.msk $0xffff, v1  }
0x3e: {  	v1 =	vld.idx.msk [tilespmem:v0+s17+$0x20 ss:$0x1], $0xffff;
	_ =	sdelay $0x4  }
0x3f: {  	[tilespmem:s19+$0x60] =	vst.add.f32.msk $0xffff, v1  }
0x40: {  	v1 =	vld.idx.msk [tilespmem:v0+s17+$0x30 ss:$0x1], $0xffff;
	_ =	sdelay $0x4  }
0x41: {  	s16 =	simm.s32 $0x0;
	s17 =	sadd.s32 $0x400, s17;
	[tilespmem:s19+$0x70] =	vst.add.f32.msk $0xffff, v1  }
.LBB2_4:
0x42: {  	v1 =	vld.idx.msk [tilespmem:v0+s17+$0xFFFFFFC0 ss:$0x1], $0xffff;
	s16 =	sadd.s32 $0x8, s16  }
0x43: {  	p1 =	slt.u32 s16, $0x38;
	_ =	sdelay $0x2  }
0x44: {  	s15 =	sadd.s32 $0x400, s15  }
0x45: {  	s19 =	sadd.s32 s14, s15  }
0x46: {  	[tilespmem:s19+$0x0] =	vst.add.f32.msk $0xffff, v1  }
0x47: {  	v1 =	vld.idx.msk [tilespmem:v0+s17+$0xFFFFFFD0 ss:$0x1], $0xffff;
	_ =	sdelay $0x5  }
0x48: {  	[tilespmem:s19+$0x10] =	vst.add.f32.msk $0xffff, v1  }
0x49: {  	v1 =	vld.idx.msk [tilespmem:v0+s17+$0xFFFFFFE0 ss:$0x1], $0xffff;
	_ =	sdelay $0x5  }
0x4a: {  	[tilespmem:s19+$0x20] =	vst.add.f32.msk $0xffff, v1  }
0x4b: {  	v1 =	vld.idx.msk [tilespmem:v0+s17+$0xFFFFFFF0 ss:$0x1], $0xffff;
	_ =	sdelay $0x5  }
0x4c: {  	[tilespmem:s19+$0x30] =	vst.add.f32.msk $0xffff, v1  }
0x4d: {  	v1 =	vld.idx.msk [tilespmem:v0+s17+$0x0 ss:$0x1], $0xffff;
	_ =	sdelay $0x5  }
0x4e: {  	[tilespmem:s19+$0x40] =	vst.add.f32.msk $0xffff, v1  }
0x4f: {  	v1 =	vld.idx.msk [tilespmem:v0+s17+$0x10 ss:$0x1], $0xffff;
	_ =	sdelay $0x5  }
0x50: {  	[tilespmem:s19+$0x50] =	vst.add.f32.msk $0xffff, v1  }
0x51: {  	v1 =	vld.idx.msk [tilespmem:v0+s17+$0x20 ss:$0x1], $0xffff;
	_ =	sdelay $0x5  }
0x52: {  	[tilespmem:s19+$0x60] =	vst.add.f32.msk $0xffff, v1  }
0x53: {  	v1 =	vld.idx.msk [tilespmem:v0+s17+$0x30 ss:$0x1], $0xffff;
	_ =	sdelay $0x1  }
.Ltmp0:
0x54: {  	(pc) =	sbr.rel @p1 .LBB2_4-.Ltmp0, $2  }
0x55: {  	_ =	sdelay $0x2  }
0x56: {  	s17 =	sadd.s32 $0x400, s17;
	[tilespmem:s19+$0x70] =	vst.add.f32.msk $0xffff, v1  }
0x57: {  	s13 =	sadd.s32 $0x1, s13  }
0x58: {  	p1 =	sne.s32 s13, $0x10  }
.Ltmp1:
0x59: {  	_ = 	snop;
	(pc) =	sbr.rel @p1 .LBB2_3-.Ltmp1, $2  }
0x5a: {  	_ =	sdelay $0x2  }
0x5b: {  	s12 =	sadd.s32 $0x1, s12;
	s10 =	sadd.s32 $0x400, s10  }
0x5c: {  	s10 =	sadd.s32 s2, s11  }
0x5d: {  	[hbm4b:s10+s4] =	stream.linear.scatter [tilespmem:s4], [sflag:$0x7], $0x4000, $0x38;
	[tilespmem:$0x18000] =	vst v63  }
0x5e: {  	s10 =	simm.s32 @!p0 $0xA  }
0x5f: {  	_ =	swait.ge @!p0 [sflag:s10], $0x4000  }
0x60: {  	s24 =	rddreg [dreg:$0x9]  }
0x61: {  	[sflag:s10] =	ssyncset.done @!p0 $0x0;
	s11 =	sor.u32 s24, s7  }
0x62: {  	[sflag:s10] =	ssyncadd.s32 @!p0 $0xFFFFC000;
	s10 =	simm.s32 $0x0;
	s12 =	sadd.s32 s1, s11  }
0x63: {  	[tilespmem:s26], [sflag:$0x4] =	stream.linear.gather [hbm4b:s12+s10], $0x4000, $0x38;
	[tilespmem:$0x18000] =	vst v63  }
0x64: {  	_ =	swait.ge [sflag:s28], $0x4000  }
0x65: {  	[sflag:s28] =	ssyncset.done $0x0  }
0x66: {  	s13 =	simm.s32 $0x0;
	s12 =	simm.s32 $0x0;
	[sflag:s28] =	ssyncadd.s32 $0xFFFFC000  }
.LBB2_7:
0x67: {  	s14 =	sand.u32 $0x7, s12  }
0x68: {  	s14 =	sshll.u32 s14, $0x9  }
0x69: {  	s14 =	sshrl.u32 s14, $0x2  }
0x6a: {  	v0 =	vmov s14;
	_ =	sdelay $0x2  }
0x6b: {  	s15 =	sand.u32 $0x3FFFE000, s10  }
0x6c: {  	s17 =	sadd.s32 $0x10040, s15  }
0x6d: {  	v1 =	vld.idx.msk [tilespmem:v0+s17+$0xFFFFFFC0 ss:$0x1], $0xffff;
	_ =	sdelay $0x2  }
0x6e: {  	s15 =	sadd.s32 $0x4000, s15  }
0x6f: {  	s19 =	sadd.s32 s14, s15  }
0x70: {  	[tilespmem:s19+$0x0] =	vst.add.f32.msk $0xffff, v1  }
0x71: {  	v1 =	vld.idx.msk [tilespmem:v0+s17+$0xFFFFFFD0 ss:$0x1], $0xffff;
	_ =	sdelay $0x4  }
0x72: {  	[tilespmem:s19+$0x10] =	vst.add.f32.msk $0xffff, v1  }
0x73: {  	v1 =	vld.idx.msk [tilespmem:v0+s17+$0xFFFFFFE0 ss:$0x1], $0xffff;
	_ =	sdelay $0x4  }
0x74: {  	[tilespmem:s19+$0x20] =	vst.add.f32.msk $0xffff, v1  }
0x75: {  	v1 =	vld.idx.msk [tilespmem:v0+s17+$0xFFFFFFF0 ss:$0x1], $0xffff;
	_ =	sdelay $0x4  }
0x76: {  	[tilespmem:s19+$0x30] =	vst.add.f32.msk $0xffff, v1  }
0x77: {  	v1 =	vld.idx.msk [tilespmem:v0+s17+$0x0 ss:$0x1], $0xffff;
	_ =	sdelay $0x4  }
0x78: {  	[tilespmem:s19+$0x40] =	vst.add.f32.msk $0xffff, v1  }
0x79: {  	v1 =	vld.idx.msk [tilespmem:v0+s17+$0x10 ss:$0x1], $0xffff;
	_ =	sdelay $0x4  }
0x7a: {  	[tilespmem:s19+$0x50] =	vst.add.f32.msk $0xffff, v1  }
0x7b: {  	v1 =	vld.idx.msk [tilespmem:v0+s17+$0x20 ss:$0x1], $0xffff;
	_ =	sdelay $0x4  }
0x7c: {  	[tilespmem:s19+$0x60] =	vst.add.f32.msk $0xffff, v1  }
0x7d: {  	v1 =	vld.idx.msk [tilespmem:v0+s17+$0x30 ss:$0x1], $0xffff;
	_ =	sdelay $0x4  }
0x7e: {  	s16 =	simm.s32 $0x0;
	s17 =	sadd.s32 $0x400, s17;
	[tilespmem:s19+$0x70] =	vst.add.f32.msk $0xffff, v1  }
.LBB2_8:
0x7f: {  	v1 =	vld.idx.msk [tilespmem:v0+s17+$0xFFFFFFC0 ss:$0x1], $0xffff;
	s16 =	sadd.s32 $0x8, s16  }
0x80: {  	p0 =	slt.u32 s16, $0x38;
	_ =	sdelay $0x2  }
0x81: {  	s15 =	sadd.s32 $0x400, s15  }
0x82: {  	s19 =	sadd.s32 s14, s15  }
0x83: {  	[tilespmem:s19+$0x0] =	vst.add.f32.msk $0xffff, v1  }
0x84: {  	v1 =	vld.idx.msk [tilespmem:v0+s17+$0xFFFFFFD0 ss:$0x1], $0xffff;
	_ =	sdelay $0x5  }
0x85: {  	[tilespmem:s19+$0x10] =	vst.add.f32.msk $0xffff, v1  }
0x86: {  	v1 =	vld.idx.msk [tilespmem:v0+s17+$0xFFFFFFE0 ss:$0x1], $0xffff;
	_ =	sdelay $0x5  }
0x87: {  	[tilespmem:s19+$0x20] =	vst.add.f32.msk $0xffff, v1  }
0x88: {  	v1 =	vld.idx.msk [tilespmem:v0+s17+$0xFFFFFFF0 ss:$0x1], $0xffff;
	_ =	sdelay $0x5  }
0x89: {  	[tilespmem:s19+$0x30] =	vst.add.f32.msk $0xffff, v1  }
0x8a: {  	v1 =	vld.idx.msk [tilespmem:v0+s17+$0x0 ss:$0x1], $0xffff;
	_ =	sdelay $0x5  }
0x8b: {  	[tilespmem:s19+$0x40] =	vst.add.f32.msk $0xffff, v1  }
0x8c: {  	v1 =	vld.idx.msk [tilespmem:v0+s17+$0x10 ss:$0x1], $0xffff;
	_ =	sdelay $0x5  }
0x8d: {  	[tilespmem:s19+$0x50] =	vst.add.f32.msk $0xffff, v1  }
0x8e: {  	v1 =	vld.idx.msk [tilespmem:v0+s17+$0x20 ss:$0x1], $0xffff;
	_ =	sdelay $0x5  }
0x8f: {  	[tilespmem:s19+$0x60] =	vst.add.f32.msk $0xffff, v1  }
0x90: {  	v1 =	vld.idx.msk [tilespmem:v0+s17+$0x30 ss:$0x1], $0xffff;
	_ =	sdelay $0x1  }
.Ltmp2:
0x91: {  	(pc) =	sbr.rel @p0 .LBB2_8-.Ltmp2, $2  }
0x92: {  	_ =	sdelay $0x2  }
0x93: {  	s17 =	sadd.s32 $0x400, s17;
	[tilespmem:s19+$0x70] =	vst.add.f32.msk $0xffff, v1  }
0x94: {  	s13 =	sadd.s32 $0x1, s13  }
0x95: {  	p0 =	sne.s32 s13, $0x10  }
.Ltmp3:
0x96: {  	_ = 	snop;
	(pc) =	sbr.rel @p0 .LBB2_7-.Ltmp3, $2  }
0x97: {  	_ =	sdelay $0x2  }
0x98: {  	s12 =	sadd.s32 $0x1, s12;
	s10 =	sadd.s32 $0x400, s10  }
0x99: {  	s10 =	rddreg [dreg:$0xb]  }
0x9a: {  	s13 =	simm.s32 $0x0;
	s10 =	sadd.s32 s7, s10  }
0x9b: {  	[hbm4b:s10+s13] =	stream.linear.scatter [tilespmem:s21], [sflag:$0x8], $0x4000, $0x38;
	[tilespmem:$0x18000] =	vst v63  }
0x9c: {  	s10 =	sor.u32 $0x4, s9  }
0x9d: {  	_ =	swait.ge [sflag:s29], $0x4000;
	s12 =	sshll.u32 s10, $0x9  }
0x9e: {  	[sflag:s29] =	ssyncset.done $0x0;
	s24 =	sadd.s32 s5, s12  }
0x9f: {  	[sflag:s29] =	ssyncadd.s32 $0xFFFFC000;
	s23 =	sadd.s32 s1, s24  }
0xa0: {  	[tilespmem:s13], [sflag:$0x1] =	stream.linear.gather [hbm4b:s23+s13], $0x4000, $0x38;
	[tilespmem:$0x18000] =	vst v63  }
0xa1: {  	_ =	swait.ge [sflag:s30], $0x4000  }
0xa2: {  	[sflag:s30] =	ssyncset.done $0x0  }
0xa3: {  	s14 =	simm.s32 $0x0;
	s9 =	simm.s32 $0x0;
	[sflag:s30] =	ssyncadd.s32 $0xFFFFC000  }
.LBB2_11:
0xa4: {  	s15 =	sand.u32 $0x7, s9  }
0xa5: {  	s15 =	sshll.u32 s15, $0x9  }
0xa6: {  	s15 =	sshrl.u32 s15, $0x2  }
0xa7: {  	v0 =	vmov s15;
	_ =	sdelay $0x2  }
0xa8: {  	s16 =	sand.u32 $0x3FFFE000, s13  }
0xa9: {  	s19 =	sadd.s32 $0x10040, s16  }
0xaa: {  	v1 =	vld.idx.msk [tilespmem:v0+s19+$0xFFFFFFC0 ss:$0x1], $0xffff;
	_ =	sdelay $0x2  }
0xab: {  	s16 =	sadd.s32 $0x8000, s16  }
0xac: {  	s23 =	sadd.s32 s15, s16  }
0xad: {  	[tilespmem:s23+$0x0] =	vst.add.f32.msk $0xffff, v1  }
0xae: {  	v1 =	vld.idx.msk [tilespmem:v0+s19+$0xFFFFFFD0 ss:$0x1], $0xffff;
	_ =	sdelay $0x4  }
0xaf: {  	[tilespmem:s23+$0x10] =	vst.add.f32.msk $0xffff, v1  }
0xb0: {  	v1 =	vld.idx.msk [tilespmem:v0+s19+$0xFFFFFFE0 ss:$0x1], $0xffff;
	_ =	sdelay $0x4  }
0xb1: {  	[tilespmem:s23+$0x20] =	vst.add.f32.msk $0xffff, v1  }
0xb2: {  	v1 =	vld.idx.msk [tilespmem:v0+s19+$0xFFFFFFF0 ss:$0x1], $0xffff;
	_ =	sdelay $0x4  }
0xb3: {  	[tilespmem:s23+$0x30] =	vst.add.f32.msk $0xffff, v1  }
0xb4: {  	v1 =	vld.idx.msk [tilespmem:v0+s19+$0x0 ss:$0x1], $0xffff;
	_ =	sdelay $0x4  }
0xb5: {  	[tilespmem:s23+$0x40] =	vst.add.f32.msk $0xffff, v1  }
0xb6: {  	v1 =	vld.idx.msk [tilespmem:v0+s19+$0x10 ss:$0x1], $0xffff;
	_ =	sdelay $0x4  }
0xb7: {  	[tilespmem:s23+$0x50] =	vst.add.f32.msk $0xffff, v1  }
0xb8: {  	v1 =	vld.idx.msk [tilespmem:v0+s19+$0x20 ss:$0x1], $0xffff;
	_ =	sdelay $0x4  }
0xb9: {  	[tilespmem:s23+$0x60] =	vst.add.f32.msk $0xffff, v1  }
0xba: {  	v1 =	vld.idx.msk [tilespmem:v0+s19+$0x30 ss:$0x1], $0xffff;
	_ =	sdelay $0x4  }
0xbb: {  	s17 =	simm.s32 $0x0;
	s19 =	sadd.s32 $0x400, s19;
	[tilespmem:s23+$0x70] =	vst.add.f32.msk $0xffff, v1  }
.LBB2_12:
0xbc: {  	v1 =	vld.idx.msk [tilespmem:v0+s19+$0xFFFFFFC0 ss:$0x1], $0xffff;
	s17 =	sadd.s32 $0x8, s17  }
0xbd: {  	p0 =	slt.u32 s17, $0x38;
	_ =	sdelay $0x2  }
0xbe: {  	s16 =	sadd.s32 $0x400, s16  }
0xbf: {  	s23 =	sadd.s32 s15, s16  }
0xc0: {  	[tilespmem:s23+$0x0] =	vst.add.f32.msk $0xffff, v1  }
0xc1: {  	v1 =	vld.idx.msk [tilespmem:v0+s19+$0xFFFFFFD0 ss:$0x1], $0xffff;
	_ =	sdelay $0x5  }
0xc2: {  	[tilespmem:s23+$0x10] =	vst.add.f32.msk $0xffff, v1  }
0xc3: {  	v1 =	vld.idx.msk [tilespmem:v0+s19+$0xFFFFFFE0 ss:$0x1], $0xffff;
	_ =	sdelay $0x5  }
0xc4: {  	[tilespmem:s23+$0x20] =	vst.add.f32.msk $0xffff, v1  }
0xc5: {  	v1 =	vld.idx.msk [tilespmem:v0+s19+$0xFFFFFFF0 ss:$0x1], $0xffff;
	_ =	sdelay $0x5  }
0xc6: {  	[tilespmem:s23+$0x30] =	vst.add.f32.msk $0xffff, v1  }
0xc7: {  	v1 =	vld.idx.msk [tilespmem:v0+s19+$0x0 ss:$0x1], $0xffff;
	_ =	sdelay $0x5  }
0xc8: {  	[tilespmem:s23+$0x40] =	vst.add.f32.msk $0xffff, v1  }
0xc9: {  	v1 =	vld.idx.msk [tilespmem:v0+s19+$0x10 ss:$0x1], $0xffff;
	_ =	sdelay $0x5  }
0xca: {  	[tilespmem:s23+$0x50] =	vst.add.f32.msk $0xffff, v1  }
0xcb: {  	v1 =	vld.idx.msk [tilespmem:v0+s19+$0x20 ss:$0x1], $0xffff;
	_ =	sdelay $0x5  }
0xcc: {  	[tilespmem:s23+$0x60] =	vst.add.f32.msk $0xffff, v1  }
0xcd: {  	v1 =	vld.idx.msk [tilespmem:v0+s19+$0x30 ss:$0x1], $0xffff;
	_ =	sdelay $0x1  }
.Ltmp4:
0xce: {  	(pc) =	sbr.rel @p0 .LBB2_12-.Ltmp4, $2  }
0xcf: {  	_ =	sdelay $0x2  }
0xd0: {  	s19 =	sadd.s32 $0x400, s19;
	[tilespmem:s23+$0x70] =	vst.add.f32.msk $0xffff, v1  }
0xd1: {  	s14 =	sadd.s32 $0x1, s14  }
0xd2: {  	p0 =	sne.s32 s14, $0x10  }
.Ltmp5:
0xd3: {  	_ = 	snop;
	(pc) =	sbr.rel @p0 .LBB2_11-.Ltmp5, $2  }
0xd4: {  	_ =	sdelay $0x2  }
0xd5: {  	s9 =	sadd.s32 $0x1, s9;
	s13 =	sadd.s32 $0x400, s13  }
0xd6: {  	s9 =	sadd.s32 s2, s8;
	s8 =	simm.s32 $0x0  }
0xd7: {  	[hbm4b:s9+s8] =	stream.linear.scatter [tilespmem:s22], [sflag:$0x9], $0x4000, $0x38;
	[tilespmem:$0x18000] =	vst v63  }
0xd8: {  	_ =	swait.ge [sflag:s31], $0x4000  }
0xd9: {  	s23 =	rddreg [dreg:$0xa]  }
0xda: {  	[sflag:s31] =	ssyncset.done $0x0;
	s9 =	sadd.s32 s23, s7  }
0xdb: {  	[sflag:s31] =	ssyncadd.s32 $0xFFFFC000;
	s13 =	sadd.s32 s1, s9  }
0xdc: {  	[tilespmem:s21], [sflag:$0x2] =	stream.linear.gather [hbm4b:s13+s8], $0x4000, $0x38;
	[tilespmem:$0x18000] =	vst v63  }
0xdd: {  	_ =	swait.ge [sflag:s0], $0x4000  }
0xde: {  	[sflag:s0] =	ssyncset.done $0x0  }
0xdf: {  	s14 =	simm.s32 $0x0;
	s13 =	simm.s32 $0x0;
	[sflag:s0] =	ssyncadd.s32 $0xFFFFC000  }
.LBB2_15:
0xe0: {  	s15 =	sand.u32 $0x7, s13  }
0xe1: {  	s15 =	sshll.u32 s15, $0x9  }
0xe2: {  	s15 =	sshrl.u32 s15, $0x2  }
0xe3: {  	v0 =	vmov s15;
	_ =	sdelay $0x2  }
0xe4: {  	s16 =	sand.u32 $0x3FFFE000, s8  }
0xe5: {  	s19 =	sadd.s32 $0x10040, s16  }
0xe6: {  	v1 =	vld.idx.msk [tilespmem:v0+s19+$0xFFFFFFC0 ss:$0x1], $0xffff;
	_ =	sdelay $0x2  }
0xe7: {  	s16 =	sadd.s32 $0xC000, s16  }
0xe8: {  	s23 =	sadd.s32 s15, s16  }
0xe9: {  	[tilespmem:s23+$0x0] =	vst.add.f32.msk $0xffff, v1  }
0xea: {  	v1 =	vld.idx.msk [tilespmem:v0+s19+$0xFFFFFFD0 ss:$0x1], $0xffff;
	_ =	sdelay $0x4  }
0xeb: {  	[tilespmem:s23+$0x10] =	vst.add.f32.msk $0xffff, v1  }
0xec: {  	v1 =	vld.idx.msk [tilespmem:v0+s19+$0xFFFFFFE0 ss:$0x1], $0xffff;
	_ =	sdelay $0x4  }
0xed: {  	[tilespmem:s23+$0x20] =	vst.add.f32.msk $0xffff, v1  }
0xee: {  	v1 =	vld.idx.msk [tilespmem:v0+s19+$0xFFFFFFF0 ss:$0x1], $0xffff;
	_ =	sdelay $0x4  }
0xef: {  	[tilespmem:s23+$0x30] =	vst.add.f32.msk $0xffff, v1  }
0xf0: {  	v1 =	vld.idx.msk [tilespmem:v0+s19+$0x0 ss:$0x1], $0xffff;
	_ =	sdelay $0x4  }
0xf1: {  	[tilespmem:s23+$0x40] =	vst.add.f32.msk $0xffff, v1  }
0xf2: {  	v1 =	vld.idx.msk [tilespmem:v0+s19+$0x10 ss:$0x1], $0xffff;
	_ =	sdelay $0x4  }
0xf3: {  	[tilespmem:s23+$0x50] =	vst.add.f32.msk $0xffff, v1  }
0xf4: {  	v1 =	vld.idx.msk [tilespmem:v0+s19+$0x20 ss:$0x1], $0xffff;
	_ =	sdelay $0x4  }
0xf5: {  	[tilespmem:s23+$0x60] =	vst.add.f32.msk $0xffff, v1  }
0xf6: {  	v1 =	vld.idx.msk [tilespmem:v0+s19+$0x30 ss:$0x1], $0xffff;
	_ =	sdelay $0x4  }
0xf7: {  	s17 =	simm.s32 $0x0;
	s19 =	sadd.s32 $0x400, s19;
	[tilespmem:s23+$0x70] =	vst.add.f32.msk $0xffff, v1  }
.LBB2_16:
0xf8: {  	v1 =	vld.idx.msk [tilespmem:v0+s19+$0xFFFFFFC0 ss:$0x1], $0xffff;
	s17 =	sadd.s32 $0x8, s17  }
0xf9: {  	p0 =	slt.u32 s17, $0x38;
	_ =	sdelay $0x2  }
0xfa: {  	s16 =	sadd.s32 $0x400, s16  }
0xfb: {  	s23 =	sadd.s32 s15, s16  }
0xfc: {  	[tilespmem:s23+$0x0] =	vst.add.f32.msk $0xffff, v1  }
0xfd: {  	v1 =	vld.idx.msk [tilespmem:v0+s19+$0xFFFFFFD0 ss:$0x1], $0xffff;
	_ =	sdelay $0x5  }
0xfe: {  	[tilespmem:s23+$0x10] =	vst.add.f32.msk $0xffff, v1  }
0xff: {  	v1 =	vld.idx.msk [tilespmem:v0+s19+$0xFFFFFFE0 ss:$0x1], $0xffff;
	_ =	sdelay $0x5  }
0x100: {  	[tilespmem:s23+$0x20] =	vst.add.f32.msk $0xffff, v1  }
0x101: {  	v1 =	vld.idx.msk [tilespmem:v0+s19+$0xFFFFFFF0 ss:$0x1], $0xffff;
	_ =	sdelay $0x5  }
0x102: {  	[tilespmem:s23+$0x30] =	vst.add.f32.msk $0xffff, v1  }
0x103: {  	v1 =	vld.idx.msk [tilespmem:v0+s19+$0x0 ss:$0x1], $0xffff;
	_ =	sdelay $0x5  }
0x104: {  	[tilespmem:s23+$0x40] =	vst.add.f32.msk $0xffff, v1  }
0x105: {  	v1 =	vld.idx.msk [tilespmem:v0+s19+$0x10 ss:$0x1], $0xffff;
	_ =	sdelay $0x5  }
0x106: {  	[tilespmem:s23+$0x50] =	vst.add.f32.msk $0xffff, v1  }
0x107: {  	v1 =	vld.idx.msk [tilespmem:v0+s19+$0x20 ss:$0x1], $0xffff;
	_ =	sdelay $0x5  }
0x108: {  	[tilespmem:s23+$0x60] =	vst.add.f32.msk $0xffff, v1  }
0x109: {  	v1 =	vld.idx.msk [tilespmem:v0+s19+$0x30 ss:$0x1], $0xffff;
	_ =	sdelay $0x1  }
.Ltmp6:
0x10a: {  	(pc) =	sbr.rel @p0 .LBB2_16-.Ltmp6, $2  }
0x10b: {  	_ =	sdelay $0x2  }
0x10c: {  	s19 =	sadd.s32 $0x400, s19;
	[tilespmem:s23+$0x70] =	vst.add.f32.msk $0xffff, v1  }
0x10d: {  	s14 =	sadd.s32 $0x1, s14  }
0x10e: {  	p0 =	sne.s32 s14, $0x10  }
.Ltmp7:
0x10f: {  	_ = 	snop;
	(pc) =	sbr.rel @p0 .LBB2_15-.Ltmp7, $2  }
0x110: {  	_ =	sdelay $0x2  }
0x111: {  	s13 =	sadd.s32 $0x1, s13;
	s8 =	sadd.s32 $0x400, s8  }
0x112: {  	s8 =	sadd.s32 s2, s11  }
0x113: {  	[hbm4b:s8+s4] =	stream.linear.scatter [tilespmem:s26], [sflag:$0xA], $0x4000, $0x38;
	[tilespmem:$0x18000] =	vst v63  }
0x114: {  	_ =	swait.ge [sflag:s3], $0x4000  }
0x115: {  	s19 =	rddreg [dreg:$0xc]  }
0x116: {  	[sflag:s3] =	ssyncset.done $0x0;
	s8 =	sadd.s32 s19, s7  }
0x117: {  	[sflag:s3] =	ssyncadd.s32 $0xFFFFC000;
	s23 =	sadd.s32 s1, s8  }
0x118: {  	[tilespmem:s22], [sflag:$0x3] =	stream.linear.gather [hbm4b:s23+s4], $0x4000, $0x38;
	[tilespmem:$0x18000] =	vst v63  }
0x119: {  	p0 =	sgt.u32 s10, $0x3B;
	_ =	swait.ge [sflag:s20], $0x4000  }
0x11a: {  	s11 =	simm.s32 @!p0 $0x0;
	[sflag:s20] =	ssyncset.done $0x0;
	s10 =	rddreg [dreg:$0x11]  }
0x11b: {  	[sflag:s20] =	ssyncadd.s32 $0xFFFFC000;
	s10 =	sadd.s32 @!p0 s10, s12;
	s12 =	simm.s32 @!p0 $0x10000  }
0x11c: {  	[tilespmem:s12], [sflag:$0x5] =	stream.linear.gather @!p0 [hbm4b:s10+s11], $0x4000, $0x38;
	[tilespmem:$0x18000] =	vst v63  }
0x11d: {  	_ =	swait.ge [sflag:s25], $0x4000  }
0x11e: {  	s10 =	simm.s32 $0x0;
	[sflag:s25] =	ssyncset.done $0x0  }
0x11f: {  	s11 =	simm.s32 $0x0;
	s12 =	simm.s32 $0x0;
	[sflag:s25] =	ssyncadd.s32 $0xFFFFC000  }
.LBB2_19:
0x120: {  	s13 =	sand.u32 $0x7, s11  }
0x121: {  	s13 =	sshll.u32 s13, $0x9  }
0x122: {  	s13 =	sshrl.u32 s13, $0x2  }
0x123: {  	v0 =	vmov s13;
	_ =	sdelay $0x2  }
0x124: {  	s14 =	sand.u32 $0x3FFFE000, s10  }
0x125: {  	s16 =	sadd.s32 $0x14040, s14  }
0x126: {  	v1 =	vld.idx.msk [tilespmem:v0+s16+$0xFFFFFFC0 ss:$0x1], $0xffff;
	_ =	sdelay $0x3  }
0x127: {  	s17 =	sadd.s32 s13, s14  }
0x128: {  	[tilespmem:s17+$0x0] =	vst.add.f32.msk $0xffff, v1  }
0x129: {  	v1 =	vld.idx.msk [tilespmem:v0+s16+$0xFFFFFFD0 ss:$0x1], $0xffff;
	_ =	sdelay $0x4  }
0x12a: {  	[tilespmem:s17+$0x10] =	vst.add.f32.msk $0xffff, v1  }
0x12b: {  	v1 =	vld.idx.msk [tilespmem:v0+s16+$0xFFFFFFE0 ss:$0x1], $0xffff;
	_ =	sdelay $0x4  }
0x12c: {  	[tilespmem:s17+$0x20] =	vst.add.f32.msk $0xffff, v1  }
0x12d: {  	v1 =	vld.idx.msk [tilespmem:v0+s16+$0xFFFFFFF0 ss:$0x1], $0xffff;
	_ =	sdelay $0x4  }
0x12e: {  	[tilespmem:s17+$0x30] =	vst.add.f32.msk $0xffff, v1  }
0x12f: {  	v1 =	vld.idx.msk [tilespmem:v0+s16+$0x0 ss:$0x1], $0xffff;
	_ =	sdelay $0x4  }
0x130: {  	[tilespmem:s17+$0x40] =	vst.add.f32.msk $0xffff, v1  }
0x131: {  	v1 =	vld.idx.msk [tilespmem:v0+s16+$0x10 ss:$0x1], $0xffff;
	_ =	sdelay $0x4  }
0x132: {  	[tilespmem:s17+$0x50] =	vst.add.f32.msk $0xffff, v1  }
0x133: {  	v1 =	vld.idx.msk [tilespmem:v0+s16+$0x20 ss:$0x1], $0xffff;
	_ =	sdelay $0x4  }
0x134: {  	[tilespmem:s17+$0x60] =	vst.add.f32.msk $0xffff, v1  }
0x135: {  	v1 =	vld.idx.msk [tilespmem:v0+s16+$0x30 ss:$0x1], $0xffff;
	_ =	sdelay $0x4  }
0x136: {  	s15 =	simm.s32 $0x0;
	s16 =	sadd.s32 $0x400, s16;
	[tilespmem:s17+$0x70] =	vst.add.f32.msk $0xffff, v1  }
.LBB2_20:
0x137: {  	v1 =	vld.idx.msk [tilespmem:v0+s16+$0xFFFFFFC0 ss:$0x1], $0xffff;
	s15 =	sadd.s32 $0x8, s15  }
0x138: {  	p0 =	slt.u32 s15, $0x38;
	_ =	sdelay $0x2  }
0x139: {  	s14 =	sadd.s32 $0x400, s14  }
0x13a: {  	s17 =	sadd.s32 s13, s14  }
0x13b: {  	[tilespmem:s17+$0x0] =	vst.add.f32.msk $0xffff, v1  }
0x13c: {  	v1 =	vld.idx.msk [tilespmem:v0+s16+$0xFFFFFFD0 ss:$0x1], $0xffff;
	_ =	sdelay $0x5  }
0x13d: {  	[tilespmem:s17+$0x10] =	vst.add.f32.msk $0xffff, v1  }
0x13e: {  	v1 =	vld.idx.msk [tilespmem:v0+s16+$0xFFFFFFE0 ss:$0x1], $0xffff;
	_ =	sdelay $0x5  }
0x13f: {  	[tilespmem:s17+$0x20] =	vst.add.f32.msk $0xffff, v1  }
0x140: {  	v1 =	vld.idx.msk [tilespmem:v0+s16+$0xFFFFFFF0 ss:$0x1], $0xffff;
	_ =	sdelay $0x5  }
0x141: {  	[tilespmem:s17+$0x30] =	vst.add.f32.msk $0xffff, v1  }
0x142: {  	v1 =	vld.idx.msk [tilespmem:v0+s16+$0x0 ss:$0x1], $0xffff;
	_ =	sdelay $0x5  }
0x143: {  	[tilespmem:s17+$0x40] =	vst.add.f32.msk $0xffff, v1  }
0x144: {  	v1 =	vld.idx.msk [tilespmem:v0+s16+$0x10 ss:$0x1], $0xffff;
	_ =	sdelay $0x5  }
0x145: {  	[tilespmem:s17+$0x50] =	vst.add.f32.msk $0xffff, v1  }
0x146: {  	v1 =	vld.idx.msk [tilespmem:v0+s16+$0x20 ss:$0x1], $0xffff;
	_ =	sdelay $0x5  }
0x147: {  	[tilespmem:s17+$0x60] =	vst.add.f32.msk $0xffff, v1  }
0x148: {  	v1 =	vld.idx.msk [tilespmem:v0+s16+$0x30 ss:$0x1], $0xffff;
	_ =	sdelay $0x1  }
.Ltmp8:
0x149: {  	(pc) =	sbr.rel @p0 .LBB2_20-.Ltmp8, $2  }
0x14a: {  	_ =	sdelay $0x2  }
0x14b: {  	s16 =	sadd.s32 $0x400, s16;
	[tilespmem:s17+$0x70] =	vst.add.f32.msk $0xffff, v1  }
0x14c: {  	s12 =	sadd.s32 $0x1, s12  }
0x14d: {  	p0 =	sne.s32 s12, $0x10  }
.Ltmp9:
0x14e: {  	_ = 	snop;
	(pc) =	sbr.rel @p0 .LBB2_19-.Ltmp9, $2  }
0x14f: {  	_ =	sdelay $0x2  }
0x150: {  	s11 =	sadd.s32 $0x1, s11;
	s10 =	sadd.s32 $0x400, s10  }
0x151: {  	s11 =	sadd.s32 s2, s24;
	s10 =	simm.s32 $0x0  }
0x152: {  	[hbm4b:s11+s10] =	stream.linear.scatter [tilespmem:s10], [sflag:$0x7], $0x4000, $0x38;
	[tilespmem:$0x18000] =	vst v63  }
0x153: {  	_ =	swait.ge [sflag:s6], $0x4000  }
0x154: {  	s24 =	rddreg [dreg:$0xd]  }
0x155: {  	[sflag:s6] =	ssyncset.done $0x0;
	s11 =	sadd.s32 s24, s7  }
0x156: {  	[sflag:s6] =	ssyncadd.s32 $0xFFFFC000;
	s12 =	sadd.s32 s1, s11  }
0x157: {  	[tilespmem:s26], [sflag:$0x4] =	stream.linear.gather [hbm4b:s12+s10], $0x4000, $0x38;
	[tilespmem:$0x18000] =	vst v63  }
0x158: {  	_ =	swait.ge [sflag:s28], $0x4000  }
0x159: {  	[sflag:s28] =	ssyncset.done $0x0  }
0x15a: {  	s13 =	simm.s32 $0x0;
	s12 =	simm.s32 $0x0;
	[sflag:s28] =	ssyncadd.s32 $0xFFFFC000  }
.LBB2_23:
0x15b: {  	s14 =	sand.u32 $0x7, s12  }
0x15c: {  	s14 =	sshll.u32 s14, $0x9  }
0x15d: {  	s14 =	sshrl.u32 s14, $0x2  }
0x15e: {  	v0 =	vmov s14;
	_ =	sdelay $0x2  }
0x15f: {  	s15 =	sand.u32 $0x3FFFE000, s10  }
0x160: {  	s17 =	sadd.s32 $0x14040, s15  }
0x161: {  	v1 =	vld.idx.msk [tilespmem:v0+s17+$0xFFFFFFC0 ss:$0x1], $0xffff;
	_ =	sdelay $0x2  }
0x162: {  	s15 =	sadd.s32 $0x4000, s15  }
0x163: {  	s19 =	sadd.s32 s14, s15  }
0x164: {  	[tilespmem:s19+$0x0] =	vst.add.f32.msk $0xffff, v1  }
0x165: {  	v1 =	vld.idx.msk [tilespmem:v0+s17+$0xFFFFFFD0 ss:$0x1], $0xffff;
	_ =	sdelay $0x4  }
0x166: {  	[tilespmem:s19+$0x10] =	vst.add.f32.msk $0xffff, v1  }
0x167: {  	v1 =	vld.idx.msk [tilespmem:v0+s17+$0xFFFFFFE0 ss:$0x1], $0xffff;
	_ =	sdelay $0x4  }
0x168: {  	[tilespmem:s19+$0x20] =	vst.add.f32.msk $0xffff, v1  }
0x169: {  	v1 =	vld.idx.msk [tilespmem:v0+s17+$0xFFFFFFF0 ss:$0x1], $0xffff;
	_ =	sdelay $0x4  }
0x16a: {  	[tilespmem:s19+$0x30] =	vst.add.f32.msk $0xffff, v1  }
0x16b: {  	v1 =	vld.idx.msk [tilespmem:v0+s17+$0x0 ss:$0x1], $0xffff;
	_ =	sdelay $0x4  }
0x16c: {  	[tilespmem:s19+$0x40] =	vst.add.f32.msk $0xffff, v1  }
0x16d: {  	v1 =	vld.idx.msk [tilespmem:v0+s17+$0x10 ss:$0x1], $0xffff;
	_ =	sdelay $0x4  }
0x16e: {  	[tilespmem:s19+$0x50] =	vst.add.f32.msk $0xffff, v1  }
0x16f: {  	v1 =	vld.idx.msk [tilespmem:v0+s17+$0x20 ss:$0x1], $0xffff;
	_ =	sdelay $0x4  }
0x170: {  	[tilespmem:s19+$0x60] =	vst.add.f32.msk $0xffff, v1  }
0x171: {  	v1 =	vld.idx.msk [tilespmem:v0+s17+$0x30 ss:$0x1], $0xffff;
	_ =	sdelay $0x4  }
0x172: {  	s16 =	simm.s32 $0x0;
	s17 =	sadd.s32 $0x400, s17;
	[tilespmem:s19+$0x70] =	vst.add.f32.msk $0xffff, v1  }
.LBB2_24:
0x173: {  	v1 =	vld.idx.msk [tilespmem:v0+s17+$0xFFFFFFC0 ss:$0x1], $0xffff;
	s16 =	sadd.s32 $0x8, s16  }
0x174: {  	p0 =	slt.u32 s16, $0x38;
	_ =	sdelay $0x2  }
0x175: {  	s15 =	sadd.s32 $0x400, s15  }
0x176: {  	s19 =	sadd.s32 s14, s15  }
0x177: {  	[tilespmem:s19+$0x0] =	vst.add.f32.msk $0xffff, v1  }
0x178: {  	v1 =	vld.idx.msk [tilespmem:v0+s17+$0xFFFFFFD0 ss:$0x1], $0xffff;
	_ =	sdelay $0x5  }
0x179: {  	[tilespmem:s19+$0x10] =	vst.add.f32.msk $0xffff, v1  }
0x17a: {  	v1 =	vld.idx.msk [tilespmem:v0+s17+$0xFFFFFFE0 ss:$0x1], $0xffff;
	_ =	sdelay $0x5  }
0x17b: {  	[tilespmem:s19+$0x20] =	vst.add.f32.msk $0xffff, v1  }
0x17c: {  	v1 =	vld.idx.msk [tilespmem:v0+s17+$0xFFFFFFF0 ss:$0x1], $0xffff;
	_ =	sdelay $0x5  }
0x17d: {  	[tilespmem:s19+$0x30] =	vst.add.f32.msk $0xffff, v1  }
0x17e: {  	v1 =	vld.idx.msk [tilespmem:v0+s17+$0x0 ss:$0x1], $0xffff;
	_ =	sdelay $0x5  }
0x17f: {  	[tilespmem:s19+$0x40] =	vst.add.f32.msk $0xffff, v1  }
0x180: {  	v1 =	vld.idx.msk [tilespmem:v0+s17+$0x10 ss:$0x1], $0xffff;
	_ =	sdelay $0x5  }
0x181: {  	[tilespmem:s19+$0x50] =	vst.add.f32.msk $0xffff, v1  }
0x182: {  	v1 =	vld.idx.msk [tilespmem:v0+s17+$0x20 ss:$0x1], $0xffff;
	_ =	sdelay $0x5  }
0x183: {  	[tilespmem:s19+$0x60] =	vst.add.f32.msk $0xffff, v1  }
0x184: {  	v1 =	vld.idx.msk [tilespmem:v0+s17+$0x30 ss:$0x1], $0xffff;
	_ =	sdelay $0x1  }
.Ltmp10:
0x185: {  	(pc) =	sbr.rel @p0 .LBB2_24-.Ltmp10, $2  }
0x186: {  	_ =	sdelay $0x2  }
0x187: {  	s17 =	sadd.s32 $0x400, s17;
	[tilespmem:s19+$0x70] =	vst.add.f32.msk $0xffff, v1  }
0x188: {  	s13 =	sadd.s32 $0x1, s13  }
0x189: {  	p0 =	sne.s32 s13, $0x10  }
.Ltmp11:
0x18a: {  	_ = 	snop;
	(pc) =	sbr.rel @p0 .LBB2_23-.Ltmp11, $2  }
0x18b: {  	_ =	sdelay $0x2  }
0x18c: {  	s12 =	sadd.s32 $0x1, s12;
	s10 =	sadd.s32 $0x400, s10  }
0x18d: {  	s9 =	sadd.s32 s2, s9  }
0x18e: {  	[hbm4b:s9+s4] =	stream.linear.scatter [tilespmem:s21], [sflag:$0x8], $0x4000, $0x38;
	[tilespmem:$0x18000] =	vst v63  }
0x18f: {  	_ =	swait.ge [sflag:s29], $0x4000  }
0x190: {  	p0 =	seq.s32 s18, $0x7;
	[sflag:s29] =	ssyncset.done $0x0;
	s9 =	rddreg [dreg:$0xe]  }
0x191: {  	s10 =	simm.s32 @!p0 $0x0;
	[sflag:s29] =	ssyncadd.s32 $0xFFFFC000;
	s9 =	sadd.s32 @!p0 s7, s9  }
0x192: {  	[tilespmem:s10], [sflag:$0x1] =	stream.linear.gather @!p0 [hbm4b:s9+s10], $0x4000, $0x38;
	[tilespmem:$0x18000] =	vst v63  }
0x193: {  	_ =	swait.ge [sflag:s30], $0x4000  }
0x194: {  	s12 =	simm.s32 $0x0;
	[sflag:s30] =	ssyncset.done $0x0  }
0x195: {  	s9 =	simm.s32 $0x0;
	s10 =	simm.s32 $0x0;
	[sflag:s30] =	ssyncadd.s32 $0xFFFFC000  }
.LBB2_27:
0x196: {  	s13 =	sand.u32 $0x7, s10  }
0x197: {  	s13 =	sshll.u32 s13, $0x9  }
0x198: {  	s13 =	sshrl.u32 s13, $0x2  }
0x199: {  	v0 =	vmov s13;
	_ =	sdelay $0x2  }
0x19a: {  	s14 =	sand.u32 $0x3FFFE000, s9  }
0x19b: {  	s16 =	sadd.s32 $0x14040, s14  }
0x19c: {  	v1 =	vld.idx.msk [tilespmem:v0+s16+$0xFFFFFFC0 ss:$0x1], $0xffff;
	_ =	sdelay $0x2  }
0x19d: {  	s14 =	sadd.s32 $0x8000, s14  }
0x19e: {  	s17 =	sadd.s32 s13, s14  }
0x19f: {  	[tilespmem:s17+$0x0] =	vst.add.f32.msk $0xffff, v1  }
0x1a0: {  	v1 =	vld.idx.msk [tilespmem:v0+s16+$0xFFFFFFD0 ss:$0x1], $0xffff;
	_ =	sdelay $0x4  }
0x1a1: {  	[tilespmem:s17+$0x10] =	vst.add.f32.msk $0xffff, v1  }
0x1a2: {  	v1 =	vld.idx.msk [tilespmem:v0+s16+$0xFFFFFFE0 ss:$0x1], $0xffff;
	_ =	sdelay $0x4  }
0x1a3: {  	[tilespmem:s17+$0x20] =	vst.add.f32.msk $0xffff, v1  }
0x1a4: {  	v1 =	vld.idx.msk [tilespmem:v0+s16+$0xFFFFFFF0 ss:$0x1], $0xffff;
	_ =	sdelay $0x4  }
0x1a5: {  	[tilespmem:s17+$0x30] =	vst.add.f32.msk $0xffff, v1  }
0x1a6: {  	v1 =	vld.idx.msk [tilespmem:v0+s16+$0x0 ss:$0x1], $0xffff;
	_ =	sdelay $0x4  }
0x1a7: {  	[tilespmem:s17+$0x40] =	vst.add.f32.msk $0xffff, v1  }
0x1a8: {  	v1 =	vld.idx.msk [tilespmem:v0+s16+$0x10 ss:$0x1], $0xffff;
	_ =	sdelay $0x4  }
0x1a9: {  	[tilespmem:s17+$0x50] =	vst.add.f32.msk $0xffff, v1  }
0x1aa: {  	v1 =	vld.idx.msk [tilespmem:v0+s16+$0x20 ss:$0x1], $0xffff;
	_ =	sdelay $0x4  }
0x1ab: {  	[tilespmem:s17+$0x60] =	vst.add.f32.msk $0xffff, v1  }
0x1ac: {  	v1 =	vld.idx.msk [tilespmem:v0+s16+$0x30 ss:$0x1], $0xffff;
	_ =	sdelay $0x4  }
0x1ad: {  	s15 =	simm.s32 $0x0;
	s16 =	sadd.s32 $0x400, s16;
	[tilespmem:s17+$0x70] =	vst.add.f32.msk $0xffff, v1  }
.LBB2_28:
0x1ae: {  	v1 =	vld.idx.msk [tilespmem:v0+s16+$0xFFFFFFC0 ss:$0x1], $0xffff;
	s15 =	sadd.s32 $0x8, s15  }
0x1af: {  	p1 =	slt.u32 s15, $0x38;
	_ =	sdelay $0x2  }
0x1b0: {  	s14 =	sadd.s32 $0x400, s14  }
0x1b1: {  	s17 =	sadd.s32 s13, s14  }
0x1b2: {  	[tilespmem:s17+$0x0] =	vst.add.f32.msk $0xffff, v1  }
0x1b3: {  	v1 =	vld.idx.msk [tilespmem:v0+s16+$0xFFFFFFD0 ss:$0x1], $0xffff;
	_ =	sdelay $0x5  }
0x1b4: {  	[tilespmem:s17+$0x10] =	vst.add.f32.msk $0xffff, v1  }
0x1b5: {  	v1 =	vld.idx.msk [tilespmem:v0+s16+$0xFFFFFFE0 ss:$0x1], $0xffff;
	_ =	sdelay $0x5  }
0x1b6: {  	[tilespmem:s17+$0x20] =	vst.add.f32.msk $0xffff, v1  }
0x1b7: {  	v1 =	vld.idx.msk [tilespmem:v0+s16+$0xFFFFFFF0 ss:$0x1], $0xffff;
	_ =	sdelay $0x5  }
0x1b8: {  	[tilespmem:s17+$0x30] =	vst.add.f32.msk $0xffff, v1  }
0x1b9: {  	v1 =	vld.idx.msk [tilespmem:v0+s16+$0x0 ss:$0x1], $0xffff;
	_ =	sdelay $0x5  }
0x1ba: {  	[tilespmem:s17+$0x40] =	vst.add.f32.msk $0xffff, v1  }
0x1bb: {  	v1 =	vld.idx.msk [tilespmem:v0+s16+$0x10 ss:$0x1], $0xffff;
	_ =	sdelay $0x5  }
0x1bc: {  	[tilespmem:s17+$0x50] =	vst.add.f32.msk $0xffff, v1  }
0x1bd: {  	v1 =	vld.idx.msk [tilespmem:v0+s16+$0x20 ss:$0x1], $0xffff;
	_ =	sdelay $0x5  }
0x1be: {  	[tilespmem:s17+$0x60] =	vst.add.f32.msk $0xffff, v1  }
0x1bf: {  	v1 =	vld.idx.msk [tilespmem:v0+s16+$0x30 ss:$0x1], $0xffff;
	_ =	sdelay $0x1  }
.Ltmp12:
0x1c0: {  	(pc) =	sbr.rel @p1 .LBB2_28-.Ltmp12, $2  }
0x1c1: {  	_ =	sdelay $0x2  }
0x1c2: {  	s16 =	sadd.s32 $0x400, s16;
	[tilespmem:s17+$0x70] =	vst.add.f32.msk $0xffff, v1  }
0x1c3: {  	s12 =	sadd.s32 $0x1, s12  }
0x1c4: {  	p1 =	sne.s32 s12, $0x10  }
.Ltmp13:
0x1c5: {  	_ = 	snop;
	(pc) =	sbr.rel @p1 .LBB2_27-.Ltmp13, $2  }
0x1c6: {  	_ =	sdelay $0x2  }
0x1c7: {  	s10 =	sadd.s32 $0x1, s10;
	s9 =	sadd.s32 $0x400, s9  }
0x1c8: {  	s8 =	sadd.s32 s2, s8  }
0x1c9: {  	[hbm4b:s8+s4] =	stream.linear.scatter [tilespmem:s22], [sflag:$0x9], $0x4000, $0x38;
	[tilespmem:$0x18000] =	vst v63  }
0x1ca: {  	_ =	swait.ge [sflag:s31], $0x4000  }
0x1cb: {  	s9 =	simm.s32 @!p0 $0x4000;
	[sflag:s31] =	ssyncset.done $0x0;
	s8 =	rddreg [dreg:$0xf]  }
0x1cc: {  	[sflag:s31] =	ssyncadd.s32 $0xFFFFC000;
	s7 =	sadd.s32 @!p0 s7, s8;
	s8 =	simm.s32 @!p0 $0x0  }
0x1cd: {  	[tilespmem:s9], [sflag:$0x2] =	stream.linear.gather @!p0 [hbm4b:s7+s8], $0x4000, $0x38;
	[tilespmem:$0x18000] =	vst v63  }
0x1ce: {  	_ =	swait.ge [sflag:s0], $0x4000  }
0x1cf: {  	s7 =	simm.s32 $0x0;
	[sflag:s0] =	ssyncset.done $0x0  }
0x1d0: {  	s8 =	simm.s32 $0x0;
	s9 =	simm.s32 $0x0;
	[sflag:s0] =	ssyncadd.s32 $0xFFFFC000  }
.LBB2_31:
0x1d1: {  	s10 =	sand.u32 $0x7, s8  }
0x1d2: {  	s10 =	sshll.u32 s10, $0x9  }
0x1d3: {  	s10 =	sshrl.u32 s10, $0x2  }
0x1d4: {  	v0 =	vmov s10;
	_ =	sdelay $0x2  }
0x1d5: {  	s12 =	sand.u32 $0x3FFFE000, s7  }
0x1d6: {  	s14 =	sadd.s32 $0x14040, s12  }
0x1d7: {  	v1 =	vld.idx.msk [tilespmem:v0+s14+$0xFFFFFFC0 ss:$0x1], $0xffff;
	_ =	sdelay $0x2  }
0x1d8: {  	s12 =	sadd.s32 $0xC000, s12  }
0x1d9: {  	s15 =	sadd.s32 s10, s12  }
0x1da: {  	[tilespmem:s15+$0x0] =	vst.add.f32.msk $0xffff, v1  }
0x1db: {  	v1 =	vld.idx.msk [tilespmem:v0+s14+$0xFFFFFFD0 ss:$0x1], $0xffff;
	_ =	sdelay $0x4  }
0x1dc: {  	[tilespmem:s15+$0x10] =	vst.add.f32.msk $0xffff, v1  }
0x1dd: {  	v1 =	vld.idx.msk [tilespmem:v0+s14+$0xFFFFFFE0 ss:$0x1], $0xffff;
	_ =	sdelay $0x4  }
0x1de: {  	[tilespmem:s15+$0x20] =	vst.add.f32.msk $0xffff, v1  }
0x1df: {  	v1 =	vld.idx.msk [tilespmem:v0+s14+$0xFFFFFFF0 ss:$0x1], $0xffff;
	_ =	sdelay $0x4  }
0x1e0: {  	[tilespmem:s15+$0x30] =	vst.add.f32.msk $0xffff, v1  }
0x1e1: {  	v1 =	vld.idx.msk [tilespmem:v0+s14+$0x0 ss:$0x1], $0xffff;
	_ =	sdelay $0x4  }
0x1e2: {  	[tilespmem:s15+$0x40] =	vst.add.f32.msk $0xffff, v1  }
0x1e3: {  	v1 =	vld.idx.msk [tilespmem:v0+s14+$0x10 ss:$0x1], $0xffff;
	_ =	sdelay $0x4  }
0x1e4: {  	[tilespmem:s15+$0x50] =	vst.add.f32.msk $0xffff, v1  }
0x1e5: {  	v1 =	vld.idx.msk [tilespmem:v0+s14+$0x20 ss:$0x1], $0xffff;
	_ =	sdelay $0x4  }
0x1e6: {  	[tilespmem:s15+$0x60] =	vst.add.f32.msk $0xffff, v1  }
0x1e7: {  	v1 =	vld.idx.msk [tilespmem:v0+s14+$0x30 ss:$0x1], $0xffff;
	_ =	sdelay $0x4  }
0x1e8: {  	s13 =	simm.s32 $0x0;
	s14 =	sadd.s32 $0x400, s14;
	[tilespmem:s15+$0x70] =	vst.add.f32.msk $0xffff, v1  }
.LBB2_32:
0x1e9: {  	v1 =	vld.idx.msk [tilespmem:v0+s14+$0xFFFFFFC0 ss:$0x1], $0xffff;
	s13 =	sadd.s32 $0x8, s13  }
0x1ea: {  	p0 =	slt.u32 s13, $0x38;
	_ =	sdelay $0x2  }
0x1eb: {  	s12 =	sadd.s32 $0x400, s12  }
0x1ec: {  	s15 =	sadd.s32 s10, s12  }
0x1ed: {  	[tilespmem:s15+$0x0] =	vst.add.f32.msk $0xffff, v1  }
0x1ee: {  	v1 =	vld.idx.msk [tilespmem:v0+s14+$0xFFFFFFD0 ss:$0x1], $0xffff;
	_ =	sdelay $0x5  }
0x1ef: {  	[tilespmem:s15+$0x10] =	vst.add.f32.msk $0xffff, v1  }
0x1f0: {  	v1 =	vld.idx.msk [tilespmem:v0+s14+$0xFFFFFFE0 ss:$0x1], $0xffff;
	_ =	sdelay $0x5  }
0x1f1: {  	[tilespmem:s15+$0x20] =	vst.add.f32.msk $0xffff, v1  }
0x1f2: {  	v1 =	vld.idx.msk [tilespmem:v0+s14+$0xFFFFFFF0 ss:$0x1], $0xffff;
	_ =	sdelay $0x5  }
0x1f3: {  	[tilespmem:s15+$0x30] =	vst.add.f32.msk $0xffff, v1  }
0x1f4: {  	v1 =	vld.idx.msk [tilespmem:v0+s14+$0x0 ss:$0x1], $0xffff;
	_ =	sdelay $0x5  }
0x1f5: {  	[tilespmem:s15+$0x40] =	vst.add.f32.msk $0xffff, v1  }
0x1f6: {  	v1 =	vld.idx.msk [tilespmem:v0+s14+$0x10 ss:$0x1], $0xffff;
	_ =	sdelay $0x5  }
0x1f7: {  	[tilespmem:s15+$0x50] =	vst.add.f32.msk $0xffff, v1  }
0x1f8: {  	v1 =	vld.idx.msk [tilespmem:v0+s14+$0x20 ss:$0x1], $0xffff;
	_ =	sdelay $0x5  }
0x1f9: {  	[tilespmem:s15+$0x60] =	vst.add.f32.msk $0xffff, v1  }
0x1fa: {  	v1 =	vld.idx.msk [tilespmem:v0+s14+$0x30 ss:$0x1], $0xffff;
	_ =	sdelay $0x1  }
.Ltmp14:
0x1fb: {  	(pc) =	sbr.rel @p0 .LBB2_32-.Ltmp14, $2  }
0x1fc: {  	_ =	sdelay $0x2  }
0x1fd: {  	s14 =	sadd.s32 $0x400, s14;
	[tilespmem:s15+$0x70] =	vst.add.f32.msk $0xffff, v1  }
0x1fe: {  	s9 =	sadd.s32 $0x1, s9  }
0x1ff: {  	p0 =	sne.s32 s9, $0x10  }
.Ltmp15:
0x200: {  	_ = 	snop;
	(pc) =	sbr.rel @p0 .LBB2_31-.Ltmp15, $2  }
0x201: {  	_ =	sdelay $0x2  }
0x202: {  	s8 =	sadd.s32 $0x1, s8;
	s7 =	sadd.s32 $0x400, s7  }
0x203: {  	s18 =	sadd.s32 $0x1, s18  }
0x204: {  	p0 =	sne.s32 s18, $0x8  }
.Ltmp16:
0x205: {  	_ = 	snop;
	(pc) =	sbr.rel @p0 .LBB2_2-.Ltmp16, $3  }
0x206: {  	_ =	sdelay $0x1  }
0x207: {  	s7 =	sadd.s32 s2, s11  }
0x208: {  	[hbm4b:s7+s4] =	stream.linear.scatter [tilespmem:s26], [sflag:$0xA], $0x4000, $0x38;
	[tilespmem:$0x18000] =	vst v63  }
0x209: {  	_ =	swait.ge [sflag:s3], $0x4000  }
0x20a: {  	[sflag:s3] =	ssyncset.done $0x0  }
0x20b: {  	[sflag:s3] =	ssyncadd.s32 $0xFFFFC000  }
0x20c: {  	_ =	swait.ge [sflag:s6], $0x4000  }
0x20d: {  	s8 =	rddreg [dreg:$0x12]  }
0x20e: {  	s7 =	rddreg [dreg:$0x10];
	s8 =	sadd.s32 $0x1, s8  }
0x20f: {  	p0 =	sne.s32 s8, s7  }
.Ltmp17:
0x210: {  	_ = 	snop;
	(pc) =	sbr.rel @p0 .LBB2_1-.Ltmp17, $3  }
0x211: {  	_ =	sdelay $0x1  }
0x212: {  	[sflag:s6] =	ssyncset.done $0x0  }
0x213: {  	[sflag:s6] =	ssyncadd.s32 $0xFFFFC000  }
0x214: {  	_ =	sfence.sel $0x180000  }
0x215: {  	[bflag:$0x0] =	sbarrier.arrive $0xFFFF  }
0x216: {  	_ =	strace $0x90000047  }
0x217: {  	s0 =	stileid.u32;
	[bflag:$0x2] =	sbarrier.arrive $0xFFFF  }
0x218: {  	p0 =	sne.s32 s0, $0x0;
	s0 =	rddreg [dreg:$0x3]  }
0x219: {  	s0 =	sadd.s32 @!p0 $0x100000, s0  }
0x21a: {  	[sflag:s0] =	ssyncadd.tile.s32 @!p0 $0x1;
	_ =	shalt  }
.Lfunc_end2:
_tile_overlayer_lowered:
.L_overlay_start_2:
0x21b: {  	(tag) =	ssettag $0x2  }
0x21c: {  	s0 =	rddreg [dreg:$0x0];
	s2 =	stileid.u32  }
0x21d: {  	s1 =	rddreg [dreg:$0x1];
	p0 =	sne.s32 s2, $0x0  }
0x21e: {  	s3 =	rddreg [dreg:$0x2];
	[bflag:$0x3] =	sbarrier.arrive $0xFFFF;
	s2 =	simm.s32 @!p0 $0x1C0B  }
0x21f: {  	[timem:s3], [sflag:s2] =	dma.local @!p0 [hbm:s0], s1  }
0x220: {  	s0 =	simm.s32 @!p0 $0xB  }
0x221: {  	_ =	swait.ge @!p0 [sflag:s0], s1  }
0x222: {  	s1 =	ssub.s32 @!p0 $0x0, s1;
	[sflag:s0] =	ssyncset.done @!p0 $0x0  }
0x223: {  	[sflag:s0] =	ssyncadd.s32 @!p0 s1  }
0x224: {  	[bflag:$0x3] =	sbarrier.arrive $0xFFFF  }
0x225: {  	_ =	shalt  }

</sc_bundles>
